<compile_context>
chip_gen: v7x
topology: tpu7x:2x2x1
jax: 0.10.2.dev20260603
libtpu: 0.0.44.dev20260713+nightly
codegen_flags: <defaults>
</compile_context>

<pallas_src>
import functools
import math

import jax
import jax.numpy as jnp
from jax import lax
from jax.experimental import pallas as pl
from jax.experimental.pallas import tpu as pltpu
from jax.experimental.pallas import tpu_sc as plsc

D_MODEL = 128
LANES = 16
GROUPS = D_MODEL // LANES
NUM_CORES = 2
NUM_SUBCORES = 16
NW = NUM_CORES * NUM_SUBCORES
SCALE = math.sqrt(D_MODEL)


@functools.partial(jax.jit, static_argnums=(3, 4))
def _embed_sc(tokens, weights, bias, n_chunks, chunk):
    b_rows, s_cols = tokens.shape
    b_per_w = n_chunks * chunk
    w_per_b = s_cols // b_per_w
    mesh = plsc.VectorSubcoreMesh(core_axis_name="c", subcore_axis_name="s")
    nbuf = 7

    @functools.partial(
        pl.kernel,
        mesh=mesh,
        out_type=jax.ShapeDtypeStruct((b_rows, s_cols, D_MODEL), jnp.float32),
        scratch_types=[
            pltpu.VMEM((b_per_w,), jnp.int32),
            pltpu.VMEM((nbuf, chunk, D_MODEL), jnp.float32),
            pltpu.VMEM((D_MODEL,), jnp.float32),
        ]
        + [pltpu.SemaphoreType.DMA] * (2 * nbuf),
    )
    def k(tok_hbm, tab_hbm, bias_hbm, out_hbm, idx_v, rows_v, bias_v, *sems):
        gsems, ssems = sems[:nbuf], sems[nbuf:]
        wid = lax.axis_index("s") * NUM_CORES + lax.axis_index("c")
        batch = wid // w_per_b
        col0 = (wid % w_per_b) * b_per_w
        pltpu.sync_copy(tok_hbm.at[batch, pl.ds(col0, b_per_w)], idx_v)
        pltpu.sync_copy(bias_hbm, bias_v)
        bias_regs = [bias_v[pl.ds(j * LANES, LANES)] for j in range(GROUPS)]

        def start_gather(g):
            b = g % nbuf
            return pltpu.async_copy(
                tab_hbm.at[idx_v.at[pl.ds(g * chunk, chunk)]],
                rows_v.at[b],
                gsems[b],
            )

        gather_h = [None] * n_chunks
        store_h = [None] * n_chunks
        store_waited = [False] * n_chunks
        for g in range(min(nbuf - 1, n_chunks)):
            gather_h[g] = start_gather(g)

        for g in range(n_chunks):
            b = g % nbuf
            ng = g + nbuf - 1
            if ng < n_chunks:
                prev = ng - nbuf
                if prev >= 0 and store_h[prev] is not None and not store_waited[prev]:
                    store_h[prev].wait()
                    store_waited[prev] = True
                gather_h[ng] = start_gather(ng)
            gather_h[g].wait()

            @plsc.parallel_loop(0, chunk, unroll=1)
            def _(r):
                for j in range(GROUPS):
                    sl = pl.ds(j * LANES, LANES)
                    rows_v[b, r, sl] = rows_v[b, r, sl] * SCALE + bias_regs[j]

            store_h[g] = pltpu.async_copy(
                rows_v.at[b],
                out_hbm.at[batch, pl.ds(col0 + g * chunk, chunk)],
                ssems[b],
            )

        for g in range(n_chunks):
            if store_h[g] is not None and not store_waited[g]:
                store_h[g].wait()

    return k(tokens, weights, bias)


def kernel(tokens, embed_weights, embed_bias):
    b, s = tokens.shape
    total = b * s
    chunk = 128
    b_per_w = total // NW
    n_chunks = b_per_w // chunk
    return _embed_sc(tokens.astype(jnp.int32), embed_weights, embed_bias, n_chunks, chunk)

# --- scband reference (transcript-rebuilt; emitter-appended) ---
"""Pipeline reference for scband-embed-49933289783582 (READ-ONLY COPY).

The authoritative reference and input builder live on the scoring server;
editing this copy changes nothing except your own understanding.
"""

import math
import jax, jax.numpy as jnp
import numpy as np

D_VOCAB = 100000
D_MODEL = 128

def setup_inputs(seed: int = 0) -> dict:
    key = jax.random.key(seed)
    k_tok, k_w, k_b = jax.random.split(key, 3)
    tokens = jax.random.randint(k_tok, (4, 8192), 0, D_VOCAB, dtype=jnp.int64 if jax.config.jax_enable_x64 else jnp.int32)
    embed_weights = jax.random.normal(k_w, (D_VOCAB, D_MODEL), dtype=jnp.float32) * 0.02
    embed_bias = jax.random.normal(k_b, (D_MODEL,), dtype=jnp.float32) * 0.02
    return {"tokens": tokens, "embed_weights": embed_weights, "embed_bias": embed_bias}

def reference(tokens, embed_weights, embed_bias):
    # Faithful translation of Embed.forward:
    # embed_pre_bias = self.embed_weights[tokens, :]
    # return embed_pre_bias * math.sqrt(self.d_model) + self.embed_bias
    embed_pre_bias = jnp.take(embed_weights, tokens, axis=0)
    return embed_pre_bias * math.sqrt(D_MODEL) + embed_bias

if __name__ == "__main__":
    import jax
    _d = setup_inputs()
    print(jax.jit(kernel)(*tuple(_d.values())))

</pallas_src>

<mosaic_0001>
#map = affine_map<(d0, d1) -> (0, 0)>
#map1 = affine_map<(d0, d1) -> (0)>
#map2 = affine_map<(d0, d1) -> (0, 0, 0)>
module attributes {stable_mosaic.version = 14 : i64} {
  func.func @k(%arg0: i32, %arg1: i32, %arg2: memref<4x8192xi32, #tpu.memory_space<hbm>>, %arg3: memref<100000x128xf32, #tpu.memory_space<hbm>>, %arg4: memref<128xf32, #tpu.memory_space<hbm>>, %arg5: memref<4x8192x128xf32, #tpu.memory_space<hbm>>, %arg6: memref<1024xi32, #tpu.memory_space<vmem>>, %arg7: memref<7x128x128xf32, #tpu.memory_space<vmem>>, %arg8: memref<128xf32, #tpu.memory_space<vmem>>, %arg9: memref<!tpu.dma_semaphore, #tpu.memory_space<semaphore_mem>>, %arg10: memref<!tpu.dma_semaphore, #tpu.memory_space<semaphore_mem>>, %arg11: memref<!tpu.dma_semaphore, #tpu.memory_space<semaphore_mem>>, %arg12: memref<!tpu.dma_semaphore, #tpu.memory_space<semaphore_mem>>, %arg13: memref<!tpu.dma_semaphore, #tpu.memory_space<semaphore_mem>>, %arg14: memref<!tpu.dma_semaphore, #tpu.memory_space<semaphore_mem>>, %arg15: memref<!tpu.dma_semaphore, #tpu.memory_space<semaphore_mem>>, %arg16: memref<!tpu.dma_semaphore, #tpu.memory_space<semaphore_mem>>, %arg17: memref<!tpu.dma_semaphore, #tpu.memory_space<semaphore_mem>>, %arg18: memref<!tpu.dma_semaphore, #tpu.memory_space<semaphore_mem>>, %arg19: memref<!tpu.dma_semaphore, #tpu.memory_space<semaphore_mem>>, %arg20: memref<!tpu.dma_semaphore, #tpu.memory_space<semaphore_mem>>, %arg21: memref<!tpu.dma_semaphore, #tpu.memory_space<semaphore_mem>>, %arg22: memref<!tpu.dma_semaphore, #tpu.memory_space<semaphore_mem>>) attributes {dimension_semantics = [#tpu.dimension_semantics<core_parallel>, #tpu.dimension_semantics<subcore_parallel>], iteration_bounds = array<i64: 2, 16>, scalar_prefetch = 0 : i64, scratch_operands = 17 : i64, tpu.core_type = #tpu.core_type<sc_vector_subcore>, window_params = [{transform_indices = #map}, {transform_indices = #map}, {transform_indices = #map1}, {transform_indices = #map2}]} {
    %mul3A = arith.constant 2 : i32
    %mul3A_0 = arith.muli %arg1, %mul3A : i32
    %add3A = arith.addi %mul3A_0, %arg0 : i32
    %jit3A = arith.constant 8 : i32
    %div3A = arith.divsi %add3A, %jit3A : i32
    %sign3A = arith.constant 0 : i32
    %sign3A_1 = arith.cmpi sgt, %add3A, %sign3A : i32
    %sign3A_2 = arith.extui %sign3A_1 : i1 to i32
    %sign3A_3 = arith.constant 0 : i32
    %sign3A_4 = arith.cmpi slt, %add3A, %sign3A_3 : i32
    %sign3A_5 = arith.extui %sign3A_4 : i1 to i32
    %sign3A_6 = arith.subi %sign3A_2, %sign3A_5 : i32
    %sign3A_7 = arith.constant 0 : i32
    %sign3A_8 = arith.cmpi sgt, %jit3A, %sign3A_7 : i32
    %sign3A_9 = arith.extui %sign3A_8 : i1 to i32
    %sign3A_10 = arith.constant 0 : i32
    %sign3A_11 = arith.cmpi slt, %jit3A, %sign3A_10 : i32
    %sign3A_12 = arith.extui %sign3A_11 : i1 to i32
    %sign3A_13 = arith.subi %sign3A_9, %sign3A_12 : i32
    %ne3A = arith.cmpi ne, %sign3A_6, %sign3A_13 : i32
    %rem3A = arith.remsi %add3A, %jit3A : i32
    %ne3A_14 = arith.constant 0 : i32
    %ne3A_15 = arith.cmpi ne, %rem3A, %ne3A_14 : i32
    %and3A = arith.andi %ne3A, %ne3A_15 : i1
    %sub3A = arith.constant 1 : i32
    %sub3A_16 = arith.subi %div3A, %sub3A : i32
    %select_n3A = arith.select %and3A, %sub3A_16, %div3A : i32
    %jit3A_17 = arith.constant 8 : i32
    %eq3A = arith.constant 0 : i32
    %eq3A_18 = arith.cmpi eq, %jit3A_17, %eq3A : i32
    %jit3A_19 = arith.constant 1 : i32
    %select_n3A_20 = arith.select %eq3A_18, %jit3A_19, %jit3A_17 : i32
    %rem3A_21 = arith.remsi %add3A, %select_n3A_20 : i32
    %ne3A_22 = arith.constant 0 : i32
    %ne3A_23 = arith.cmpi ne, %rem3A_21, %ne3A_22 : i32
    %lt3A = arith.constant 0 : i32
    %lt3A_24 = arith.cmpi slt, %rem3A_21, %lt3A : i32
    %lt3A_25 = arith.constant 0 : i32
    %lt3A_26 = arith.cmpi slt, %select_n3A_20, %lt3A_25 : i32
    %ne3A_27 = arith.xori %lt3A_24, %lt3A_26 : i1
    %and3A_28 = arith.andi %ne3A_27, %ne3A_23 : i1
    %add3A_29 = arith.addi %rem3A_21, %select_n3A_20 : i32
    %select_n3A_30 = arith.select %and3A_28, %add3A_29, %rem3A_21 : i32
    %mul3A_31 = arith.constant 1024 : i32
    %mul3A_32 = arith.muli %select_n3A_30, %mul3A_31 : i32
    "tpu.region"() ({
      %run_scoped3A = tpu.sem_alloc : memref<!tpu.dma_semaphore, #tpu.memory_space<semaphore_mem>>
      %dma_start3A_493 = tpu.memref_slice %arg2[%select_n3A, %mul3A_32] : memref<4x8192xi32, #tpu.memory_space<hbm>> -> memref<1x1024xi32, #tpu.memory_space<hbm>>
      %dma_start3A_494 = tpu.memref_squeeze %dma_start3A_493 : memref<1x1024xi32, #tpu.memory_space<hbm>> -> memref<1024xi32, #tpu.memory_space<hbm>>
      %dma_start3A_495 = tpu.memref_slice %arg2[%select_n3A, %mul3A_32] : memref<4x8192xi32, #tpu.memory_space<hbm>> -> memref<1x1024xi32, #tpu.memory_space<hbm>>
      %dma_start3A_496 = tpu.memref_squeeze %dma_start3A_495 : memref<1x1024xi32, #tpu.memory_space<hbm>> -> memref<1024xi32, #tpu.memory_space<hbm>>
      tpu.enqueue_dma source(%dma_start3A_496 : memref<1024xi32, #tpu.memory_space<hbm>>) target(%arg6 : memref<1024xi32, #tpu.memory_space<vmem>>) target_semaphore(%run_scoped3A : memref<!tpu.dma_semaphore, #tpu.memory_space<semaphore_mem>>)
      %dma_wait3A_497 = tpu.memref_slice %arg2[%select_n3A, %mul3A_32] : memref<4x8192xi32, #tpu.memory_space<hbm>> -> memref<1x1024xi32, #tpu.memory_space<hbm>>
      %dma_wait3A_498 = tpu.memref_squeeze %dma_wait3A_497 : memref<1x1024xi32, #tpu.memory_space<hbm>> -> memref<1024xi32, #tpu.memory_space<hbm>>
      %dma_wait3A_499 = tpu.memref_slice %arg2[%select_n3A, %mul3A_32] : memref<4x8192xi32, #tpu.memory_space<hbm>> -> memref<1x1024xi32, #tpu.memory_space<hbm>>
      %dma_wait3A_500 = tpu.memref_squeeze %dma_wait3A_499 : memref<1x1024xi32, #tpu.memory_space<hbm>> -> memref<1024xi32, #tpu.memory_space<hbm>>
      tpu.wait_dma2 semaphore(%run_scoped3A : memref<!tpu.dma_semaphore, #tpu.memory_space<semaphore_mem>>) src(%dma_wait3A_500 : memref<1024xi32, #tpu.memory_space<hbm>>) dst(%arg6 : memref<1024xi32, #tpu.memory_space<vmem>>)
      tpu.yield
    }) : () -> ()
    "tpu.region"() ({
      %run_scoped3A = tpu.sem_alloc : memref<!tpu.dma_semaphore, #tpu.memory_space<semaphore_mem>>
      tpu.enqueue_dma source(%arg4 : memref<128xf32, #tpu.memory_space<hbm>>) target(%arg8 : memref<128xf32, #tpu.memory_space<vmem>>) target_semaphore(%run_scoped3A : memref<!tpu.dma_semaphore, #tpu.memory_space<semaphore_mem>>)
      tpu.wait_dma2 semaphore(%run_scoped3A : memref<!tpu.dma_semaphore, #tpu.memory_space<semaphore_mem>>) src(%arg4 : memref<128xf32, #tpu.memory_space<hbm>>) dst(%arg8 : memref<128xf32, #tpu.memory_space<vmem>>)
      tpu.yield
    }) : () -> ()
    %get3A = arith.constant 0 : index
    %get3A_33 = tpu.vector_load %arg8[%get3A] {strides = array<i32>} : memref<128xf32, #tpu.memory_space<vmem>>, vector<16xf32>,
    %get3A_34 = vector.shape_cast %get3A_33 : vector<16xf32> to vector<16xf32>
    %get3A_35 = arith.constant 16 : index
    %get3A_36 = tpu.vector_load %arg8[%get3A_35] {strides = array<i32>} : memref<128xf32, #tpu.memory_space<vmem>>, vector<16xf32>,
    %get3A_37 = vector.shape_cast %get3A_36 : vector<16xf32> to vector<16xf32>
    %get3A_38 = arith.constant 32 : index
    %get3A_39 = tpu.vector_load %arg8[%get3A_38] {strides = array<i32>} : memref<128xf32, #tpu.memory_space<vmem>>, vector<16xf32>,
    %get3A_40 = vector.shape_cast %get3A_39 : vector<16xf32> to vector<16xf32>
    %get3A_41 = arith.constant 48 : index
    %get3A_42 = tpu.vector_load %arg8[%get3A_41] {strides = array<i32>} : memref<128xf32, #tpu.memory_space<vmem>>, vector<16xf32>,
    %get3A_43 = vector.shape_cast %get3A_42 : vector<16xf32> to vector<16xf32>
    %get3A_44 = arith.constant 64 : index
    %get3A_45 = tpu.vector_load %arg8[%get3A_44] {strides = array<i32>} : memref<128xf32, #tpu.memory_space<vmem>>, vector<16xf32>,
    %get3A_46 = vector.shape_cast %get3A_45 : vector<16xf32> to vector<16xf32>
    %get3A_47 = arith.constant 80 : index
    %get3A_48 = tpu.vector_load %arg8[%get3A_47] {strides = array<i32>} : memref<128xf32, #tpu.memory_space<vmem>>, vector<16xf32>,
    %get3A_49 = vector.shape_cast %get3A_48 : vector<16xf32> to vector<16xf32>
    %get3A_50 = arith.constant 96 : index
    %get3A_51 = tpu.vector_load %arg8[%get3A_50] {strides = array<i32>} : memref<128xf32, #tpu.memory_space<vmem>>, vector<16xf32>,
    %get3A_52 = vector.shape_cast %get3A_51 : vector<16xf32> to vector<16xf32>
    %get3A_53 = arith.constant 112 : index
    %get3A_54 = tpu.vector_load %arg8[%get3A_53] {strides = array<i32>} : memref<128xf32, #tpu.memory_space<vmem>>, vector<16xf32>,
    %get3A_55 = vector.shape_cast %get3A_54 : vector<16xf32> to vector<16xf32>
    %dma_start3A = arith.constant 0 : i32
    %dma_start3A_56 = arith.constant 0 : i32
    %dma_start3A_57 = arith.constant 0 : i32
    %dma_start3A_58 = tpu.memref_slice %arg7[%dma_start3A, %dma_start3A_56, %dma_start3A_57] : memref<7x128x128xf32, #tpu.memory_space<vmem>> -> memref<1x128x128xf32, #tpu.memory_space<vmem>>
    %dma_start3A_59 = tpu.memref_squeeze %dma_start3A_58 : memref<1x128x128xf32, #tpu.memory_space<vmem>> -> memref<128x128xf32, #tpu.memory_space<vmem>>
    %dma_start3A_60 = arith.constant 0 : i32
    %dma_start3A_61 = tpu.memref_slice %arg6[%dma_start3A_60] : memref<1024xi32, #tpu.memory_space<vmem>> -> memref<128xi32, #tpu.memory_space<vmem>>
    %dma_start3A_62 = arith.constant 0 : i32
    %dma_start3A_63 = arith.constant 0 : i32
    %dma_start3A_64 = tpu.memref_slice %arg3[%dma_start3A_62, %dma_start3A_63] : memref<100000x128xf32, #tpu.memory_space<hbm>> -> memref<100000x128xf32, #tpu.memory_space<hbm>>
    tpu.enqueue_indirect_dma source(%dma_start3A_64 : memref<100000x128xf32, #tpu.memory_space<hbm>>) target(%dma_start3A_59 : memref<128x128xf32, #tpu.memory_space<vmem>>) offsets(%dma_start3A_61 : memref<128xi32, #tpu.memory_space<vmem>>) semaphore(%arg9 : memref<!tpu.dma_semaphore, #tpu.memory_space<semaphore_mem>>)
    %dma_start3A_65 = arith.constant 1 : i32
    %dma_start3A_66 = arith.constant 0 : i32
    %dma_start3A_67 = arith.constant 0 : i32
    %dma_start3A_68 = tpu.memref_slice %arg7[%dma_start3A_65, %dma_start3A_66, %dma_start3A_67] : memref<7x128x128xf32, #tpu.memory_space<vmem>> -> memref<1x128x128xf32, #tpu.memory_space<vmem>>
    %dma_start3A_69 = tpu.memref_squeeze %dma_start3A_68 : memref<1x128x128xf32, #tpu.memory_space<vmem>> -> memref<128x128xf32, #tpu.memory_space<vmem>>
    %dma_start3A_70 = arith.constant 128 : i32
    %dma_start3A_71 = tpu.memref_slice %arg6[%dma_start3A_70] : memref<1024xi32, #tpu.memory_space<vmem>> -> memref<128xi32, #tpu.memory_space<vmem>>
    %dma_start3A_72 = arith.constant 0 : i32
    %dma_start3A_73 = arith.constant 0 : i32
    %dma_start3A_74 = tpu.memref_slice %arg3[%dma_start3A_72, %dma_start3A_73] : memref<100000x128xf32, #tpu.memory_space<hbm>> -> memref<100000x128xf32, #tpu.memory_space<hbm>>
    tpu.enqueue_indirect_dma source(%dma_start3A_74 : memref<100000x128xf32, #tpu.memory_space<hbm>>) target(%dma_start3A_69 : memref<128x128xf32, #tpu.memory_space<vmem>>) offsets(%dma_start3A_71 : memref<128xi32, #tpu.memory_space<vmem>>) semaphore(%arg10 : memref<!tpu.dma_semaphore, #tpu.memory_space<semaphore_mem>>)
    %dma_start3A_75 = arith.constant 2 : i32
    %dma_start3A_76 = arith.constant 0 : i32
    %dma_start3A_77 = arith.constant 0 : i32
    %dma_start3A_78 = tpu.memref_slice %arg7[%dma_start3A_75, %dma_start3A_76, %dma_start3A_77] : memref<7x128x128xf32, #tpu.memory_space<vmem>> -> memref<1x128x128xf32, #tpu.memory_space<vmem>>
    %dma_start3A_79 = tpu.memref_squeeze %dma_start3A_78 : memref<1x128x128xf32, #tpu.memory_space<vmem>> -> memref<128x128xf32, #tpu.memory_space<vmem>>
    %dma_start3A_80 = arith.constant 256 : i32
    %dma_start3A_81 = tpu.memref_slice %arg6[%dma_start3A_80] : memref<1024xi32, #tpu.memory_space<vmem>> -> memref<128xi32, #tpu.memory_space<vmem>>
    %dma_start3A_82 = arith.constant 0 : i32
    %dma_start3A_83 = arith.constant 0 : i32
    %dma_start3A_84 = tpu.memref_slice %arg3[%dma_start3A_82, %dma_start3A_83] : memref<100000x128xf32, #tpu.memory_space<hbm>> -> memref<100000x128xf32, #tpu.memory_space<hbm>>
    tpu.enqueue_indirect_dma source(%dma_start3A_84 : memref<100000x128xf32, #tpu.memory_space<hbm>>) target(%dma_start3A_79 : memref<128x128xf32, #tpu.memory_space<vmem>>) offsets(%dma_start3A_81 : memref<128xi32, #tpu.memory_space<vmem>>) semaphore(%arg11 : memref<!tpu.dma_semaphore, #tpu.memory_space<semaphore_mem>>)
    %dma_start3A_85 = arith.constant 3 : i32
    %dma_start3A_86 = arith.constant 0 : i32
    %dma_start3A_87 = arith.constant 0 : i32
    %dma_start3A_88 = tpu.memref_slice %arg7[%dma_start3A_85, %dma_start3A_86, %dma_start3A_87] : memref<7x128x128xf32, #tpu.memory_space<vmem>> -> memref<1x128x128xf32, #tpu.memory_space<vmem>>
    %dma_start3A_89 = tpu.memref_squeeze %dma_start3A_88 : memref<1x128x128xf32, #tpu.memory_space<vmem>> -> memref<128x128xf32, #tpu.memory_space<vmem>>
    %dma_start3A_90 = arith.constant 384 : i32
    %dma_start3A_91 = tpu.memref_slice %arg6[%dma_start3A_90] : memref<1024xi32, #tpu.memory_space<vmem>> -> memref<128xi32, #tpu.memory_space<vmem>>
    %dma_start3A_92 = arith.constant 0 : i32
    %dma_start3A_93 = arith.constant 0 : i32
    %dma_start3A_94 = tpu.memref_slice %arg3[%dma_start3A_92, %dma_start3A_93] : memref<100000x128xf32, #tpu.memory_space<hbm>> -> memref<100000x128xf32, #tpu.memory_space<hbm>>
    tpu.enqueue_indirect_dma source(%dma_start3A_94 : memref<100000x128xf32, #tpu.memory_space<hbm>>) target(%dma_start3A_89 : memref<128x128xf32, #tpu.memory_space<vmem>>) offsets(%dma_start3A_91 : memref<128xi32, #tpu.memory_space<vmem>>) semaphore(%arg12 : memref<!tpu.dma_semaphore, #tpu.memory_space<semaphore_mem>>)
    %dma_start3A_95 = arith.constant 4 : i32
    %dma_start3A_96 = arith.constant 0 : i32
    %dma_start3A_97 = arith.constant 0 : i32
    %dma_start3A_98 = tpu.memref_slice %arg7[%dma_start3A_95, %dma_start3A_96, %dma_start3A_97] : memref<7x128x128xf32, #tpu.memory_space<vmem>> -> memref<1x128x128xf32, #tpu.memory_space<vmem>>
    %dma_start3A_99 = tpu.memref_squeeze %dma_start3A_98 : memref<1x128x128xf32, #tpu.memory_space<vmem>> -> memref<128x128xf32, #tpu.memory_space<vmem>>
    %dma_start3A_100 = arith.constant 512 : i32
    %dma_start3A_101 = tpu.memref_slice %arg6[%dma_start3A_100] : memref<1024xi32, #tpu.memory_space<vmem>> -> memref<128xi32, #tpu.memory_space<vmem>>
    %dma_start3A_102 = arith.constant 0 : i32
    %dma_start3A_103 = arith.constant 0 : i32
    %dma_start3A_104 = tpu.memref_slice %arg3[%dma_start3A_102, %dma_start3A_103] : memref<100000x128xf32, #tpu.memory_space<hbm>> -> memref<100000x128xf32, #tpu.memory_space<hbm>>
    tpu.enqueue_indirect_dma source(%dma_start3A_104 : memref<100000x128xf32, #tpu.memory_space<hbm>>) target(%dma_start3A_99 : memref<128x128xf32, #tpu.memory_space<vmem>>) offsets(%dma_start3A_101 : memref<128xi32, #tpu.memory_space<vmem>>) semaphore(%arg13 : memref<!tpu.dma_semaphore, #tpu.memory_space<semaphore_mem>>)
    %dma_start3A_105 = arith.constant 5 : i32
    %dma_start3A_106 = arith.constant 0 : i32
    %dma_start3A_107 = arith.constant 0 : i32
    %dma_start3A_108 = tpu.memref_slice %arg7[%dma_start3A_105, %dma_start3A_106, %dma_start3A_107] : memref<7x128x128xf32, #tpu.memory_space<vmem>> -> memref<1x128x128xf32, #tpu.memory_space<vmem>>
    %dma_start3A_109 = tpu.memref_squeeze %dma_start3A_108 : memref<1x128x128xf32, #tpu.memory_space<vmem>> -> memref<128x128xf32, #tpu.memory_space<vmem>>
    %dma_start3A_110 = arith.constant 640 : i32
    %dma_start3A_111 = tpu.memref_slice %arg6[%dma_start3A_110] : memref<1024xi32, #tpu.memory_space<vmem>> -> memref<128xi32, #tpu.memory_space<vmem>>
    %dma_start3A_112 = arith.constant 0 : i32
    %dma_start3A_113 = arith.constant 0 : i32
    %dma_start3A_114 = tpu.memref_slice %arg3[%dma_start3A_112, %dma_start3A_113] : memref<100000x128xf32, #tpu.memory_space<hbm>> -> memref<100000x128xf32, #tpu.memory_space<hbm>>
    tpu.enqueue_indirect_dma source(%dma_start3A_114 : memref<100000x128xf32, #tpu.memory_space<hbm>>) target(%dma_start3A_109 : memref<128x128xf32, #tpu.memory_space<vmem>>) offsets(%dma_start3A_111 : memref<128xi32, #tpu.memory_space<vmem>>) semaphore(%arg14 : memref<!tpu.dma_semaphore, #tpu.memory_space<semaphore_mem>>)
    %dma_start3A_115 = arith.constant 6 : i32
    %dma_start3A_116 = arith.constant 0 : i32
    %dma_start3A_117 = arith.constant 0 : i32
    %dma_start3A_118 = tpu.memref_slice %arg7[%dma_start3A_115, %dma_start3A_116, %dma_start3A_117] : memref<7x128x128xf32, #tpu.memory_space<vmem>> -> memref<1x128x128xf32, #tpu.memory_space<vmem>>
    %dma_start3A_119 = tpu.memref_squeeze %dma_start3A_118 : memref<1x128x128xf32, #tpu.memory_space<vmem>> -> memref<128x128xf32, #tpu.memory_space<vmem>>
    %dma_start3A_120 = arith.constant 768 : i32
    %dma_start3A_121 = tpu.memref_slice %arg6[%dma_start3A_120] : memref<1024xi32, #tpu.memory_space<vmem>> -> memref<128xi32, #tpu.memory_space<vmem>>
    %dma_start3A_122 = arith.constant 0 : i32
    %dma_start3A_123 = arith.constant 0 : i32
    %dma_start3A_124 = tpu.memref_slice %arg3[%dma_start3A_122, %dma_start3A_123] : memref<100000x128xf32, #tpu.memory_space<hbm>> -> memref<100000x128xf32, #tpu.memory_space<hbm>>
    tpu.enqueue_indirect_dma source(%dma_start3A_124 : memref<100000x128xf32, #tpu.memory_space<hbm>>) target(%dma_start3A_119 : memref<128x128xf32, #tpu.memory_space<vmem>>) offsets(%dma_start3A_121 : memref<128xi32, #tpu.memory_space<vmem>>) semaphore(%arg15 : memref<!tpu.dma_semaphore, #tpu.memory_space<semaphore_mem>>)
    %dma_wait3A = arith.constant 0 : i32
    %dma_wait3A_125 = arith.constant 0 : i32
    %dma_wait3A_126 = arith.constant 0 : i32
    %dma_wait3A_127 = tpu.memref_slice %arg7[%dma_wait3A, %dma_wait3A_125, %dma_wait3A_126] : memref<7x128x128xf32, #tpu.memory_space<vmem>> -> memref<1x128x128xf32, #tpu.memory_space<vmem>>
    %dma_wait3A_128 = tpu.memref_squeeze %dma_wait3A_127 : memref<1x128x128xf32, #tpu.memory_space<vmem>> -> memref<128x128xf32, #tpu.memory_space<vmem>>
    %dma_wait3A_129 = arith.constant 0 : i32
    %dma_wait3A_130 = tpu.memref_slice %arg6[%dma_wait3A_129] : memref<1024xi32, #tpu.memory_space<vmem>> -> memref<128xi32, #tpu.memory_space<vmem>>
    %dma_wait3A_131 = arith.constant 0 : i32
    %dma_wait3A_132 = arith.constant 0 : i32
    %dma_wait3A_133 = tpu.memref_slice %arg3[%dma_wait3A_131, %dma_wait3A_132] : memref<100000x128xf32, #tpu.memory_space<hbm>> -> memref<100000x128xf32, #tpu.memory_space<hbm>>
    tpu.wait_indirect_dma semaphore(%arg9 : memref<!tpu.dma_semaphore, #tpu.memory_space<semaphore_mem>>) src(%dma_wait3A_133 : memref<100000x128xf32, #tpu.memory_space<hbm>>) dst(%dma_wait3A_128 : memref<128x128xf32, #tpu.memory_space<vmem>>)
    %parallel_loop3A = arith.constant 0 : i32
    %parallel_loop3A_134 = arith.constant 128 : i32
    %parallel_loop3A_135 = arith.constant 1 : i32
    scf.for %parallel_loop3A_493 = %parallel_loop3A to %parallel_loop3A_134 step %parallel_loop3A_135  : i32 {
      %parallel_loop3A_494 = arith.constant 0 : i32
      %parallel_loop3A_495 = arith.index_cast %parallel_loop3A_494 : i32 to index
      %parallel_loop3A_496 = arith.index_cast %parallel_loop3A_493 : i32 to index
      %parallel_loop3A_497 = arith.constant 0 : index
      %parallel_loop3A_498 = tpu.vector_load %arg7[%parallel_loop3A_495, %parallel_loop3A_496, %parallel_loop3A_497] {strides = array<i32>} : memref<7x128x128xf32, #tpu.memory_space<vmem>>, vector<1x1x16xf32>,
      %parallel_loop3A_499 = vector.shape_cast %parallel_loop3A_498 : vector<1x1x16xf32> to vector<16xf32>
      %parallel_loop3A_500 = arith.constant 11.3137083 : f32
      %parallel_loop3A_501 = vector.broadcast %parallel_loop3A_500 : f32 to vector<16xf32>
      %parallel_loop3A_502 = arith.mulf %parallel_loop3A_499, %parallel_loop3A_501 : vector<16xf32>
      %parallel_loop3A_503 = arith.addf %parallel_loop3A_502, %get3A_34 : vector<16xf32>
      %parallel_loop3A_504 = arith.constant 0 : i32
      %parallel_loop3A_505 = arith.index_cast %parallel_loop3A_504 : i32 to index
      %parallel_loop3A_506 = arith.index_cast %parallel_loop3A_493 : i32 to index
      %parallel_loop3A_507 = arith.constant 0 : index
      %parallel_loop3A_508 = tpu.vector_load %arg7[%parallel_loop3A_505, %parallel_loop3A_506, %parallel_loop3A_507] {strides = array<i32>} : memref<7x128x128xf32, #tpu.memory_space<vmem>>, vector<1x1x16xf32>,
      %parallel_loop3A_509 = vector.shape_cast %parallel_loop3A_508 : vector<1x1x16xf32> to vector<16xf32>
      %parallel_loop3A_510 = vector.shape_cast %parallel_loop3A_503 : vector<16xf32> to vector<1x1x16xf32>
      tpu.vector_store %arg7[%parallel_loop3A_505, %parallel_loop3A_506, %parallel_loop3A_507], %parallel_loop3A_510 {strides = array<i32>} : memref<7x128x128xf32, #tpu.memory_space<vmem>>, vector<1x1x16xf32>,
      %parallel_loop3A_511 = arith.constant 0 : i32
      %parallel_loop3A_512 = arith.index_cast %parallel_loop3A_511 : i32 to index
      %parallel_loop3A_513 = arith.index_cast %parallel_loop3A_493 : i32 to index
      %parallel_loop3A_514 = arith.constant 16 : index
      %parallel_loop3A_515 = tpu.vector_load %arg7[%parallel_loop3A_512, %parallel_loop3A_513, %parallel_loop3A_514] {strides = array<i32>} : memref<7x128x128xf32, #tpu.memory_space<vmem>>, vector<1x1x16xf32>,
      %parallel_loop3A_516 = vector.shape_cast %parallel_loop3A_515 : vector<1x1x16xf32> to vector<16xf32>
      %parallel_loop3A_517 = arith.constant 11.3137083 : f32
      %parallel_loop3A_518 = vector.broadcast %parallel_loop3A_517 : f32 to vector<16xf32>
      %parallel_loop3A_519 = arith.mulf %parallel_loop3A_516, %parallel_loop3A_518 : vector<16xf32>
      %parallel_loop3A_520 = arith.addf %parallel_loop3A_519, %get3A_37 : vector<16xf32>
      %parallel_loop3A_521 = arith.constant 0 : i32
      %parallel_loop3A_522 = arith.index_cast %parallel_loop3A_521 : i32 to index
      %parallel_loop3A_523 = arith.index_cast %parallel_loop3A_493 : i32 to index
      %parallel_loop3A_524 = arith.constant 16 : index
      %parallel_loop3A_525 = tpu.vector_load %arg7[%parallel_loop3A_522, %parallel_loop3A_523, %parallel_loop3A_524] {strides = array<i32>} : memref<7x128x128xf32, #tpu.memory_space<vmem>>, vector<1x1x16xf32>,
      %parallel_loop3A_526 = vector.shape_cast %parallel_loop3A_525 : vector<1x1x16xf32> to vector<16xf32>
      %parallel_loop3A_527 = vector.shape_cast %parallel_loop3A_520 : vector<16xf32> to vector<1x1x16xf32>
      tpu.vector_store %arg7[%parallel_loop3A_522, %parallel_loop3A_523, %parallel_loop3A_524], %parallel_loop3A_527 {strides = array<i32>} : memref<7x128x128xf32, #tpu.memory_space<vmem>>, vector<1x1x16xf32>,
      %parallel_loop3A_528 = arith.constant 0 : i32
      %parallel_loop3A_529 = arith.index_cast %parallel_loop3A_528 : i32 to index
      %parallel_loop3A_530 = arith.index_cast %parallel_loop3A_493 : i32 to index
      %parallel_loop3A_531 = arith.constant 32 : index
      %parallel_loop3A_532 = tpu.vector_load %arg7[%parallel_loop3A_529, %parallel_loop3A_530, %parallel_loop3A_531] {strides = array<i32>} : memref<7x128x128xf32, #tpu.memory_space<vmem>>, vector<1x1x16xf32>,
      %parallel_loop3A_533 = vector.shape_cast %parallel_loop3A_532 : vector<1x1x16xf32> to vector<16xf32>
      %parallel_loop3A_534 = arith.constant 11.3137083 : f32
      %parallel_loop3A_535 = vector.broadcast %parallel_loop3A_534 : f32 to vector<16xf32>
      %parallel_loop3A_536 = arith.mulf %parallel_loop3A_533, %parallel_loop3A_535 : vector<16xf32>
      %parallel_loop3A_537 = arith.addf %parallel_loop3A_536, %get3A_40 : vector<16xf32>
      %parallel_loop3A_538 = arith.constant 0 : i32
      %parallel_loop3A_539 = arith.index_cast %parallel_loop3A_538 : i32 to index
      %parallel_loop3A_540 = arith.index_cast %parallel_loop3A_493 : i32 to index
      %parallel_loop3A_541 = arith.constant 32 : index
      %parallel_loop3A_542 = tpu.vector_load %arg7[%parallel_loop3A_539, %parallel_loop3A_540, %parallel_loop3A_541] {strides = array<i32>} : memref<7x128x128xf32, #tpu.memory_space<vmem>>, vector<1x1x16xf32>,
      %parallel_loop3A_543 = vector.shape_cast %parallel_loop3A_542 : vector<1x1x16xf32> to vector<16xf32>
      %parallel_loop3A_544 = vector.shape_cast %parallel_loop3A_537 : vector<16xf32> to vector<1x1x16xf32>
      tpu.vector_store %arg7[%parallel_loop3A_539, %parallel_loop3A_540, %parallel_loop3A_541], %parallel_loop3A_544 {strides = array<i32>} : memref<7x128x128xf32, #tpu.memory_space<vmem>>, vector<1x1x16xf32>,
      %parallel_loop3A_545 = arith.constant 0 : i32
      %parallel_loop3A_546 = arith.index_cast %parallel_loop3A_545 : i32 to index
      %parallel_loop3A_547 = arith.index_cast %parallel_loop3A_493 : i32 to index
      %parallel_loop3A_548 = arith.constant 48 : index
      %parallel_loop3A_549 = tpu.vector_load %arg7[%parallel_loop3A_546, %parallel_loop3A_547, %parallel_loop3A_548] {strides = array<i32>} : memref<7x128x128xf32, #tpu.memory_space<vmem>>, vector<1x1x16xf32>,
      %parallel_loop3A_550 = vector.shape_cast %parallel_loop3A_549 : vector<1x1x16xf32> to vector<16xf32>
      %parallel_loop3A_551 = arith.constant 11.3137083 : f32
      %parallel_loop3A_552 = vector.broadcast %parallel_loop3A_551 : f32 to vector<16xf32>
      %parallel_loop3A_553 = arith.mulf %parallel_loop3A_550, %parallel_loop3A_552 : vector<16xf32>
      %parallel_loop3A_554 = arith.addf %parallel_loop3A_553, %get3A_43 : vector<16xf32>
      %parallel_loop3A_555 = arith.constant 0 : i32
      %parallel_loop3A_556 = arith.index_cast %parallel_loop3A_555 : i32 to index
      %parallel_loop3A_557 = arith.index_cast %parallel_loop3A_493 : i32 to index
      %parallel_loop3A_558 = arith.constant 48 : index
      %parallel_loop3A_559 = tpu.vector_load %arg7[%parallel_loop3A_556, %parallel_loop3A_557, %parallel_loop3A_558] {strides = array<i32>} : memref<7x128x128xf32, #tpu.memory_space<vmem>>, vector<1x1x16xf32>,
      %parallel_loop3A_560 = vector.shape_cast %parallel_loop3A_559 : vector<1x1x16xf32> to vector<16xf32>
      %parallel_loop3A_561 = vector.shape_cast %parallel_loop3A_554 : vector<16xf32> to vector<1x1x16xf32>
      tpu.vector_store %arg7[%parallel_loop3A_556, %parallel_loop3A_557, %parallel_loop3A_558], %parallel_loop3A_561 {strides = array<i32>} : memref<7x128x128xf32, #tpu.memory_space<vmem>>, vector<1x1x16xf32>,
      %parallel_loop3A_562 = arith.constant 0 : i32
      %parallel_loop3A_563 = arith.index_cast %parallel_loop3A_562 : i32 to index
      %parallel_loop3A_564 = arith.index_cast %parallel_loop3A_493 : i32 to index
      %parallel_loop3A_565 = arith.constant 64 : index
      %parallel_loop3A_566 = tpu.vector_load %arg7[%parallel_loop3A_563, %parallel_loop3A_564, %parallel_loop3A_565] {strides = array<i32>} : memref<7x128x128xf32, #tpu.memory_space<vmem>>, vector<1x1x16xf32>,
      %parallel_loop3A_567 = vector.shape_cast %parallel_loop3A_566 : vector<1x1x16xf32> to vector<16xf32>
      %parallel_loop3A_568 = arith.constant 11.3137083 : f32
      %parallel_loop3A_569 = vector.broadcast %parallel_loop3A_568 : f32 to vector<16xf32>
      %parallel_loop3A_570 = arith.mulf %parallel_loop3A_567, %parallel_loop3A_569 : vector<16xf32>
      %parallel_loop3A_571 = arith.addf %parallel_loop3A_570, %get3A_46 : vector<16xf32>
      %parallel_loop3A_572 = arith.constant 0 : i32
      %parallel_loop3A_573 = arith.index_cast %parallel_loop3A_572 : i32 to index
      %parallel_loop3A_574 = arith.index_cast %parallel_loop3A_493 : i32 to index
      %parallel_loop3A_575 = arith.constant 64 : index
      %parallel_loop3A_576 = tpu.vector_load %arg7[%parallel_loop3A_573, %parallel_loop3A_574, %parallel_loop3A_575] {strides = array<i32>} : memref<7x128x128xf32, #tpu.memory_space<vmem>>, vector<1x1x16xf32>,
      %parallel_loop3A_577 = vector.shape_cast %parallel_loop3A_576 : vector<1x1x16xf32> to vector<16xf32>
      %parallel_loop3A_578 = vector.shape_cast %parallel_loop3A_571 : vector<16xf32> to vector<1x1x16xf32>
      tpu.vector_store %arg7[%parallel_loop3A_573, %parallel_loop3A_574, %parallel_loop3A_575], %parallel_loop3A_578 {strides = array<i32>} : memref<7x128x128xf32, #tpu.memory_space<vmem>>, vector<1x1x16xf32>,
      %parallel_loop3A_579 = arith.constant 0 : i32
      %parallel_loop3A_580 = arith.index_cast %parallel_loop3A_579 : i32 to index
      %parallel_loop3A_581 = arith.index_cast %parallel_loop3A_493 : i32 to index
      %parallel_loop3A_582 = arith.constant 80 : index
      %parallel_loop3A_583 = tpu.vector_load %arg7[%parallel_loop3A_580, %parallel_loop3A_581, %parallel_loop3A_582] {strides = array<i32>} : memref<7x128x128xf32, #tpu.memory_space<vmem>>, vector<1x1x16xf32>,
      %parallel_loop3A_584 = vector.shape_cast %parallel_loop3A_583 : vector<1x1x16xf32> to vector<16xf32>
      %parallel_loop3A_585 = arith.constant 11.3137083 : f32
      %parallel_loop3A_586 = vector.broadcast %parallel_loop3A_585 : f32 to vector<16xf32>
      %parallel_loop3A_587 = arith.mulf %parallel_loop3A_584, %parallel_loop3A_586 : vector<16xf32>
      %parallel_loop3A_588 = arith.addf %parallel_loop3A_587, %get3A_49 : vector<16xf32>
      %parallel_loop3A_589 = arith.constant 0 : i32
      %parallel_loop3A_590 = arith.index_cast %parallel_loop3A_589 : i32 to index
      %parallel_loop3A_591 = arith.index_cast %parallel_loop3A_493 : i32 to index
      %parallel_loop3A_592 = arith.constant 80 : index
      %parallel_loop3A_593 = tpu.vector_load %arg7[%parallel_loop3A_590, %parallel_loop3A_591, %parallel_loop3A_592] {strides = array<i32>} : memref<7x128x128xf32, #tpu.memory_space<vmem>>, vector<1x1x16xf32>,
      %parallel_loop3A_594 = vector.shape_cast %parallel_loop3A_593 : vector<1x1x16xf32> to vector<16xf32>
      %parallel_loop3A_595 = vector.shape_cast %parallel_loop3A_588 : vector<16xf32> to vector<1x1x16xf32>
      tpu.vector_store %arg7[%parallel_loop3A_590, %parallel_loop3A_591, %parallel_loop3A_592], %parallel_loop3A_595 {strides = array<i32>} : memref<7x128x128xf32, #tpu.memory_space<vmem>>, vector<1x1x16xf32>,
      %parallel_loop3A_596 = arith.constant 0 : i32
      %parallel_loop3A_597 = arith.index_cast %parallel_loop3A_596 : i32 to index
      %parallel_loop3A_598 = arith.index_cast %parallel_loop3A_493 : i32 to index
      %parallel_loop3A_599 = arith.constant 96 : index
      %parallel_loop3A_600 = tpu.vector_load %arg7[%parallel_loop3A_597, %parallel_loop3A_598, %parallel_loop3A_599] {strides = array<i32>} : memref<7x128x128xf32, #tpu.memory_space<vmem>>, vector<1x1x16xf32>,
      %parallel_loop3A_601 = vector.shape_cast %parallel_loop3A_600 : vector<1x1x16xf32> to vector<16xf32>
      %parallel_loop3A_602 = arith.constant 11.3137083 : f32
      %parallel_loop3A_603 = vector.broadcast %parallel_loop3A_602 : f32 to vector<16xf32>
      %parallel_loop3A_604 = arith.mulf %parallel_loop3A_601, %parallel_loop3A_603 : vector<16xf32>
      %parallel_loop3A_605 = arith.addf %parallel_loop3A_604, %get3A_52 : vector<16xf32>
      %parallel_loop3A_606 = arith.constant 0 : i32
      %parallel_loop3A_607 = arith.index_cast %parallel_loop3A_606 : i32 to index
      %parallel_loop3A_608 = arith.index_cast %parallel_loop3A_493 : i32 to index
      %parallel_loop3A_609 = arith.constant 96 : index
      %parallel_loop3A_610 = tpu.vector_load %arg7[%parallel_loop3A_607, %parallel_loop3A_608, %parallel_loop3A_609] {strides = array<i32>} : memref<7x128x128xf32, #tpu.memory_space<vmem>>, vector<1x1x16xf32>,
      %parallel_loop3A_611 = vector.shape_cast %parallel_loop3A_610 : vector<1x1x16xf32> to vector<16xf32>
      %parallel_loop3A_612 = vector.shape_cast %parallel_loop3A_605 : vector<16xf32> to vector<1x1x16xf32>
      tpu.vector_store %arg7[%parallel_loop3A_607, %parallel_loop3A_608, %parallel_loop3A_609], %parallel_loop3A_612 {strides = array<i32>} : memref<7x128x128xf32, #tpu.memory_space<vmem>>, vector<1x1x16xf32>,
      %parallel_loop3A_613 = arith.constant 0 : i32
      %parallel_loop3A_614 = arith.index_cast %parallel_loop3A_613 : i32 to index
      %parallel_loop3A_615 = arith.index_cast %parallel_loop3A_493 : i32 to index
      %parallel_loop3A_616 = arith.constant 112 : index
      %parallel_loop3A_617 = tpu.vector_load %arg7[%parallel_loop3A_614, %parallel_loop3A_615, %parallel_loop3A_616] {strides = array<i32>} : memref<7x128x128xf32, #tpu.memory_space<vmem>>, vector<1x1x16xf32>,
      %parallel_loop3A_618 = vector.shape_cast %parallel_loop3A_617 : vector<1x1x16xf32> to vector<16xf32>
      %parallel_loop3A_619 = arith.constant 11.3137083 : f32
      %parallel_loop3A_620 = vector.broadcast %parallel_loop3A_619 : f32 to vector<16xf32>
      %parallel_loop3A_621 = arith.mulf %parallel_loop3A_618, %parallel_loop3A_620 : vector<16xf32>
      %parallel_loop3A_622 = arith.addf %parallel_loop3A_621, %get3A_55 : vector<16xf32>
      %parallel_loop3A_623 = arith.constant 0 : i32
      %parallel_loop3A_624 = arith.index_cast %parallel_loop3A_623 : i32 to index
      %parallel_loop3A_625 = arith.index_cast %parallel_loop3A_493 : i32 to index
      %parallel_loop3A_626 = arith.constant 112 : index
      %parallel_loop3A_627 = tpu.vector_load %arg7[%parallel_loop3A_624, %parallel_loop3A_625, %parallel_loop3A_626] {strides = array<i32>} : memref<7x128x128xf32, #tpu.memory_space<vmem>>, vector<1x1x16xf32>,
      %parallel_loop3A_628 = vector.shape_cast %parallel_loop3A_627 : vector<1x1x16xf32> to vector<16xf32>
      %parallel_loop3A_629 = vector.shape_cast %parallel_loop3A_622 : vector<16xf32> to vector<1x1x16xf32>
      tpu.vector_store %arg7[%parallel_loop3A_624, %parallel_loop3A_625, %parallel_loop3A_626], %parallel_loop3A_629 {strides = array<i32>} : memref<7x128x128xf32, #tpu.memory_space<vmem>>, vector<1x1x16xf32>,
    } {sc.loop_unroll_factor = 1 : i64, sc.parallel_access}
    %add3A_136 = arith.constant 0 : i32
    %add3A_137 = arith.addi %mul3A_32, %add3A_136 : i32
    %dma_start3A_138 = arith.constant 0 : i32
    %dma_start3A_139 = arith.constant 0 : i32
    %dma_start3A_140 = arith.constant 0 : i32
    %dma_start3A_141 = tpu.memref_slice %arg7[%dma_start3A_138, %dma_start3A_139, %dma_start3A_140] : memref<7x128x128xf32, #tpu.memory_space<vmem>> -> memref<1x128x128xf32, #tpu.memory_space<vmem>>
    %dma_start3A_142 = tpu.memref_squeeze %dma_start3A_141 : memref<1x128x128xf32, #tpu.memory_space<vmem>> -> memref<128x128xf32, #tpu.memory_space<vmem>>
    %dma_start3A_143 = arith.constant 0 : i32
    %dma_start3A_144 = tpu.memref_slice %arg5[%select_n3A, %add3A_137, %dma_start3A_143] : memref<4x8192x128xf32, #tpu.memory_space<hbm>> -> memref<1x128x128xf32, #tpu.memory_space<hbm>>
    %dma_start3A_145 = tpu.memref_squeeze %dma_start3A_144 : memref<1x128x128xf32, #tpu.memory_space<hbm>> -> memref<128x128xf32, #tpu.memory_space<hbm>>
    %dma_start3A_146 = arith.constant 0 : i32
    %dma_start3A_147 = tpu.memref_slice %arg5[%select_n3A, %add3A_137, %dma_start3A_146] : memref<4x8192x128xf32, #tpu.memory_space<hbm>> -> memref<1x128x128xf32, #tpu.memory_space<hbm>>
    %dma_start3A_148 = tpu.memref_squeeze %dma_start3A_147 : memref<1x128x128xf32, #tpu.memory_space<hbm>> -> memref<128x128xf32, #tpu.memory_space<hbm>>
    %dma_start3A_149 = arith.constant 0 : i32
    %dma_start3A_150 = arith.constant 0 : i32
    %dma_start3A_151 = tpu.memref_slice %arg7[%dma_start3A_138, %dma_start3A_149, %dma_start3A_150] : memref<7x128x128xf32, #tpu.memory_space<vmem>> -> memref<1x128x128xf32, #tpu.memory_space<vmem>>
    %dma_start3A_152 = tpu.memref_squeeze %dma_start3A_151 : memref<1x128x128xf32, #tpu.memory_space<vmem>> -> memref<128x128xf32, #tpu.memory_space<vmem>>
    tpu.enqueue_dma source(%dma_start3A_152 : memref<128x128xf32, #tpu.memory_space<vmem>>) target(%dma_start3A_148 : memref<128x128xf32, #tpu.memory_space<hbm>>) target_semaphore(%arg16 : memref<!tpu.dma_semaphore, #tpu.memory_space<semaphore_mem>>)
    %dma_wait3A_153 = arith.constant 0 : i32
    %dma_wait3A_154 = arith.constant 0 : i32
    %dma_wait3A_155 = arith.constant 0 : i32
    %dma_wait3A_156 = tpu.memref_slice %arg7[%dma_wait3A_153, %dma_wait3A_154, %dma_wait3A_155] : memref<7x128x128xf32, #tpu.memory_space<vmem>> -> memref<1x128x128xf32, #tpu.memory_space<vmem>>
    %dma_wait3A_157 = tpu.memref_squeeze %dma_wait3A_156 : memref<1x128x128xf32, #tpu.memory_space<vmem>> -> memref<128x128xf32, #tpu.memory_space<vmem>>
    %dma_wait3A_158 = arith.constant 0 : i32
    %dma_wait3A_159 = tpu.memref_slice %arg5[%select_n3A, %add3A_137, %dma_wait3A_158] : memref<4x8192x128xf32, #tpu.memory_space<hbm>> -> memref<1x128x128xf32, #tpu.memory_space<hbm>>
    %dma_wait3A_160 = tpu.memref_squeeze %dma_wait3A_159 : memref<1x128x128xf32, #tpu.memory_space<hbm>> -> memref<128x128xf32, #tpu.memory_space<hbm>>
    %dma_wait3A_161 = arith.constant 0 : i32
    %dma_wait3A_162 = tpu.memref_slice %arg5[%select_n3A, %add3A_137, %dma_wait3A_161] : memref<4x8192x128xf32, #tpu.memory_space<hbm>> -> memref<1x128x128xf32, #tpu.memory_space<hbm>>
    %dma_wait3A_163 = tpu.memref_squeeze %dma_wait3A_162 : memref<1x128x128xf32, #tpu.memory_space<hbm>> -> memref<128x128xf32, #tpu.memory_space<hbm>>
    %dma_wait3A_164 = arith.constant 0 : i32
    %dma_wait3A_165 = arith.constant 0 : i32
    %dma_wait3A_166 = tpu.memref_slice %arg7[%dma_wait3A_153, %dma_wait3A_164, %dma_wait3A_165] : memref<7x128x128xf32, #tpu.memory_space<vmem>> -> memref<1x128x128xf32, #tpu.memory_space<vmem>>
    %dma_wait3A_167 = tpu.memref_squeeze %dma_wait3A_166 : memref<1x128x128xf32, #tpu.memory_space<vmem>> -> memref<128x128xf32, #tpu.memory_space<vmem>>
    tpu.wait_dma2 semaphore(%arg16 : memref<!tpu.dma_semaphore, #tpu.memory_space<semaphore_mem>>) src(%dma_wait3A_167 : memref<128x128xf32, #tpu.memory_space<vmem>>) dst(%dma_wait3A_163 : memref<128x128xf32, #tpu.memory_space<hbm>>)
    %dma_start3A_168 = arith.constant 0 : i32
    %dma_start3A_169 = arith.constant 0 : i32
    %dma_start3A_170 = arith.constant 0 : i32
    %dma_start3A_171 = tpu.memref_slice %arg7[%dma_start3A_168, %dma_start3A_169, %dma_start3A_170] : memref<7x128x128xf32, #tpu.memory_space<vmem>> -> memref<1x128x128xf32, #tpu.memory_space<vmem>>
    %dma_start3A_172 = tpu.memref_squeeze %dma_start3A_171 : memref<1x128x128xf32, #tpu.memory_space<vmem>> -> memref<128x128xf32, #tpu.memory_space<vmem>>
    %dma_start3A_173 = arith.constant 896 : i32
    %dma_start3A_174 = tpu.memref_slice %arg6[%dma_start3A_173] : memref<1024xi32, #tpu.memory_space<vmem>> -> memref<128xi32, #tpu.memory_space<vmem>>
    %dma_start3A_175 = arith.constant 0 : i32
    %dma_start3A_176 = arith.constant 0 : i32
    %dma_start3A_177 = tpu.memref_slice %arg3[%dma_start3A_175, %dma_start3A_176] : memref<100000x128xf32, #tpu.memory_space<hbm>> -> memref<100000x128xf32, #tpu.memory_space<hbm>>
    tpu.enqueue_indirect_dma source(%dma_start3A_177 : memref<100000x128xf32, #tpu.memory_space<hbm>>) target(%dma_start3A_172 : memref<128x128xf32, #tpu.memory_space<vmem>>) offsets(%dma_start3A_174 : memref<128xi32, #tpu.memory_space<vmem>>) semaphore(%arg9 : memref<!tpu.dma_semaphore, #tpu.memory_space<semaphore_mem>>)
    %dma_wait3A_178 = arith.constant 1 : i32
    %dma_wait3A_179 = arith.constant 0 : i32
    %dma_wait3A_180 = arith.constant 0 : i32
    %dma_wait3A_181 = tpu.memref_slice %arg7[%dma_wait3A_178, %dma_wait3A_179, %dma_wait3A_180] : memref<7x128x128xf32, #tpu.memory_space<vmem>> -> memref<1x128x128xf32, #tpu.memory_space<vmem>>
    %dma_wait3A_182 = tpu.memref_squeeze %dma_wait3A_181 : memref<1x128x128xf32, #tpu.memory_space<vmem>> -> memref<128x128xf32, #tpu.memory_space<vmem>>
    %dma_wait3A_183 = arith.constant 128 : i32
    %dma_wait3A_184 = tpu.memref_slice %arg6[%dma_wait3A_183] : memref<1024xi32, #tpu.memory_space<vmem>> -> memref<128xi32, #tpu.memory_space<vmem>>
    %dma_wait3A_185 = arith.constant 0 : i32
    %dma_wait3A_186 = arith.constant 0 : i32
    %dma_wait3A_187 = tpu.memref_slice %arg3[%dma_wait3A_185, %dma_wait3A_186] : memref<100000x128xf32, #tpu.memory_space<hbm>> -> memref<100000x128xf32, #tpu.memory_space<hbm>>
    tpu.wait_indirect_dma semaphore(%arg10 : memref<!tpu.dma_semaphore, #tpu.memory_space<semaphore_mem>>) src(%dma_wait3A_187 : memref<100000x128xf32, #tpu.memory_space<hbm>>) dst(%dma_wait3A_182 : memref<128x128xf32, #tpu.memory_space<vmem>>)
    %parallel_loop3A_188 = arith.constant 0 : i32
    %parallel_loop3A_189 = arith.constant 128 : i32
    %parallel_loop3A_190 = arith.constant 1 : i32
    scf.for %parallel_loop3A_493 = %parallel_loop3A_188 to %parallel_loop3A_189 step %parallel_loop3A_190  : i32 {
      %parallel_loop3A_494 = arith.constant 1 : i32
      %parallel_loop3A_495 = arith.index_cast %parallel_loop3A_494 : i32 to index
      %parallel_loop3A_496 = arith.index_cast %parallel_loop3A_493 : i32 to index
      %parallel_loop3A_497 = arith.constant 0 : index
      %parallel_loop3A_498 = tpu.vector_load %arg7[%parallel_loop3A_495, %parallel_loop3A_496, %parallel_loop3A_497] {strides = array<i32>} : memref<7x128x128xf32, #tpu.memory_space<vmem>>, vector<1x1x16xf32>,
      %parallel_loop3A_499 = vector.shape_cast %parallel_loop3A_498 : vector<1x1x16xf32> to vector<16xf32>
      %parallel_loop3A_500 = arith.constant 11.3137083 : f32
      %parallel_loop3A_501 = vector.broadcast %parallel_loop3A_500 : f32 to vector<16xf32>
      %parallel_loop3A_502 = arith.mulf %parallel_loop3A_499, %parallel_loop3A_501 : vector<16xf32>
      %parallel_loop3A_503 = arith.addf %parallel_loop3A_502, %get3A_34 : vector<16xf32>
      %parallel_loop3A_504 = arith.constant 1 : i32
      %parallel_loop3A_505 = arith.index_cast %parallel_loop3A_504 : i32 to index
      %parallel_loop3A_506 = arith.index_cast %parallel_loop3A_493 : i32 to index
      %parallel_loop3A_507 = arith.constant 0 : index
      %parallel_loop3A_508 = tpu.vector_load %arg7[%parallel_loop3A_505, %parallel_loop3A_506, %parallel_loop3A_507] {strides = array<i32>} : memref<7x128x128xf32, #tpu.memory_space<vmem>>, vector<1x1x16xf32>,
      %parallel_loop3A_509 = vector.shape_cast %parallel_loop3A_508 : vector<1x1x16xf32> to vector<16xf32>
      %parallel_loop3A_510 = vector.shape_cast %parallel_loop3A_503 : vector<16xf32> to vector<1x1x16xf32>
      tpu.vector_store %arg7[%parallel_loop3A_505, %parallel_loop3A_506, %parallel_loop3A_507], %parallel_loop3A_510 {strides = array<i32>} : memref<7x128x128xf32, #tpu.memory_space<vmem>>, vector<1x1x16xf32>,
      %parallel_loop3A_511 = arith.constant 1 : i32
      %parallel_loop3A_512 = arith.index_cast %parallel_loop3A_511 : i32 to index
      %parallel_loop3A_513 = arith.index_cast %parallel_loop3A_493 : i32 to index
      %parallel_loop3A_514 = arith.constant 16 : index
      %parallel_loop3A_515 = tpu.vector_load %arg7[%parallel_loop3A_512, %parallel_loop3A_513, %parallel_loop3A_514] {strides = array<i32>} : memref<7x128x128xf32, #tpu.memory_space<vmem>>, vector<1x1x16xf32>,
      %parallel_loop3A_516 = vector.shape_cast %parallel_loop3A_515 : vector<1x1x16xf32> to vector<16xf32>
      %parallel_loop3A_517 = arith.constant 11.3137083 : f32
      %parallel_loop3A_518 = vector.broadcast %parallel_loop3A_517 : f32 to vector<16xf32>
      %parallel_loop3A_519 = arith.mulf %parallel_loop3A_516, %parallel_loop3A_518 : vector<16xf32>
      %parallel_loop3A_520 = arith.addf %parallel_loop3A_519, %get3A_37 : vector<16xf32>
      %parallel_loop3A_521 = arith.constant 1 : i32
      %parallel_loop3A_522 = arith.index_cast %parallel_loop3A_521 : i32 to index
      %parallel_loop3A_523 = arith.index_cast %parallel_loop3A_493 : i32 to index
      %parallel_loop3A_524 = arith.constant 16 : index
      %parallel_loop3A_525 = tpu.vector_load %arg7[%parallel_loop3A_522, %parallel_loop3A_523, %parallel_loop3A_524] {strides = array<i32>} : memref<7x128x128xf32, #tpu.memory_space<vmem>>, vector<1x1x16xf32>,
      %parallel_loop3A_526 = vector.shape_cast %parallel_loop3A_525 : vector<1x1x16xf32> to vector<16xf32>
      %parallel_loop3A_527 = vector.shape_cast %parallel_loop3A_520 : vector<16xf32> to vector<1x1x16xf32>
      tpu.vector_store %arg7[%parallel_loop3A_522, %parallel_loop3A_523, %parallel_loop3A_524], %parallel_loop3A_527 {strides = array<i32>} : memref<7x128x128xf32, #tpu.memory_space<vmem>>, vector<1x1x16xf32>,
      %parallel_loop3A_528 = arith.constant 1 : i32
      %parallel_loop3A_529 = arith.index_cast %parallel_loop3A_528 : i32 to index
      %parallel_loop3A_530 = arith.index_cast %parallel_loop3A_493 : i32 to index
      %parallel_loop3A_531 = arith.constant 32 : index
      %parallel_loop3A_532 = tpu.vector_load %arg7[%parallel_loop3A_529, %parallel_loop3A_530, %parallel_loop3A_531] {strides = array<i32>} : memref<7x128x128xf32, #tpu.memory_space<vmem>>, vector<1x1x16xf32>,
      %parallel_loop3A_533 = vector.shape_cast %parallel_loop3A_532 : vector<1x1x16xf32> to vector<16xf32>
      %parallel_loop3A_534 = arith.constant 11.3137083 : f32
      %parallel_loop3A_535 = vector.broadcast %parallel_loop3A_534 : f32 to vector<16xf32>
      %parallel_loop3A_536 = arith.mulf %parallel_loop3A_533, %parallel_loop3A_535 : vector<16xf32>
      %parallel_loop3A_537 = arith.addf %parallel_loop3A_536, %get3A_40 : vector<16xf32>
      %parallel_loop3A_538 = arith.constant 1 : i32
      %parallel_loop3A_539 = arith.index_cast %parallel_loop3A_538 : i32 to index
      %parallel_loop3A_540 = arith.index_cast %parallel_loop3A_493 : i32 to index
      %parallel_loop3A_541 = arith.constant 32 : index
      %parallel_loop3A_542 = tpu.vector_load %arg7[%parallel_loop3A_539, %parallel_loop3A_540, %parallel_loop3A_541] {strides = array<i32>} : memref<7x128x128xf32, #tpu.memory_space<vmem>>, vector<1x1x16xf32>,
      %parallel_loop3A_543 = vector.shape_cast %parallel_loop3A_542 : vector<1x1x16xf32> to vector<16xf32>
      %parallel_loop3A_544 = vector.shape_cast %parallel_loop3A_537 : vector<16xf32> to vector<1x1x16xf32>
      tpu.vector_store %arg7[%parallel_loop3A_539, %parallel_loop3A_540, %parallel_loop3A_541], %parallel_loop3A_544 {strides = array<i32>} : memref<7x128x128xf32, #tpu.memory_space<vmem>>, vector<1x1x16xf32>,
      %parallel_loop3A_545 = arith.constant 1 : i32
      %parallel_loop3A_546 = arith.index_cast %parallel_loop3A_545 : i32 to index
      %parallel_loop3A_547 = arith.index_cast %parallel_loop3A_493 : i32 to index
      %parallel_loop3A_548 = arith.constant 48 : index
      %parallel_loop3A_549 = tpu.vector_load %arg7[%parallel_loop3A_546, %parallel_loop3A_547, %parallel_loop3A_548] {strides = array<i32>} : memref<7x128x128xf32, #tpu.memory_space<vmem>>, vector<1x1x16xf32>,
      %parallel_loop3A_550 = vector.shape_cast %parallel_loop3A_549 : vector<1x1x16xf32> to vector<16xf32>
      %parallel_loop3A_551 = arith.constant 11.3137083 : f32
      %parallel_loop3A_552 = vector.broadcast %parallel_loop3A_551 : f32 to vector<16xf32>
      %parallel_loop3A_553 = arith.mulf %parallel_loop3A_550, %parallel_loop3A_552 : vector<16xf32>
      %parallel_loop3A_554 = arith.addf %parallel_loop3A_553, %get3A_43 : vector<16xf32>
      %parallel_loop3A_555 = arith.constant 1 : i32
      %parallel_loop3A_556 = arith.index_cast %parallel_loop3A_555 : i32 to index
      %parallel_loop3A_557 = arith.index_cast %parallel_loop3A_493 : i32 to index
      %parallel_loop3A_558 = arith.constant 48 : index
      %parallel_loop3A_559 = tpu.vector_load %arg7[%parallel_loop3A_556, %parallel_loop3A_557, %parallel_loop3A_558] {strides = array<i32>} : memref<7x128x128xf32, #tpu.memory_space<vmem>>, vector<1x1x16xf32>,
      %parallel_loop3A_560 = vector.shape_cast %parallel_loop3A_559 : vector<1x1x16xf32> to vector<16xf32>
      %parallel_loop3A_561 = vector.shape_cast %parallel_loop3A_554 : vector<16xf32> to vector<1x1x16xf32>
      tpu.vector_store %arg7[%parallel_loop3A_556, %parallel_loop3A_557, %parallel_loop3A_558], %parallel_loop3A_561 {strides = array<i32>} : memref<7x128x128xf32, #tpu.memory_space<vmem>>, vector<1x1x16xf32>,
      %parallel_loop3A_562 = arith.constant 1 : i32
      %parallel_loop3A_563 = arith.index_cast %parallel_loop3A_562 : i32 to index
      %parallel_loop3A_564 = arith.index_cast %parallel_loop3A_493 : i32 to index
      %parallel_loop3A_565 = arith.constant 64 : index
      %parallel_loop3A_566 = tpu.vector_load %arg7[%parallel_loop3A_563, %parallel_loop3A_564, %parallel_loop3A_565] {strides = array<i32>} : memref<7x128x128xf32, #tpu.memory_space<vmem>>, vector<1x1x16xf32>,
      %parallel_loop3A_567 = vector.shape_cast %parallel_loop3A_566 : vector<1x1x16xf32> to vector<16xf32>
      %parallel_loop3A_568 = arith.constant 11.3137083 : f32
      %parallel_loop3A_569 = vector.broadcast %parallel_loop3A_568 : f32 to vector<16xf32>
      %parallel_loop3A_570 = arith.mulf %parallel_loop3A_567, %parallel_loop3A_569 : vector<16xf32>
      %parallel_loop3A_571 = arith.addf %parallel_loop3A_570, %get3A_46 : vector<16xf32>
      %parallel_loop3A_572 = arith.constant 1 : i32
      %parallel_loop3A_573 = arith.index_cast %parallel_loop3A_572 : i32 to index
      %parallel_loop3A_574 = arith.index_cast %parallel_loop3A_493 : i32 to index
      %parallel_loop3A_575 = arith.constant 64 : index
      %parallel_loop3A_576 = tpu.vector_load %arg7[%parallel_loop3A_573, %parallel_loop3A_574, %parallel_loop3A_575] {strides = array<i32>} : memref<7x128x128xf32, #tpu.memory_space<vmem>>, vector<1x1x16xf32>,
      %parallel_loop3A_577 = vector.shape_cast %parallel_loop3A_576 : vector<1x1x16xf32> to vector<16xf32>
      %parallel_loop3A_578 = vector.shape_cast %parallel_loop3A_571 : vector<16xf32> to vector<1x1x16xf32>
      tpu.vector_store %arg7[%parallel_loop3A_573, %parallel_loop3A_574, %parallel_loop3A_575], %parallel_loop3A_578 {strides = array<i32>} : memref<7x128x128xf32, #tpu.memory_space<vmem>>, vector<1x1x16xf32>,
      %parallel_loop3A_579 = arith.constant 1 : i32
      %parallel_loop3A_580 = arith.index_cast %parallel_loop3A_579 : i32 to index
      %parallel_loop3A_581 = arith.index_cast %parallel_loop3A_493 : i32 to index
      %parallel_loop3A_582 = arith.constant 80 : index
      %parallel_loop3A_583 = tpu.vector_load %arg7[%parallel_loop3A_580, %parallel_loop3A_581, %parallel_loop3A_582] {strides = array<i32>} : memref<7x128x128xf32, #tpu.memory_space<vmem>>, vector<1x1x16xf32>,
      %parallel_loop3A_584 = vector.shape_cast %parallel_loop3A_583 : vector<1x1x16xf32> to vector<16xf32>
      %parallel_loop3A_585 = arith.constant 11.3137083 : f32
      %parallel_loop3A_586 = vector.broadcast %parallel_loop3A_585 : f32 to vector<16xf32>
      %parallel_loop3A_587 = arith.mulf %parallel_loop3A_584, %parallel_loop3A_586 : vector<16xf32>
      %parallel_loop3A_588 = arith.addf %parallel_loop3A_587, %get3A_49 : vector<16xf32>
      %parallel_loop3A_589 = arith.constant 1 : i32
      %parallel_loop3A_590 = arith.index_cast %parallel_loop3A_589 : i32 to index
      %parallel_loop3A_591 = arith.index_cast %parallel_loop3A_493 : i32 to index
      %parallel_loop3A_592 = arith.constant 80 : index
      %parallel_loop3A_593 = tpu.vector_load %arg7[%parallel_loop3A_590, %parallel_loop3A_591, %parallel_loop3A_592] {strides = array<i32>} : memref<7x128x128xf32, #tpu.memory_space<vmem>>, vector<1x1x16xf32>,
      %parallel_loop3A_594 = vector.shape_cast %parallel_loop3A_593 : vector<1x1x16xf32> to vector<16xf32>
      %parallel_loop3A_595 = vector.shape_cast %parallel_loop3A_588 : vector<16xf32> to vector<1x1x16xf32>
      tpu.vector_store %arg7[%parallel_loop3A_590, %parallel_loop3A_591, %parallel_loop3A_592], %parallel_loop3A_595 {strides = array<i32>} : memref<7x128x128xf32, #tpu.memory_space<vmem>>, vector<1x1x16xf32>,
      %parallel_loop3A_596 = arith.constant 1 : i32
      %parallel_loop3A_597 = arith.index_cast %parallel_loop3A_596 : i32 to index
      %parallel_loop3A_598 = arith.index_cast %parallel_loop3A_493 : i32 to index
      %parallel_loop3A_599 = arith.constant 96 : index
      %parallel_loop3A_600 = tpu.vector_load %arg7[%parallel_loop3A_597, %parallel_loop3A_598, %parallel_loop3A_599] {strides = array<i32>} : memref<7x128x128xf32, #tpu.memory_space<vmem>>, vector<1x1x16xf32>,
      %parallel_loop3A_601 = vector.shape_cast %parallel_loop3A_600 : vector<1x1x16xf32> to vector<16xf32>
      %parallel_loop3A_602 = arith.constant 11.3137083 : f32
      %parallel_loop3A_603 = vector.broadcast %parallel_loop3A_602 : f32 to vector<16xf32>
      %parallel_loop3A_604 = arith.mulf %parallel_loop3A_601, %parallel_loop3A_603 : vector<16xf32>
      %parallel_loop3A_605 = arith.addf %parallel_loop3A_604, %get3A_52 : vector<16xf32>
      %parallel_loop3A_606 = arith.constant 1 : i32
      %parallel_loop3A_607 = arith.index_cast %parallel_loop3A_606 : i32 to index
      %parallel_loop3A_608 = arith.index_cast %parallel_loop3A_493 : i32 to index
      %parallel_loop3A_609 = arith.constant 96 : index
      %parallel_loop3A_610 = tpu.vector_load %arg7[%parallel_loop3A_607, %parallel_loop3A_608, %parallel_loop3A_609] {strides = array<i32>} : memref<7x128x128xf32, #tpu.memory_space<vmem>>, vector<1x1x16xf32>,
      %parallel_loop3A_611 = vector.shape_cast %parallel_loop3A_610 : vector<1x1x16xf32> to vector<16xf32>
      %parallel_loop3A_612 = vector.shape_cast %parallel_loop3A_605 : vector<16xf32> to vector<1x1x16xf32>
      tpu.vector_store %arg7[%parallel_loop3A_607, %parallel_loop3A_608, %parallel_loop3A_609], %parallel_loop3A_612 {strides = array<i32>} : memref<7x128x128xf32, #tpu.memory_space<vmem>>, vector<1x1x16xf32>,
      %parallel_loop3A_613 = arith.constant 1 : i32
      %parallel_loop3A_614 = arith.index_cast %parallel_loop3A_613 : i32 to index
      %parallel_loop3A_615 = arith.index_cast %parallel_loop3A_493 : i32 to index
      %parallel_loop3A_616 = arith.constant 112 : index
      %parallel_loop3A_617 = tpu.vector_load %arg7[%parallel_loop3A_614, %parallel_loop3A_615, %parallel_loop3A_616] {strides = array<i32>} : memref<7x128x128xf32, #tpu.memory_space<vmem>>, vector<1x1x16xf32>,
      %parallel_loop3A_618 = vector.shape_cast %parallel_loop3A_617 : vector<1x1x16xf32> to vector<16xf32>
      %parallel_loop3A_619 = arith.constant 11.3137083 : f32
      %parallel_loop3A_620 = vector.broadcast %parallel_loop3A_619 : f32 to vector<16xf32>
      %parallel_loop3A_621 = arith.mulf %parallel_loop3A_618, %parallel_loop3A_620 : vector<16xf32>
      %parallel_loop3A_622 = arith.addf %parallel_loop3A_621, %get3A_55 : vector<16xf32>
      %parallel_loop3A_623 = arith.constant 1 : i32
      %parallel_loop3A_624 = arith.index_cast %parallel_loop3A_623 : i32 to index
      %parallel_loop3A_625 = arith.index_cast %parallel_loop3A_493 : i32 to index
      %parallel_loop3A_626 = arith.constant 112 : index
      %parallel_loop3A_627 = tpu.vector_load %arg7[%parallel_loop3A_624, %parallel_loop3A_625, %parallel_loop3A_626] {strides = array<i32>} : memref<7x128x128xf32, #tpu.memory_space<vmem>>, vector<1x1x16xf32>,
      %parallel_loop3A_628 = vector.shape_cast %parallel_loop3A_627 : vector<1x1x16xf32> to vector<16xf32>
      %parallel_loop3A_629 = vector.shape_cast %parallel_loop3A_622 : vector<16xf32> to vector<1x1x16xf32>
      tpu.vector_store %arg7[%parallel_loop3A_624, %parallel_loop3A_625, %parallel_loop3A_626], %parallel_loop3A_629 {strides = array<i32>} : memref<7x128x128xf32, #tpu.memory_space<vmem>>, vector<1x1x16xf32>,
    } {sc.loop_unroll_factor = 1 : i64, sc.parallel_access}
    %add3A_191 = arith.constant 128 : i32
    %add3A_192 = arith.addi %mul3A_32, %add3A_191 : i32
    %dma_start3A_193 = arith.constant 1 : i32
    %dma_start3A_194 = arith.constant 0 : i32
    %dma_start3A_195 = arith.constant 0 : i32
    %dma_start3A_196 = tpu.memref_slice %arg7[%dma_start3A_193, %dma_start3A_194, %dma_start3A_195] : memref<7x128x128xf32, #tpu.memory_space<vmem>> -> memref<1x128x128xf32, #tpu.memory_space<vmem>>
    %dma_start3A_197 = tpu.memref_squeeze %dma_start3A_196 : memref<1x128x128xf32, #tpu.memory_space<vmem>> -> memref<128x128xf32, #tpu.memory_space<vmem>>
    %dma_start3A_198 = arith.constant 0 : i32
    %dma_start3A_199 = tpu.memref_slice %arg5[%select_n3A, %add3A_192, %dma_start3A_198] : memref<4x8192x128xf32, #tpu.memory_space<hbm>> -> memref<1x128x128xf32, #tpu.memory_space<hbm>>
    %dma_start3A_200 = tpu.memref_squeeze %dma_start3A_199 : memref<1x128x128xf32, #tpu.memory_space<hbm>> -> memref<128x128xf32, #tpu.memory_space<hbm>>
    %dma_start3A_201 = arith.constant 0 : i32
    %dma_start3A_202 = tpu.memref_slice %arg5[%select_n3A, %add3A_192, %dma_start3A_201] : memref<4x8192x128xf32, #tpu.memory_space<hbm>> -> memref<1x128x128xf32, #tpu.memory_space<hbm>>
    %dma_start3A_203 = tpu.memref_squeeze %dma_start3A_202 : memref<1x128x128xf32, #tpu.memory_space<hbm>> -> memref<128x128xf32, #tpu.memory_space<hbm>>
    %dma_start3A_204 = arith.constant 0 : i32
    %dma_start3A_205 = arith.constant 0 : i32
    %dma_start3A_206 = tpu.memref_slice %arg7[%dma_start3A_193, %dma_start3A_204, %dma_start3A_205] : memref<7x128x128xf32, #tpu.memory_space<vmem>> -> memref<1x128x128xf32, #tpu.memory_space<vmem>>
    %dma_start3A_207 = tpu.memref_squeeze %dma_start3A_206 : memref<1x128x128xf32, #tpu.memory_space<vmem>> -> memref<128x128xf32, #tpu.memory_space<vmem>>
    tpu.enqueue_dma source(%dma_start3A_207 : memref<128x128xf32, #tpu.memory_space<vmem>>) target(%dma_start3A_203 : memref<128x128xf32, #tpu.memory_space<hbm>>) target_semaphore(%arg17 : memref<!tpu.dma_semaphore, #tpu.memory_space<semaphore_mem>>)
    %dma_wait3A_208 = arith.constant 2 : i32
    %dma_wait3A_209 = arith.constant 0 : i32
    %dma_wait3A_210 = arith.constant 0 : i32
    %dma_wait3A_211 = tpu.memref_slice %arg7[%dma_wait3A_208, %dma_wait3A_209, %dma_wait3A_210] : memref<7x128x128xf32, #tpu.memory_space<vmem>> -> memref<1x128x128xf32, #tpu.memory_space<vmem>>
    %dma_wait3A_212 = tpu.memref_squeeze %dma_wait3A_211 : memref<1x128x128xf32, #tpu.memory_space<vmem>> -> memref<128x128xf32, #tpu.memory_space<vmem>>
    %dma_wait3A_213 = arith.constant 256 : i32
    %dma_wait3A_214 = tpu.memref_slice %arg6[%dma_wait3A_213] : memref<1024xi32, #tpu.memory_space<vmem>> -> memref<128xi32, #tpu.memory_space<vmem>>
    %dma_wait3A_215 = arith.constant 0 : i32
    %dma_wait3A_216 = arith.constant 0 : i32
    %dma_wait3A_217 = tpu.memref_slice %arg3[%dma_wait3A_215, %dma_wait3A_216] : memref<100000x128xf32, #tpu.memory_space<hbm>> -> memref<100000x128xf32, #tpu.memory_space<hbm>>
    tpu.wait_indirect_dma semaphore(%arg11 : memref<!tpu.dma_semaphore, #tpu.memory_space<semaphore_mem>>) src(%dma_wait3A_217 : memref<100000x128xf32, #tpu.memory_space<hbm>>) dst(%dma_wait3A_212 : memref<128x128xf32, #tpu.memory_space<vmem>>)
    %parallel_loop3A_218 = arith.constant 0 : i32
    %parallel_loop3A_219 = arith.constant 128 : i32
    %parallel_loop3A_220 = arith.constant 1 : i32
    scf.for %parallel_loop3A_493 = %parallel_loop3A_218 to %parallel_loop3A_219 step %parallel_loop3A_220  : i32 {
      %parallel_loop3A_494 = arith.constant 2 : i32
      %parallel_loop3A_495 = arith.index_cast %parallel_loop3A_494 : i32 to index
      %parallel_loop3A_496 = arith.index_cast %parallel_loop3A_493 : i32 to index
      %parallel_loop3A_497 = arith.constant 0 : index
      %parallel_loop3A_498 = tpu.vector_load %arg7[%parallel_loop3A_495, %parallel_loop3A_496, %parallel_loop3A_497] {strides = array<i32>} : memref<7x128x128xf32, #tpu.memory_space<vmem>>, vector<1x1x16xf32>,
      %parallel_loop3A_499 = vector.shape_cast %parallel_loop3A_498 : vector<1x1x16xf32> to vector<16xf32>
      %parallel_loop3A_500 = arith.constant 11.3137083 : f32
      %parallel_loop3A_501 = vector.broadcast %parallel_loop3A_500 : f32 to vector<16xf32>
      %parallel_loop3A_502 = arith.mulf %parallel_loop3A_499, %parallel_loop3A_501 : vector<16xf32>
      %parallel_loop3A_503 = arith.addf %parallel_loop3A_502, %get3A_34 : vector<16xf32>
      %parallel_loop3A_504 = arith.constant 2 : i32
      %parallel_loop3A_505 = arith.index_cast %parallel_loop3A_504 : i32 to index
      %parallel_loop3A_506 = arith.index_cast %parallel_loop3A_493 : i32 to index
      %parallel_loop3A_507 = arith.constant 0 : index
      %parallel_loop3A_508 = tpu.vector_load %arg7[%parallel_loop3A_505, %parallel_loop3A_506, %parallel_loop3A_507] {strides = array<i32>} : memref<7x128x128xf32, #tpu.memory_space<vmem>>, vector<1x1x16xf32>,
      %parallel_loop3A_509 = vector.shape_cast %parallel_loop3A_508 : vector<1x1x16xf32> to vector<16xf32>
      %parallel_loop3A_510 = vector.shape_cast %parallel_loop3A_503 : vector<16xf32> to vector<1x1x16xf32>
      tpu.vector_store %arg7[%parallel_loop3A_505, %parallel_loop3A_506, %parallel_loop3A_507], %parallel_loop3A_510 {strides = array<i32>} : memref<7x128x128xf32, #tpu.memory_space<vmem>>, vector<1x1x16xf32>,
      %parallel_loop3A_511 = arith.constant 2 : i32
      %parallel_loop3A_512 = arith.index_cast %parallel_loop3A_511 : i32 to index
      %parallel_loop3A_513 = arith.index_cast %parallel_loop3A_493 : i32 to index
      %parallel_loop3A_514 = arith.constant 16 : index
      %parallel_loop3A_515 = tpu.vector_load %arg7[%parallel_loop3A_512, %parallel_loop3A_513, %parallel_loop3A_514] {strides = array<i32>} : memref<7x128x128xf32, #tpu.memory_space<vmem>>, vector<1x1x16xf32>,
      %parallel_loop3A_516 = vector.shape_cast %parallel_loop3A_515 : vector<1x1x16xf32> to vector<16xf32>
      %parallel_loop3A_517 = arith.constant 11.3137083 : f32
      %parallel_loop3A_518 = vector.broadcast %parallel_loop3A_517 : f32 to vector<16xf32>
      %parallel_loop3A_519 = arith.mulf %parallel_loop3A_516, %parallel_loop3A_518 : vector<16xf32>
      %parallel_loop3A_520 = arith.addf %parallel_loop3A_519, %get3A_37 : vector<16xf32>
      %parallel_loop3A_521 = arith.constant 2 : i32
      %parallel_loop3A_522 = arith.index_cast %parallel_loop3A_521 : i32 to index
      %parallel_loop3A_523 = arith.index_cast %parallel_loop3A_493 : i32 to index
      %parallel_loop3A_524 = arith.constant 16 : index
      %parallel_loop3A_525 = tpu.vector_load %arg7[%parallel_loop3A_522, %parallel_loop3A_523, %parallel_loop3A_524] {strides = array<i32>} : memref<7x128x128xf32, #tpu.memory_space<vmem>>, vector<1x1x16xf32>,
      %parallel_loop3A_526 = vector.shape_cast %parallel_loop3A_525 : vector<1x1x16xf32> to vector<16xf32>
      %parallel_loop3A_527 = vector.shape_cast %parallel_loop3A_520 : vector<16xf32> to vector<1x1x16xf32>
      tpu.vector_store %arg7[%parallel_loop3A_522, %parallel_loop3A_523, %parallel_loop3A_524], %parallel_loop3A_527 {strides = array<i32>} : memref<7x128x128xf32, #tpu.memory_space<vmem>>, vector<1x1x16xf32>,
      %parallel_loop3A_528 = arith.constant 2 : i32
      %parallel_loop3A_529 = arith.index_cast %parallel_loop3A_528 : i32 to index
      %parallel_loop3A_530 = arith.index_cast %parallel_loop3A_493 : i32 to index
      %parallel_loop3A_531 = arith.constant 32 : index
      %parallel_loop3A_532 = tpu.vector_load %arg7[%parallel_loop3A_529, %parallel_loop3A_530, %parallel_loop3A_531] {strides = array<i32>} : memref<7x128x128xf32, #tpu.memory_space<vmem>>, vector<1x1x16xf32>,
      %parallel_loop3A_533 = vector.shape_cast %parallel_loop3A_532 : vector<1x1x16xf32> to vector<16xf32>
      %parallel_loop3A_534 = arith.constant 11.3137083 : f32
      %parallel_loop3A_535 = vector.broadcast %parallel_loop3A_534 : f32 to vector<16xf32>
      %parallel_loop3A_536 = arith.mulf %parallel_loop3A_533, %parallel_loop3A_535 : vector<16xf32>
      %parallel_loop3A_537 = arith.addf %parallel_loop3A_536, %get3A_40 : vector<16xf32>
      %parallel_loop3A_538 = arith.constant 2 : i32
      %parallel_loop3A_539 = arith.index_cast %parallel_loop3A_538 : i32 to index
      %parallel_loop3A_540 = arith.index_cast %parallel_loop3A_493 : i32 to index
      %parallel_loop3A_541 = arith.constant 32 : index
      %parallel_loop3A_542 = tpu.vector_load %arg7[%parallel_loop3A_539, %parallel_loop3A_540, %parallel_loop3A_541] {strides = array<i32>} : memref<7x128x128xf32, #tpu.memory_space<vmem>>, vector<1x1x16xf32>,
      %parallel_loop3A_543 = vector.shape_cast %parallel_loop3A_542 : vector<1x1x16xf32> to vector<16xf32>
      %parallel_loop3A_544 = vector.shape_cast %parallel_loop3A_537 : vector<16xf32> to vector<1x1x16xf32>
      tpu.vector_store %arg7[%parallel_loop3A_539, %parallel_loop3A_540, %parallel_loop3A_541], %parallel_loop3A_544 {strides = array<i32>} : memref<7x128x128xf32, #tpu.memory_space<vmem>>, vector<1x1x16xf32>,
      %parallel_loop3A_545 = arith.constant 2 : i32
      %parallel_loop3A_546 = arith.index_cast %parallel_loop3A_545 : i32 to index
      %parallel_loop3A_547 = arith.index_cast %parallel_loop3A_493 : i32 to index
      %parallel_loop3A_548 = arith.constant 48 : index
      %parallel_loop3A_549 = tpu.vector_load %arg7[%parallel_loop3A_546, %parallel_loop3A_547, %parallel_loop3A_548] {strides = array<i32>} : memref<7x128x128xf32, #tpu.memory_space<vmem>>, vector<1x1x16xf32>,
      %parallel_loop3A_550 = vector.shape_cast %parallel_loop3A_549 : vector<1x1x16xf32> to vector<16xf32>
      %parallel_loop3A_551 = arith.constant 11.3137083 : f32
      %parallel_loop3A_552 = vector.broadcast %parallel_loop3A_551 : f32 to vector<16xf32>
      %parallel_loop3A_553 = arith.mulf %parallel_loop3A_550, %parallel_loop3A_552 : vector<16xf32>
      %parallel_loop3A_554 = arith.addf %parallel_loop3A_553, %get3A_43 : vector<16xf32>
      %parallel_loop3A_555 = arith.constant 2 : i32
      %parallel_loop3A_556 = arith.index_cast %parallel_loop3A_555 : i32 to index
      %parallel_loop3A_557 = arith.index_cast %parallel_loop3A_493 : i32 to index
      %parallel_loop3A_558 = arith.constant 48 : index
      %parallel_loop3A_559 = tpu.vector_load %arg7[%parallel_loop3A_556, %parallel_loop3A_557, %parallel_loop3A_558] {strides = array<i32>} : memref<7x128x128xf32, #tpu.memory_space<vmem>>, vector<1x1x16xf32>,
      %parallel_loop3A_560 = vector.shape_cast %parallel_loop3A_559 : vector<1x1x16xf32> to vector<16xf32>
      %parallel_loop3A_561 = vector.shape_cast %parallel_loop3A_554 : vector<16xf32> to vector<1x1x16xf32>
      tpu.vector_store %arg7[%parallel_loop3A_556, %parallel_loop3A_557, %parallel_loop3A_558], %parallel_loop3A_561 {strides = array<i32>} : memref<7x128x128xf32, #tpu.memory_space<vmem>>, vector<1x1x16xf32>,
      %parallel_loop3A_562 = arith.constant 2 : i32
      %parallel_loop3A_563 = arith.index_cast %parallel_loop3A_562 : i32 to index
      %parallel_loop3A_564 = arith.index_cast %parallel_loop3A_493 : i32 to index
      %parallel_loop3A_565 = arith.constant 64 : index
      %parallel_loop3A_566 = tpu.vector_load %arg7[%parallel_loop3A_563, %parallel_loop3A_564, %parallel_loop3A_565] {strides = array<i32>} : memref<7x128x128xf32, #tpu.memory_space<vmem>>, vector<1x1x16xf32>,
      %parallel_loop3A_567 = vector.shape_cast %parallel_loop3A_566 : vector<1x1x16xf32> to vector<16xf32>
      %parallel_loop3A_568 = arith.constant 11.3137083 : f32
      %parallel_loop3A_569 = vector.broadcast %parallel_loop3A_568 : f32 to vector<16xf32>
      %parallel_loop3A_570 = arith.mulf %parallel_loop3A_567, %parallel_loop3A_569 : vector<16xf32>
      %parallel_loop3A_571 = arith.addf %parallel_loop3A_570, %get3A_46 : vector<16xf32>
      %parallel_loop3A_572 = arith.constant 2 : i32
      %parallel_loop3A_573 = arith.index_cast %parallel_loop3A_572 : i32 to index
      %parallel_loop3A_574 = arith.index_cast %parallel_loop3A_493 : i32 to index
      %parallel_loop3A_575 = arith.constant 64 : index
      %parallel_loop3A_576 = tpu.vector_load %arg7[%parallel_loop3A_573, %parallel_loop3A_574, %parallel_loop3A_575] {strides = array<i32>} : memref<7x128x128xf32, #tpu.memory_space<vmem>>, vector<1x1x16xf32>,
      %parallel_loop3A_577 = vector.shape_cast %parallel_loop3A_576 : vector<1x1x16xf32> to vector<16xf32>
      %parallel_loop3A_578 = vector.shape_cast %parallel_loop3A_571 : vector<16xf32> to vector<1x1x16xf32>
      tpu.vector_store %arg7[%parallel_loop3A_573, %parallel_loop3A_574, %parallel_loop3A_575], %parallel_loop3A_578 {strides = array<i32>} : memref<7x128x128xf32, #tpu.memory_space<vmem>>, vector<1x1x16xf32>,
      %parallel_loop3A_579 = arith.constant 2 : i32
      %parallel_loop3A_580 = arith.index_cast %parallel_loop3A_579 : i32 to index
      %parallel_loop3A_581 = arith.index_cast %parallel_loop3A_493 : i32 to index
      %parallel_loop3A_582 = arith.constant 80 : index
      %parallel_loop3A_583 = tpu.vector_load %arg7[%parallel_loop3A_580, %parallel_loop3A_581, %parallel_loop3A_582] {strides = array<i32>} : memref<7x128x128xf32, #tpu.memory_space<vmem>>, vector<1x1x16xf32>,
      %parallel_loop3A_584 = vector.shape_cast %parallel_loop3A_583 : vector<1x1x16xf32> to vector<16xf32>
      %parallel_loop3A_585 = arith.constant 11.3137083 : f32
      %parallel_loop3A_586 = vector.broadcast %parallel_loop3A_585 : f32 to vector<16xf32>
      %parallel_loop3A_587 = arith.mulf %parallel_loop3A_584, %parallel_loop3A_586 : vector<16xf32>
      %parallel_loop3A_588 = arith.addf %parallel_loop3A_587, %get3A_49 : vector<16xf32>
      %parallel_loop3A_589 = arith.constant 2 : i32
      %parallel_loop3A_590 = arith.index_cast %parallel_loop3A_589 : i32 to index
      %parallel_loop3A_591 = arith.index_cast %parallel_loop3A_493 : i32 to index
      %parallel_loop3A_592 = arith.constant 80 : index
      %parallel_loop3A_593 = tpu.vector_load %arg7[%parallel_loop3A_590, %parallel_loop3A_591, %parallel_loop3A_592] {strides = array<i32>} : memref<7x128x128xf32, #tpu.memory_space<vmem>>, vector<1x1x16xf32>,
      %parallel_loop3A_594 = vector.shape_cast %parallel_loop3A_593 : vector<1x1x16xf32> to vector<16xf32>
      %parallel_loop3A_595 = vector.shape_cast %parallel_loop3A_588 : vector<16xf32> to vector<1x1x16xf32>
      tpu.vector_store %arg7[%parallel_loop3A_590, %parallel_loop3A_591, %parallel_loop3A_592], %parallel_loop3A_595 {strides = array<i32>} : memref<7x128x128xf32, #tpu.memory_space<vmem>>, vector<1x1x16xf32>,
      %parallel_loop3A_596 = arith.constant 2 : i32
      %parallel_loop3A_597 = arith.index_cast %parallel_loop3A_596 : i32 to index
      %parallel_loop3A_598 = arith.index_cast %parallel_loop3A_493 : i32 to index
      %parallel_loop3A_599 = arith.constant 96 : index
      %parallel_loop3A_600 = tpu.vector_load %arg7[%parallel_loop3A_597, %parallel_loop3A_598, %parallel_loop3A_599] {strides = array<i32>} : memref<7x128x128xf32, #tpu.memory_space<vmem>>, vector<1x1x16xf32>,
      %parallel_loop3A_601 = vector.shape_cast %parallel_loop3A_600 : vector<1x1x16xf32> to vector<16xf32>
      %parallel_loop3A_602 = arith.constant 11.3137083 : f32
      %parallel_loop3A_603 = vector.broadcast %parallel_loop3A_602 : f32 to vector<16xf32>
      %parallel_loop3A_604 = arith.mulf %parallel_loop3A_601, %parallel_loop3A_603 : vector<16xf32>
      %parallel_loop3A_605 = arith.addf %parallel_loop3A_604, %get3A_52 : vector<16xf32>
      %parallel_loop3A_606 = arith.constant 2 : i32
      %parallel_loop3A_607 = arith.index_cast %parallel_loop3A_606 : i32 to index
      %parallel_loop3A_608 = arith.index_cast %parallel_loop3A_493 : i32 to index
      %parallel_loop3A_609 = arith.constant 96 : index
      %parallel_loop3A_610 = tpu.vector_load %arg7[%parallel_loop3A_607, %parallel_loop3A_608, %parallel_loop3A_609] {strides = array<i32>} : memref<7x128x128xf32, #tpu.memory_space<vmem>>, vector<1x1x16xf32>,
      %parallel_loop3A_611 = vector.shape_cast %parallel_loop3A_610 : vector<1x1x16xf32> to vector<16xf32>
      %parallel_loop3A_612 = vector.shape_cast %parallel_loop3A_605 : vector<16xf32> to vector<1x1x16xf32>
      tpu.vector_store %arg7[%parallel_loop3A_607, %parallel_loop3A_608, %parallel_loop3A_609], %parallel_loop3A_612 {strides = array<i32>} : memref<7x128x128xf32, #tpu.memory_space<vmem>>, vector<1x1x16xf32>,
      %parallel_loop3A_613 = arith.constant 2 : i32
      %parallel_loop3A_614 = arith.index_cast %parallel_loop3A_613 : i32 to index
      %parallel_loop3A_615 = arith.index_cast %parallel_loop3A_493 : i32 to index
      %parallel_loop3A_616 = arith.constant 112 : index
      %parallel_loop3A_617 = tpu.vector_load %arg7[%parallel_loop3A_614, %parallel_loop3A_615, %parallel_loop3A_616] {strides = array<i32>} : memref<7x128x128xf32, #tpu.memory_space<vmem>>, vector<1x1x16xf32>,
      %parallel_loop3A_618 = vector.shape_cast %parallel_loop3A_617 : vector<1x1x16xf32> to vector<16xf32>
      %parallel_loop3A_619 = arith.constant 11.3137083 : f32
      %parallel_loop3A_620 = vector.broadcast %parallel_loop3A_619 : f32 to vector<16xf32>
      %parallel_loop3A_621 = arith.mulf %parallel_loop3A_618, %parallel_loop3A_620 : vector<16xf32>
      %parallel_loop3A_622 = arith.addf %parallel_loop3A_621, %get3A_55 : vector<16xf32>
      %parallel_loop3A_623 = arith.constant 2 : i32
      %parallel_loop3A_624 = arith.index_cast %parallel_loop3A_623 : i32 to index
      %parallel_loop3A_625 = arith.index_cast %parallel_loop3A_493 : i32 to index
      %parallel_loop3A_626 = arith.constant 112 : index
      %parallel_loop3A_627 = tpu.vector_load %arg7[%parallel_loop3A_624, %parallel_loop3A_625, %parallel_loop3A_626] {strides = array<i32>} : memref<7x128x128xf32, #tpu.memory_space<vmem>>, vector<1x1x16xf32>,
      %parallel_loop3A_628 = vector.shape_cast %parallel_loop3A_627 : vector<1x1x16xf32> to vector<16xf32>
      %parallel_loop3A_629 = vector.shape_cast %parallel_loop3A_622 : vector<16xf32> to vector<1x1x16xf32>
      tpu.vector_store %arg7[%parallel_loop3A_624, %parallel_loop3A_625, %parallel_loop3A_626], %parallel_loop3A_629 {strides = array<i32>} : memref<7x128x128xf32, #tpu.memory_space<vmem>>, vector<1x1x16xf32>,
    } {sc.loop_unroll_factor = 1 : i64, sc.parallel_access}
    %add3A_221 = arith.constant 256 : i32
    %add3A_222 = arith.addi %mul3A_32, %add3A_221 : i32
    %dma_start3A_223 = arith.constant 2 : i32
    %dma_start3A_224 = arith.constant 0 : i32
    %dma_start3A_225 = arith.constant 0 : i32
    %dma_start3A_226 = tpu.memref_slice %arg7[%dma_start3A_223, %dma_start3A_224, %dma_start3A_225] : memref<7x128x128xf32, #tpu.memory_space<vmem>> -> memref<1x128x128xf32, #tpu.memory_space<vmem>>
    %dma_start3A_227 = tpu.memref_squeeze %dma_start3A_226 : memref<1x128x128xf32, #tpu.memory_space<vmem>> -> memref<128x128xf32, #tpu.memory_space<vmem>>
    %dma_start3A_228 = arith.constant 0 : i32
    %dma_start3A_229 = tpu.memref_slice %arg5[%select_n3A, %add3A_222, %dma_start3A_228] : memref<4x8192x128xf32, #tpu.memory_space<hbm>> -> memref<1x128x128xf32, #tpu.memory_space<hbm>>
    %dma_start3A_230 = tpu.memref_squeeze %dma_start3A_229 : memref<1x128x128xf32, #tpu.memory_space<hbm>> -> memref<128x128xf32, #tpu.memory_space<hbm>>
    %dma_start3A_231 = arith.constant 0 : i32
    %dma_start3A_232 = tpu.memref_slice %arg5[%select_n3A, %add3A_222, %dma_start3A_231] : memref<4x8192x128xf32, #tpu.memory_space<hbm>> -> memref<1x128x128xf32, #tpu.memory_space<hbm>>
    %dma_start3A_233 = tpu.memref_squeeze %dma_start3A_232 : memref<1x128x128xf32, #tpu.memory_space<hbm>> -> memref<128x128xf32, #tpu.memory_space<hbm>>
    %dma_start3A_234 = arith.constant 0 : i32
    %dma_start3A_235 = arith.constant 0 : i32
    %dma_start3A_236 = tpu.memref_slice %arg7[%dma_start3A_223, %dma_start3A_234, %dma_start3A_235] : memref<7x128x128xf32, #tpu.memory_space<vmem>> -> memref<1x128x128xf32, #tpu.memory_space<vmem>>
    %dma_start3A_237 = tpu.memref_squeeze %dma_start3A_236 : memref<1x128x128xf32, #tpu.memory_space<vmem>> -> memref<128x128xf32, #tpu.memory_space<vmem>>
    tpu.enqueue_dma source(%dma_start3A_237 : memref<128x128xf32, #tpu.memory_space<vmem>>) target(%dma_start3A_233 : memref<128x128xf32, #tpu.memory_space<hbm>>) target_semaphore(%arg18 : memref<!tpu.dma_semaphore, #tpu.memory_space<semaphore_mem>>)
    %dma_wait3A_238 = arith.constant 3 : i32
    %dma_wait3A_239 = arith.constant 0 : i32
    %dma_wait3A_240 = arith.constant 0 : i32
    %dma_wait3A_241 = tpu.memref_slice %arg7[%dma_wait3A_238, %dma_wait3A_239, %dma_wait3A_240] : memref<7x128x128xf32, #tpu.memory_space<vmem>> -> memref<1x128x128xf32, #tpu.memory_space<vmem>>
    %dma_wait3A_242 = tpu.memref_squeeze %dma_wait3A_241 : memref<1x128x128xf32, #tpu.memory_space<vmem>> -> memref<128x128xf32, #tpu.memory_space<vmem>>
    %dma_wait3A_243 = arith.constant 384 : i32
    %dma_wait3A_244 = tpu.memref_slice %arg6[%dma_wait3A_243] : memref<1024xi32, #tpu.memory_space<vmem>> -> memref<128xi32, #tpu.memory_space<vmem>>
    %dma_wait3A_245 = arith.constant 0 : i32
    %dma_wait3A_246 = arith.constant 0 : i32
    %dma_wait3A_247 = tpu.memref_slice %arg3[%dma_wait3A_245, %dma_wait3A_246] : memref<100000x128xf32, #tpu.memory_space<hbm>> -> memref<100000x128xf32, #tpu.memory_space<hbm>>
    tpu.wait_indirect_dma semaphore(%arg12 : memref<!tpu.dma_semaphore, #tpu.memory_space<semaphore_mem>>) src(%dma_wait3A_247 : memref<100000x128xf32, #tpu.memory_space<hbm>>) dst(%dma_wait3A_242 : memref<128x128xf32, #tpu.memory_space<vmem>>)
    %parallel_loop3A_248 = arith.constant 0 : i32
    %parallel_loop3A_249 = arith.constant 128 : i32
    %parallel_loop3A_250 = arith.constant 1 : i32
    scf.for %parallel_loop3A_493 = %parallel_loop3A_248 to %parallel_loop3A_249 step %parallel_loop3A_250  : i32 {
      %parallel_loop3A_494 = arith.constant 3 : i32
      %parallel_loop3A_495 = arith.index_cast %parallel_loop3A_494 : i32 to index
      %parallel_loop3A_496 = arith.index_cast %parallel_loop3A_493 : i32 to index
      %parallel_loop3A_497 = arith.constant 0 : index
      %parallel_loop3A_498 = tpu.vector_load %arg7[%parallel_loop3A_495, %parallel_loop3A_496, %parallel_loop3A_497] {strides = array<i32>} : memref<7x128x128xf32, #tpu.memory_space<vmem>>, vector<1x1x16xf32>,
      %parallel_loop3A_499 = vector.shape_cast %parallel_loop3A_498 : vector<1x1x16xf32> to vector<16xf32>
      %parallel_loop3A_500 = arith.constant 11.3137083 : f32
      %parallel_loop3A_501 = vector.broadcast %parallel_loop3A_500 : f32 to vector<16xf32>
      %parallel_loop3A_502 = arith.mulf %parallel_loop3A_499, %parallel_loop3A_501 : vector<16xf32>
      %parallel_loop3A_503 = arith.addf %parallel_loop3A_502, %get3A_34 : vector<16xf32>
      %parallel_loop3A_504 = arith.constant 3 : i32
      %parallel_loop3A_505 = arith.index_cast %parallel_loop3A_504 : i32 to index
      %parallel_loop3A_506 = arith.index_cast %parallel_loop3A_493 : i32 to index
      %parallel_loop3A_507 = arith.constant 0 : index
      %parallel_loop3A_508 = tpu.vector_load %arg7[%parallel_loop3A_505, %parallel_loop3A_506, %parallel_loop3A_507] {strides = array<i32>} : memref<7x128x128xf32, #tpu.memory_space<vmem>>, vector<1x1x16xf32>,
      %parallel_loop3A_509 = vector.shape_cast %parallel_loop3A_508 : vector<1x1x16xf32> to vector<16xf32>
      %parallel_loop3A_510 = vector.shape_cast %parallel_loop3A_503 : vector<16xf32> to vector<1x1x16xf32>
      tpu.vector_store %arg7[%parallel_loop3A_505, %parallel_loop3A_506, %parallel_loop3A_507], %parallel_loop3A_510 {strides = array<i32>} : memref<7x128x128xf32, #tpu.memory_space<vmem>>, vector<1x1x16xf32>,
      %parallel_loop3A_511 = arith.constant 3 : i32
      %parallel_loop3A_512 = arith.index_cast %parallel_loop3A_511 : i32 to index
      %parallel_loop3A_513 = arith.index_cast %parallel_loop3A_493 : i32 to index
      %parallel_loop3A_514 = arith.constant 16 : index
      %parallel_loop3A_515 = tpu.vector_load %arg7[%parallel_loop3A_512, %parallel_loop3A_513, %parallel_loop3A_514] {strides = array<i32>} : memref<7x128x128xf32, #tpu.memory_space<vmem>>, vector<1x1x16xf32>,
      %parallel_loop3A_516 = vector.shape_cast %parallel_loop3A_515 : vector<1x1x16xf32> to vector<16xf32>
      %parallel_loop3A_517 = arith.constant 11.3137083 : f32
      %parallel_loop3A_518 = vector.broadcast %parallel_loop3A_517 : f32 to vector<16xf32>
      %parallel_loop3A_519 = arith.mulf %parallel_loop3A_516, %parallel_loop3A_518 : vector<16xf32>
      %parallel_loop3A_520 = arith.addf %parallel_loop3A_519, %get3A_37 : vector<16xf32>
      %parallel_loop3A_521 = arith.constant 3 : i32
      %parallel_loop3A_522 = arith.index_cast %parallel_loop3A_521 : i32 to index
      %parallel_loop3A_523 = arith.index_cast %parallel_loop3A_493 : i32 to index
      %parallel_loop3A_524 = arith.constant 16 : index
      %parallel_loop3A_525 = tpu.vector_load %arg7[%parallel_loop3A_522, %parallel_loop3A_523, %parallel_loop3A_524] {strides = array<i32>} : memref<7x128x128xf32, #tpu.memory_space<vmem>>, vector<1x1x16xf32>,
      %parallel_loop3A_526 = vector.shape_cast %parallel_loop3A_525 : vector<1x1x16xf32> to vector<16xf32>
      %parallel_loop3A_527 = vector.shape_cast %parallel_loop3A_520 : vector<16xf32> to vector<1x1x16xf32>
      tpu.vector_store %arg7[%parallel_loop3A_522, %parallel_loop3A_523, %parallel_loop3A_524], %parallel_loop3A_527 {strides = array<i32>} : memref<7x128x128xf32, #tpu.memory_space<vmem>>, vector<1x1x16xf32>,
      %parallel_loop3A_528 = arith.constant 3 : i32
      %parallel_loop3A_529 = arith.index_cast %parallel_loop3A_528 : i32 to index
      %parallel_loop3A_530 = arith.index_cast %parallel_loop3A_493 : i32 to index
      %parallel_loop3A_531 = arith.constant 32 : index
      %parallel_loop3A_532 = tpu.vector_load %arg7[%parallel_loop3A_529, %parallel_loop3A_530, %parallel_loop3A_531] {strides = array<i32>} : memref<7x128x128xf32, #tpu.memory_space<vmem>>, vector<1x1x16xf32>,
      %parallel_loop3A_533 = vector.shape_cast %parallel_loop3A_532 : vector<1x1x16xf32> to vector<16xf32>
      %parallel_loop3A_534 = arith.constant 11.3137083 : f32
      %parallel_loop3A_535 = vector.broadcast %parallel_loop3A_534 : f32 to vector<16xf32>
      %parallel_loop3A_536 = arith.mulf %parallel_loop3A_533, %parallel_loop3A_535 : vector<16xf32>
      %parallel_loop3A_537 = arith.addf %parallel_loop3A_536, %get3A_40 : vector<16xf32>
      %parallel_loop3A_538 = arith.constant 3 : i32
      %parallel_loop3A_539 = arith.index_cast %parallel_loop3A_538 : i32 to index
      %parallel_loop3A_540 = arith.index_cast %parallel_loop3A_493 : i32 to index
      %parallel_loop3A_541 = arith.constant 32 : index
      %parallel_loop3A_542 = tpu.vector_load %arg7[%parallel_loop3A_539, %parallel_loop3A_540, %parallel_loop3A_541] {strides = array<i32>} : memref<7x128x128xf32, #tpu.memory_space<vmem>>, vector<1x1x16xf32>,
      %parallel_loop3A_543 = vector.shape_cast %parallel_loop3A_542 : vector<1x1x16xf32> to vector<16xf32>
      %parallel_loop3A_544 = vector.shape_cast %parallel_loop3A_537 : vector<16xf32> to vector<1x1x16xf32>
      tpu.vector_store %arg7[%parallel_loop3A_539, %parallel_loop3A_540, %parallel_loop3A_541], %parallel_loop3A_544 {strides = array<i32>} : memref<7x128x128xf32, #tpu.memory_space<vmem>>, vector<1x1x16xf32>,
      %parallel_loop3A_545 = arith.constant 3 : i32
      %parallel_loop3A_546 = arith.index_cast %parallel_loop3A_545 : i32 to index
      %parallel_loop3A_547 = arith.index_cast %parallel_loop3A_493 : i32 to index
      %parallel_loop3A_548 = arith.constant 48 : index
      %parallel_loop3A_549 = tpu.vector_load %arg7[%parallel_loop3A_546, %parallel_loop3A_547, %parallel_loop3A_548] {strides = array<i32>} : memref<7x128x128xf32, #tpu.memory_space<vmem>>, vector<1x1x16xf32>,
      %parallel_loop3A_550 = vector.shape_cast %parallel_loop3A_549 : vector<1x1x16xf32> to vector<16xf32>
      %parallel_loop3A_551 = arith.constant 11.3137083 : f32
      %parallel_loop3A_552 = vector.broadcast %parallel_loop3A_551 : f32 to vector<16xf32>
      %parallel_loop3A_553 = arith.mulf %parallel_loop3A_550, %parallel_loop3A_552 : vector<16xf32>
      %parallel_loop3A_554 = arith.addf %parallel_loop3A_553, %get3A_43 : vector<16xf32>
      %parallel_loop3A_555 = arith.constant 3 : i32
      %parallel_loop3A_556 = arith.index_cast %parallel_loop3A_555 : i32 to index
      %parallel_loop3A_557 = arith.index_cast %parallel_loop3A_493 : i32 to index
      %parallel_loop3A_558 = arith.constant 48 : index
      %parallel_loop3A_559 = tpu.vector_load %arg7[%parallel_loop3A_556, %parallel_loop3A_557, %parallel_loop3A_558] {strides = array<i32>} : memref<7x128x128xf32, #tpu.memory_space<vmem>>, vector<1x1x16xf32>,
      %parallel_loop3A_560 = vector.shape_cast %parallel_loop3A_559 : vector<1x1x16xf32> to vector<16xf32>
      %parallel_loop3A_561 = vector.shape_cast %parallel_loop3A_554 : vector<16xf32> to vector<1x1x16xf32>
      tpu.vector_store %arg7[%parallel_loop3A_556, %parallel_loop3A_557, %parallel_loop3A_558], %parallel_loop3A_561 {strides = array<i32>} : memref<7x128x128xf32, #tpu.memory_space<vmem>>, vector<1x1x16xf32>,
      %parallel_loop3A_562 = arith.constant 3 : i32
      %parallel_loop3A_563 = arith.index_cast %parallel_loop3A_562 : i32 to index
      %parallel_loop3A_564 = arith.index_cast %parallel_loop3A_493 : i32 to index
      %parallel_loop3A_565 = arith.constant 64 : index
      %parallel_loop3A_566 = tpu.vector_load %arg7[%parallel_loop3A_563, %parallel_loop3A_564, %parallel_loop3A_565] {strides = array<i32>} : memref<7x128x128xf32, #tpu.memory_space<vmem>>, vector<1x1x16xf32>,
      %parallel_loop3A_567 = vector.shape_cast %parallel_loop3A_566 : vector<1x1x16xf32> to vector<16xf32>
      %parallel_loop3A_568 = arith.constant 11.3137083 : f32
      %parallel_loop3A_569 = vector.broadcast %parallel_loop3A_568 : f32 to vector<16xf32>
      %parallel_loop3A_570 = arith.mulf %parallel_loop3A_567, %parallel_loop3A_569 : vector<16xf32>
      %parallel_loop3A_571 = arith.addf %parallel_loop3A_570, %get3A_46 : vector<16xf32>
      %parallel_loop3A_572 = arith.constant 3 : i32
      %parallel_loop3A_573 = arith.index_cast %parallel_loop3A_572 : i32 to index
      %parallel_loop3A_574 = arith.index_cast %parallel_loop3A_493 : i32 to index
      %parallel_loop3A_575 = arith.constant 64 : index
      %parallel_loop3A_576 = tpu.vector_load %arg7[%parallel_loop3A_573, %parallel_loop3A_574, %parallel_loop3A_575] {strides = array<i32>} : memref<7x128x128xf32, #tpu.memory_space<vmem>>, vector<1x1x16xf32>,
      %parallel_loop3A_577 = vector.shape_cast %parallel_loop3A_576 : vector<1x1x16xf32> to vector<16xf32>
      %parallel_loop3A_578 = vector.shape_cast %parallel_loop3A_571 : vector<16xf32> to vector<1x1x16xf32>
      tpu.vector_store %arg7[%parallel_loop3A_573, %parallel_loop3A_574, %parallel_loop3A_575], %parallel_loop3A_578 {strides = array<i32>} : memref<7x128x128xf32, #tpu.memory_space<vmem>>, vector<1x1x16xf32>,
      %parallel_loop3A_579 = arith.constant 3 : i32
      %parallel_loop3A_580 = arith.index_cast %parallel_loop3A_579 : i32 to index
      %parallel_loop3A_581 = arith.index_cast %parallel_loop3A_493 : i32 to index
      %parallel_loop3A_582 = arith.constant 80 : index
      %parallel_loop3A_583 = tpu.vector_load %arg7[%parallel_loop3A_580, %parallel_loop3A_581, %parallel_loop3A_582] {strides = array<i32>} : memref<7x128x128xf32, #tpu.memory_space<vmem>>, vector<1x1x16xf32>,
      %parallel_loop3A_584 = vector.shape_cast %parallel_loop3A_583 : vector<1x1x16xf32> to vector<16xf32>
      %parallel_loop3A_585 = arith.constant 11.3137083 : f32
      %parallel_loop3A_586 = vector.broadcast %parallel_loop3A_585 : f32 to vector<16xf32>
      %parallel_loop3A_587 = arith.mulf %parallel_loop3A_584, %parallel_loop3A_586 : vector<16xf32>
      %parallel_loop3A_588 = arith.addf %parallel_loop3A_587, %get3A_49 : vector<16xf32>
      %parallel_loop3A_589 = arith.constant 3 : i32
      %parallel_loop3A_590 = arith.index_cast %parallel_loop3A_589 : i32 to index
      %parallel_loop3A_591 = arith.index_cast %parallel_loop3A_493 : i32 to index
      %parallel_loop3A_592 = arith.constant 80 : index
      %parallel_loop3A_593 = tpu.vector_load %arg7[%parallel_loop3A_590, %parallel_loop3A_591, %parallel_loop3A_592] {strides = array<i32>} : memref<7x128x128xf32, #tpu.memory_space<vmem>>, vector<1x1x16xf32>,
      %parallel_loop3A_594 = vector.shape_cast %parallel_loop3A_593 : vector<1x1x16xf32> to vector<16xf32>
      %parallel_loop3A_595 = vector.shape_cast %parallel_loop3A_588 : vector<16xf32> to vector<1x1x16xf32>
      tpu.vector_store %arg7[%parallel_loop3A_590, %parallel_loop3A_591, %parallel_loop3A_592], %parallel_loop3A_595 {strides = array<i32>} : memref<7x128x128xf32, #tpu.memory_space<vmem>>, vector<1x1x16xf32>,
      %parallel_loop3A_596 = arith.constant 3 : i32
      %parallel_loop3A_597 = arith.index_cast %parallel_loop3A_596 : i32 to index
      %parallel_loop3A_598 = arith.index_cast %parallel_loop3A_493 : i32 to index
      %parallel_loop3A_599 = arith.constant 96 : index
      %parallel_loop3A_600 = tpu.vector_load %arg7[%parallel_loop3A_597, %parallel_loop3A_598, %parallel_loop3A_599] {strides = array<i32>} : memref<7x128x128xf32, #tpu.memory_space<vmem>>, vector<1x1x16xf32>,
      %parallel_loop3A_601 = vector.shape_cast %parallel_loop3A_600 : vector<1x1x16xf32> to vector<16xf32>
      %parallel_loop3A_602 = arith.constant 11.3137083 : f32
      %parallel_loop3A_603 = vector.broadcast %parallel_loop3A_602 : f32 to vector<16xf32>
      %parallel_loop3A_604 = arith.mulf %parallel_loop3A_601, %parallel_loop3A_603 : vector<16xf32>
      %parallel_loop3A_605 = arith.addf %parallel_loop3A_604, %get3A_52 : vector<16xf32>
      %parallel_loop3A_606 = arith.constant 3 : i32
      %parallel_loop3A_607 = arith.index_cast %parallel_loop3A_606 : i32 to index
      %parallel_loop3A_608 = arith.index_cast %parallel_loop3A_493 : i32 to index
      %parallel_loop3A_609 = arith.constant 96 : index
      %parallel_loop3A_610 = tpu.vector_load %arg7[%parallel_loop3A_607, %parallel_loop3A_608, %parallel_loop3A_609] {strides = array<i32>} : memref<7x128x128xf32, #tpu.memory_space<vmem>>, vector<1x1x16xf32>,
      %parallel_loop3A_611 = vector.shape_cast %parallel_loop3A_610 : vector<1x1x16xf32> to vector<16xf32>
      %parallel_loop3A_612 = vector.shape_cast %parallel_loop3A_605 : vector<16xf32> to vector<1x1x16xf32>
      tpu.vector_store %arg7[%parallel_loop3A_607, %parallel_loop3A_608, %parallel_loop3A_609], %parallel_loop3A_612 {strides = array<i32>} : memref<7x128x128xf32, #tpu.memory_space<vmem>>, vector<1x1x16xf32>,
      %parallel_loop3A_613 = arith.constant 3 : i32
      %parallel_loop3A_614 = arith.index_cast %parallel_loop3A_613 : i32 to index
      %parallel_loop3A_615 = arith.index_cast %parallel_loop3A_493 : i32 to index
      %parallel_loop3A_616 = arith.constant 112 : index
      %parallel_loop3A_617 = tpu.vector_load %arg7[%parallel_loop3A_614, %parallel_loop3A_615, %parallel_loop3A_616] {strides = array<i32>} : memref<7x128x128xf32, #tpu.memory_space<vmem>>, vector<1x1x16xf32>,
      %parallel_loop3A_618 = vector.shape_cast %parallel_loop3A_617 : vector<1x1x16xf32> to vector<16xf32>
      %parallel_loop3A_619 = arith.constant 11.3137083 : f32
      %parallel_loop3A_620 = vector.broadcast %parallel_loop3A_619 : f32 to vector<16xf32>
      %parallel_loop3A_621 = arith.mulf %parallel_loop3A_618, %parallel_loop3A_620 : vector<16xf32>
      %parallel_loop3A_622 = arith.addf %parallel_loop3A_621, %get3A_55 : vector<16xf32>
      %parallel_loop3A_623 = arith.constant 3 : i32
      %parallel_loop3A_624 = arith.index_cast %parallel_loop3A_623 : i32 to index
      %parallel_loop3A_625 = arith.index_cast %parallel_loop3A_493 : i32 to index
      %parallel_loop3A_626 = arith.constant 112 : index
      %parallel_loop3A_627 = tpu.vector_load %arg7[%parallel_loop3A_624, %parallel_loop3A_625, %parallel_loop3A_626] {strides = array<i32>} : memref<7x128x128xf32, #tpu.memory_space<vmem>>, vector<1x1x16xf32>,
      %parallel_loop3A_628 = vector.shape_cast %parallel_loop3A_627 : vector<1x1x16xf32> to vector<16xf32>
      %parallel_loop3A_629 = vector.shape_cast %parallel_loop3A_622 : vector<16xf32> to vector<1x1x16xf32>
      tpu.vector_store %arg7[%parallel_loop3A_624, %parallel_loop3A_625, %parallel_loop3A_626], %parallel_loop3A_629 {strides = array<i32>} : memref<7x128x128xf32, #tpu.memory_space<vmem>>, vector<1x1x16xf32>,
    } {sc.loop_unroll_factor = 1 : i64, sc.parallel_access}
    %add3A_251 = arith.constant 384 : i32
    %add3A_252 = arith.addi %mul3A_32, %add3A_251 : i32
    %dma_start3A_253 = arith.constant 3 : i32
    %dma_start3A_254 = arith.constant 0 : i32
    %dma_start3A_255 = arith.constant 0 : i32
    %dma_start3A_256 = tpu.memref_slice %arg7[%dma_start3A_253, %dma_start3A_254, %dma_start3A_255] : memref<7x128x128xf32, #tpu.memory_space<vmem>> -> memref<1x128x128xf32, #tpu.memory_space<vmem>>
    %dma_start3A_257 = tpu.memref_squeeze %dma_start3A_256 : memref<1x128x128xf32, #tpu.memory_space<vmem>> -> memref<128x128xf32, #tpu.memory_space<vmem>>
    %dma_start3A_258 = arith.constant 0 : i32
    %dma_start3A_259 = tpu.memref_slice %arg5[%select_n3A, %add3A_252, %dma_start3A_258] : memref<4x8192x128xf32, #tpu.memory_space<hbm>> -> memref<1x128x128xf32, #tpu.memory_space<hbm>>
    %dma_start3A_260 = tpu.memref_squeeze %dma_start3A_259 : memref<1x128x128xf32, #tpu.memory_space<hbm>> -> memref<128x128xf32, #tpu.memory_space<hbm>>
    %dma_start3A_261 = arith.constant 0 : i32
    %dma_start3A_262 = tpu.memref_slice %arg5[%select_n3A, %add3A_252, %dma_start3A_261] : memref<4x8192x128xf32, #tpu.memory_space<hbm>> -> memref<1x128x128xf32, #tpu.memory_space<hbm>>
    %dma_start3A_263 = tpu.memref_squeeze %dma_start3A_262 : memref<1x128x128xf32, #tpu.memory_space<hbm>> -> memref<128x128xf32, #tpu.memory_space<hbm>>
    %dma_start3A_264 = arith.constant 0 : i32
    %dma_start3A_265 = arith.constant 0 : i32
    %dma_start3A_266 = tpu.memref_slice %arg7[%dma_start3A_253, %dma_start3A_264, %dma_start3A_265] : memref<7x128x128xf32, #tpu.memory_space<vmem>> -> memref<1x128x128xf32, #tpu.memory_space<vmem>>
    %dma_start3A_267 = tpu.memref_squeeze %dma_start3A_266 : memref<1x128x128xf32, #tpu.memory_space<vmem>> -> memref<128x128xf32, #tpu.memory_space<vmem>>
    tpu.enqueue_dma source(%dma_start3A_267 : memref<128x128xf32, #tpu.memory_space<vmem>>) target(%dma_start3A_263 : memref<128x128xf32, #tpu.memory_space<hbm>>) target_semaphore(%arg19 : memref<!tpu.dma_semaphore, #tpu.memory_space<semaphore_mem>>)
    %dma_wait3A_268 = arith.constant 4 : i32
    %dma_wait3A_269 = arith.constant 0 : i32
    %dma_wait3A_270 = arith.constant 0 : i32
    %dma_wait3A_271 = tpu.memref_slice %arg7[%dma_wait3A_268, %dma_wait3A_269, %dma_wait3A_270] : memref<7x128x128xf32, #tpu.memory_space<vmem>> -> memref<1x128x128xf32, #tpu.memory_space<vmem>>
    %dma_wait3A_272 = tpu.memref_squeeze %dma_wait3A_271 : memref<1x128x128xf32, #tpu.memory_space<vmem>> -> memref<128x128xf32, #tpu.memory_space<vmem>>
    %dma_wait3A_273 = arith.constant 512 : i32
    %dma_wait3A_274 = tpu.memref_slice %arg6[%dma_wait3A_273] : memref<1024xi32, #tpu.memory_space<vmem>> -> memref<128xi32, #tpu.memory_space<vmem>>
    %dma_wait3A_275 = arith.constant 0 : i32
    %dma_wait3A_276 = arith.constant 0 : i32
    %dma_wait3A_277 = tpu.memref_slice %arg3[%dma_wait3A_275, %dma_wait3A_276] : memref<100000x128xf32, #tpu.memory_space<hbm>> -> memref<100000x128xf32, #tpu.memory_space<hbm>>
    tpu.wait_indirect_dma semaphore(%arg13 : memref<!tpu.dma_semaphore, #tpu.memory_space<semaphore_mem>>) src(%dma_wait3A_277 : memref<100000x128xf32, #tpu.memory_space<hbm>>) dst(%dma_wait3A_272 : memref<128x128xf32, #tpu.memory_space<vmem>>)
    %parallel_loop3A_278 = arith.constant 0 : i32
    %parallel_loop3A_279 = arith.constant 128 : i32
    %parallel_loop3A_280 = arith.constant 1 : i32
    scf.for %parallel_loop3A_493 = %parallel_loop3A_278 to %parallel_loop3A_279 step %parallel_loop3A_280  : i32 {
      %parallel_loop3A_494 = arith.constant 4 : i32
      %parallel_loop3A_495 = arith.index_cast %parallel_loop3A_494 : i32 to index
      %parallel_loop3A_496 = arith.index_cast %parallel_loop3A_493 : i32 to index
      %parallel_loop3A_497 = arith.constant 0 : index
      %parallel_loop3A_498 = tpu.vector_load %arg7[%parallel_loop3A_495, %parallel_loop3A_496, %parallel_loop3A_497] {strides = array<i32>} : memref<7x128x128xf32, #tpu.memory_space<vmem>>, vector<1x1x16xf32>,
      %parallel_loop3A_499 = vector.shape_cast %parallel_loop3A_498 : vector<1x1x16xf32> to vector<16xf32>
      %parallel_loop3A_500 = arith.constant 11.3137083 : f32
      %parallel_loop3A_501 = vector.broadcast %parallel_loop3A_500 : f32 to vector<16xf32>
      %parallel_loop3A_502 = arith.mulf %parallel_loop3A_499, %parallel_loop3A_501 : vector<16xf32>
      %parallel_loop3A_503 = arith.addf %parallel_loop3A_502, %get3A_34 : vector<16xf32>
      %parallel_loop3A_504 = arith.constant 4 : i32
      %parallel_loop3A_505 = arith.index_cast %parallel_loop3A_504 : i32 to index
      %parallel_loop3A_506 = arith.index_cast %parallel_loop3A_493 : i32 to index
      %parallel_loop3A_507 = arith.constant 0 : index
      %parallel_loop3A_508 = tpu.vector_load %arg7[%parallel_loop3A_505, %parallel_loop3A_506, %parallel_loop3A_507] {strides = array<i32>} : memref<7x128x128xf32, #tpu.memory_space<vmem>>, vector<1x1x16xf32>,
      %parallel_loop3A_509 = vector.shape_cast %parallel_loop3A_508 : vector<1x1x16xf32> to vector<16xf32>
      %parallel_loop3A_510 = vector.shape_cast %parallel_loop3A_503 : vector<16xf32> to vector<1x1x16xf32>
      tpu.vector_store %arg7[%parallel_loop3A_505, %parallel_loop3A_506, %parallel_loop3A_507], %parallel_loop3A_510 {strides = array<i32>} : memref<7x128x128xf32, #tpu.memory_space<vmem>>, vector<1x1x16xf32>,
      %parallel_loop3A_511 = arith.constant 4 : i32
      %parallel_loop3A_512 = arith.index_cast %parallel_loop3A_511 : i32 to index
      %parallel_loop3A_513 = arith.index_cast %parallel_loop3A_493 : i32 to index
      %parallel_loop3A_514 = arith.constant 16 : index
      %parallel_loop3A_515 = tpu.vector_load %arg7[%parallel_loop3A_512, %parallel_loop3A_513, %parallel_loop3A_514] {strides = array<i32>} : memref<7x128x128xf32, #tpu.memory_space<vmem>>, vector<1x1x16xf32>,
      %parallel_loop3A_516 = vector.shape_cast %parallel_loop3A_515 : vector<1x1x16xf32> to vector<16xf32>
      %parallel_loop3A_517 = arith.constant 11.3137083 : f32
      %parallel_loop3A_518 = vector.broadcast %parallel_loop3A_517 : f32 to vector<16xf32>
      %parallel_loop3A_519 = arith.mulf %parallel_loop3A_516, %parallel_loop3A_518 : vector<16xf32>
      %parallel_loop3A_520 = arith.addf %parallel_loop3A_519, %get3A_37 : vector<16xf32>
      %parallel_loop3A_521 = arith.constant 4 : i32
      %parallel_loop3A_522 = arith.index_cast %parallel_loop3A_521 : i32 to index
      %parallel_loop3A_523 = arith.index_cast %parallel_loop3A_493 : i32 to index
      %parallel_loop3A_524 = arith.constant 16 : index
      %parallel_loop3A_525 = tpu.vector_load %arg7[%parallel_loop3A_522, %parallel_loop3A_523, %parallel_loop3A_524] {strides = array<i32>} : memref<7x128x128xf32, #tpu.memory_space<vmem>>, vector<1x1x16xf32>,
      %parallel_loop3A_526 = vector.shape_cast %parallel_loop3A_525 : vector<1x1x16xf32> to vector<16xf32>
      %parallel_loop3A_527 = vector.shape_cast %parallel_loop3A_520 : vector<16xf32> to vector<1x1x16xf32>
      tpu.vector_store %arg7[%parallel_loop3A_522, %parallel_loop3A_523, %parallel_loop3A_524], %parallel_loop3A_527 {strides = array<i32>} : memref<7x128x128xf32, #tpu.memory_space<vmem>>, vector<1x1x16xf32>,
      %parallel_loop3A_528 = arith.constant 4 : i32
      %parallel_loop3A_529 = arith.index_cast %parallel_loop3A_528 : i32 to index
      %parallel_loop3A_530 = arith.index_cast %parallel_loop3A_493 : i32 to index
      %parallel_loop3A_531 = arith.constant 32 : index
      %parallel_loop3A_532 = tpu.vector_load %arg7[%parallel_loop3A_529, %parallel_loop3A_530, %parallel_loop3A_531] {strides = array<i32>} : memref<7x128x128xf32, #tpu.memory_space<vmem>>, vector<1x1x16xf32>,
      %parallel_loop3A_533 = vector.shape_cast %parallel_loop3A_532 : vector<1x1x16xf32> to vector<16xf32>
      %parallel_loop3A_534 = arith.constant 11.3137083 : f32
      %parallel_loop3A_535 = vector.broadcast %parallel_loop3A_534 : f32 to vector<16xf32>
      %parallel_loop3A_536 = arith.mulf %parallel_loop3A_533, %parallel_loop3A_535 : vector<16xf32>
      %parallel_loop3A_537 = arith.addf %parallel_loop3A_536, %get3A_40 : vector<16xf32>
      %parallel_loop3A_538 = arith.constant 4 : i32
      %parallel_loop3A_539 = arith.index_cast %parallel_loop3A_538 : i32 to index
      %parallel_loop3A_540 = arith.index_cast %parallel_loop3A_493 : i32 to index
      %parallel_loop3A_541 = arith.constant 32 : index
      %parallel_loop3A_542 = tpu.vector_load %arg7[%parallel_loop3A_539, %parallel_loop3A_540, %parallel_loop3A_541] {strides = array<i32>} : memref<7x128x128xf32, #tpu.memory_space<vmem>>, vector<1x1x16xf32>,
      %parallel_loop3A_543 = vector.shape_cast %parallel_loop3A_542 : vector<1x1x16xf32> to vector<16xf32>
      %parallel_loop3A_544 = vector.shape_cast %parallel_loop3A_537 : vector<16xf32> to vector<1x1x16xf32>
      tpu.vector_store %arg7[%parallel_loop3A_539, %parallel_loop3A_540, %parallel_loop3A_541], %parallel_loop3A_544 {strides = array<i32>} : memref<7x128x128xf32, #tpu.memory_space<vmem>>, vector<1x1x16xf32>,
      %parallel_loop3A_545 = arith.constant 4 : i32
      %parallel_loop3A_546 = arith.index_cast %parallel_loop3A_545 : i32 to index
      %parallel_loop3A_547 = arith.index_cast %parallel_loop3A_493 : i32 to index
      %parallel_loop3A_548 = arith.constant 48 : index
      %parallel_loop3A_549 = tpu.vector_load %arg7[%parallel_loop3A_546, %parallel_loop3A_547, %parallel_loop3A_548] {strides = array<i32>} : memref<7x128x128xf32, #tpu.memory_space<vmem>>, vector<1x1x16xf32>,
      %parallel_loop3A_550 = vector.shape_cast %parallel_loop3A_549 : vector<1x1x16xf32> to vector<16xf32>
      %parallel_loop3A_551 = arith.constant 11.3137083 : f32
      %parallel_loop3A_552 = vector.broadcast %parallel_loop3A_551 : f32 to vector<16xf32>
      %parallel_loop3A_553 = arith.mulf %parallel_loop3A_550, %parallel_loop3A_552 : vector<16xf32>
      %parallel_loop3A_554 = arith.addf %parallel_loop3A_553, %get3A_43 : vector<16xf32>
      %parallel_loop3A_555 = arith.constant 4 : i32
      %parallel_loop3A_556 = arith.index_cast %parallel_loop3A_555 : i32 to index
      %parallel_loop3A_557 = arith.index_cast %parallel_loop3A_493 : i32 to index
      %parallel_loop3A_558 = arith.constant 48 : index
      %parallel_loop3A_559 = tpu.vector_load %arg7[%parallel_loop3A_556, %parallel_loop3A_557, %parallel_loop3A_558] {strides = array<i32>} : memref<7x128x128xf32, #tpu.memory_space<vmem>>, vector<1x1x16xf32>,
      %parallel_loop3A_560 = vector.shape_cast %parallel_loop3A_559 : vector<1x1x16xf32> to vector<16xf32>
      %parallel_loop3A_561 = vector.shape_cast %parallel_loop3A_554 : vector<16xf32> to vector<1x1x16xf32>
      tpu.vector_store %arg7[%parallel_loop3A_556, %parallel_loop3A_557, %parallel_loop3A_558], %parallel_loop3A_561 {strides = array<i32>} : memref<7x128x128xf32, #tpu.memory_space<vmem>>, vector<1x1x16xf32>,
      %parallel_loop3A_562 = arith.constant 4 : i32
      %parallel_loop3A_563 = arith.index_cast %parallel_loop3A_562 : i32 to index
      %parallel_loop3A_564 = arith.index_cast %parallel_loop3A_493 : i32 to index
      %parallel_loop3A_565 = arith.constant 64 : index
      %parallel_loop3A_566 = tpu.vector_load %arg7[%parallel_loop3A_563, %parallel_loop3A_564, %parallel_loop3A_565] {strides = array<i32>} : memref<7x128x128xf32, #tpu.memory_space<vmem>>, vector<1x1x16xf32>,
      %parallel_loop3A_567 = vector.shape_cast %parallel_loop3A_566 : vector<1x1x16xf32> to vector<16xf32>
      %parallel_loop3A_568 = arith.constant 11.3137083 : f32
      %parallel_loop3A_569 = vector.broadcast %parallel_loop3A_568 : f32 to vector<16xf32>
      %parallel_loop3A_570 = arith.mulf %parallel_loop3A_567, %parallel_loop3A_569 : vector<16xf32>
      %parallel_loop3A_571 = arith.addf %parallel_loop3A_570, %get3A_46 : vector<16xf32>
      %parallel_loop3A_572 = arith.constant 4 : i32
      %parallel_loop3A_573 = arith.index_cast %parallel_loop3A_572 : i32 to index
      %parallel_loop3A_574 = arith.index_cast %parallel_loop3A_493 : i32 to index
      %parallel_loop3A_575 = arith.constant 64 : index
      %parallel_loop3A_576 = tpu.vector_load %arg7[%parallel_loop3A_573, %parallel_loop3A_574, %parallel_loop3A_575] {strides = array<i32>} : memref<7x128x128xf32, #tpu.memory_space<vmem>>, vector<1x1x16xf32>,
      %parallel_loop3A_577 = vector.shape_cast %parallel_loop3A_576 : vector<1x1x16xf32> to vector<16xf32>
      %parallel_loop3A_578 = vector.shape_cast %parallel_loop3A_571 : vector<16xf32> to vector<1x1x16xf32>
      tpu.vector_store %arg7[%parallel_loop3A_573, %parallel_loop3A_574, %parallel_loop3A_575], %parallel_loop3A_578 {strides = array<i32>} : memref<7x128x128xf32, #tpu.memory_space<vmem>>, vector<1x1x16xf32>,
      %parallel_loop3A_579 = arith.constant 4 : i32
      %parallel_loop3A_580 = arith.index_cast %parallel_loop3A_579 : i32 to index
      %parallel_loop3A_581 = arith.index_cast %parallel_loop3A_493 : i32 to index
      %parallel_loop3A_582 = arith.constant 80 : index
      %parallel_loop3A_583 = tpu.vector_load %arg7[%parallel_loop3A_580, %parallel_loop3A_581, %parallel_loop3A_582] {strides = array<i32>} : memref<7x128x128xf32, #tpu.memory_space<vmem>>, vector<1x1x16xf32>,
      %parallel_loop3A_584 = vector.shape_cast %parallel_loop3A_583 : vector<1x1x16xf32> to vector<16xf32>
      %parallel_loop3A_585 = arith.constant 11.3137083 : f32
      %parallel_loop3A_586 = vector.broadcast %parallel_loop3A_585 : f32 to vector<16xf32>
      %parallel_loop3A_587 = arith.mulf %parallel_loop3A_584, %parallel_loop3A_586 : vector<16xf32>
      %parallel_loop3A_588 = arith.addf %parallel_loop3A_587, %get3A_49 : vector<16xf32>
      %parallel_loop3A_589 = arith.constant 4 : i32
      %parallel_loop3A_590 = arith.index_cast %parallel_loop3A_589 : i32 to index
      %parallel_loop3A_591 = arith.index_cast %parallel_loop3A_493 : i32 to index
      %parallel_loop3A_592 = arith.constant 80 : index
      %parallel_loop3A_593 = tpu.vector_load %arg7[%parallel_loop3A_590, %parallel_loop3A_591, %parallel_loop3A_592] {strides = array<i32>} : memref<7x128x128xf32, #tpu.memory_space<vmem>>, vector<1x1x16xf32>,
      %parallel_loop3A_594 = vector.shape_cast %parallel_loop3A_593 : vector<1x1x16xf32> to vector<16xf32>
      %parallel_loop3A_595 = vector.shape_cast %parallel_loop3A_588 : vector<16xf32> to vector<1x1x16xf32>
      tpu.vector_store %arg7[%parallel_loop3A_590, %parallel_loop3A_591, %parallel_loop3A_592], %parallel_loop3A_595 {strides = array<i32>} : memref<7x128x128xf32, #tpu.memory_space<vmem>>, vector<1x1x16xf32>,
      %parallel_loop3A_596 = arith.constant 4 : i32
      %parallel_loop3A_597 = arith.index_cast %parallel_loop3A_596 : i32 to index
      %parallel_loop3A_598 = arith.index_cast %parallel_loop3A_493 : i32 to index
      %parallel_loop3A_599 = arith.constant 96 : index
      %parallel_loop3A_600 = tpu.vector_load %arg7[%parallel_loop3A_597, %parallel_loop3A_598, %parallel_loop3A_599] {strides = array<i32>} : memref<7x128x128xf32, #tpu.memory_space<vmem>>, vector<1x1x16xf32>,
      %parallel_loop3A_601 = vector.shape_cast %parallel_loop3A_600 : vector<1x1x16xf32> to vector<16xf32>
      %parallel_loop3A_602 = arith.constant 11.3137083 : f32
      %parallel_loop3A_603 = vector.broadcast %parallel_loop3A_602 : f32 to vector<16xf32>
      %parallel_loop3A_604 = arith.mulf %parallel_loop3A_601, %parallel_loop3A_603 : vector<16xf32>
      %parallel_loop3A_605 = arith.addf %parallel_loop3A_604, %get3A_52 : vector<16xf32>
      %parallel_loop3A_606 = arith.constant 4 : i32
      %parallel_loop3A_607 = arith.index_cast %parallel_loop3A_606 : i32 to index
      %parallel_loop3A_608 = arith.index_cast %parallel_loop3A_493 : i32 to index
      %parallel_loop3A_609 = arith.constant 96 : index
      %parallel_loop3A_610 = tpu.vector_load %arg7[%parallel_loop3A_607, %parallel_loop3A_608, %parallel_loop3A_609] {strides = array<i32>} : memref<7x128x128xf32, #tpu.memory_space<vmem>>, vector<1x1x16xf32>,
      %parallel_loop3A_611 = vector.shape_cast %parallel_loop3A_610 : vector<1x1x16xf32> to vector<16xf32>
      %parallel_loop3A_612 = vector.shape_cast %parallel_loop3A_605 : vector<16xf32> to vector<1x1x16xf32>
      tpu.vector_store %arg7[%parallel_loop3A_607, %parallel_loop3A_608, %parallel_loop3A_609], %parallel_loop3A_612 {strides = array<i32>} : memref<7x128x128xf32, #tpu.memory_space<vmem>>, vector<1x1x16xf32>,
      %parallel_loop3A_613 = arith.constant 4 : i32
      %parallel_loop3A_614 = arith.index_cast %parallel_loop3A_613 : i32 to index
      %parallel_loop3A_615 = arith.index_cast %parallel_loop3A_493 : i32 to index
      %parallel_loop3A_616 = arith.constant 112 : index
      %parallel_loop3A_617 = tpu.vector_load %arg7[%parallel_loop3A_614, %parallel_loop3A_615, %parallel_loop3A_616] {strides = array<i32>} : memref<7x128x128xf32, #tpu.memory_space<vmem>>, vector<1x1x16xf32>,
      %parallel_loop3A_618 = vector.shape_cast %parallel_loop3A_617 : vector<1x1x16xf32> to vector<16xf32>
      %parallel_loop3A_619 = arith.constant 11.3137083 : f32
      %parallel_loop3A_620 = vector.broadcast %parallel_loop3A_619 : f32 to vector<16xf32>
      %parallel_loop3A_621 = arith.mulf %parallel_loop3A_618, %parallel_loop3A_620 : vector<16xf32>
      %parallel_loop3A_622 = arith.addf %parallel_loop3A_621, %get3A_55 : vector<16xf32>
      %parallel_loop3A_623 = arith.constant 4 : i32
      %parallel_loop3A_624 = arith.index_cast %parallel_loop3A_623 : i32 to index
      %parallel_loop3A_625 = arith.index_cast %parallel_loop3A_493 : i32 to index
      %parallel_loop3A_626 = arith.constant 112 : index
      %parallel_loop3A_627 = tpu.vector_load %arg7[%parallel_loop3A_624, %parallel_loop3A_625, %parallel_loop3A_626] {strides = array<i32>} : memref<7x128x128xf32, #tpu.memory_space<vmem>>, vector<1x1x16xf32>,
      %parallel_loop3A_628 = vector.shape_cast %parallel_loop3A_627 : vector<1x1x16xf32> to vector<16xf32>
      %parallel_loop3A_629 = vector.shape_cast %parallel_loop3A_622 : vector<16xf32> to vector<1x1x16xf32>
      tpu.vector_store %arg7[%parallel_loop3A_624, %parallel_loop3A_625, %parallel_loop3A_626], %parallel_loop3A_629 {strides = array<i32>} : memref<7x128x128xf32, #tpu.memory_space<vmem>>, vector<1x1x16xf32>,
    } {sc.loop_unroll_factor = 1 : i64, sc.parallel_access}
    %add3A_281 = arith.constant 512 : i32
    %add3A_282 = arith.addi %mul3A_32, %add3A_281 : i32
    %dma_start3A_283 = arith.constant 4 : i32
    %dma_start3A_284 = arith.constant 0 : i32
    %dma_start3A_285 = arith.constant 0 : i32
    %dma_start3A_286 = tpu.memref_slice %arg7[%dma_start3A_283, %dma_start3A_284, %dma_start3A_285] : memref<7x128x128xf32, #tpu.memory_space<vmem>> -> memref<1x128x128xf32, #tpu.memory_space<vmem>>
    %dma_start3A_287 = tpu.memref_squeeze %dma_start3A_286 : memref<1x128x128xf32, #tpu.memory_space<vmem>> -> memref<128x128xf32, #tpu.memory_space<vmem>>
    %dma_start3A_288 = arith.constant 0 : i32
    %dma_start3A_289 = tpu.memref_slice %arg5[%select_n3A, %add3A_282, %dma_start3A_288] : memref<4x8192x128xf32, #tpu.memory_space<hbm>> -> memref<1x128x128xf32, #tpu.memory_space<hbm>>
    %dma_start3A_290 = tpu.memref_squeeze %dma_start3A_289 : memref<1x128x128xf32, #tpu.memory_space<hbm>> -> memref<128x128xf32, #tpu.memory_space<hbm>>
    %dma_start3A_291 = arith.constant 0 : i32
    %dma_start3A_292 = tpu.memref_slice %arg5[%select_n3A, %add3A_282, %dma_start3A_291] : memref<4x8192x128xf32, #tpu.memory_space<hbm>> -> memref<1x128x128xf32, #tpu.memory_space<hbm>>
    %dma_start3A_293 = tpu.memref_squeeze %dma_start3A_292 : memref<1x128x128xf32, #tpu.memory_space<hbm>> -> memref<128x128xf32, #tpu.memory_space<hbm>>
    %dma_start3A_294 = arith.constant 0 : i32
    %dma_start3A_295 = arith.constant 0 : i32
    %dma_start3A_296 = tpu.memref_slice %arg7[%dma_start3A_283, %dma_start3A_294, %dma_start3A_295] : memref<7x128x128xf32, #tpu.memory_space<vmem>> -> memref<1x128x128xf32, #tpu.memory_space<vmem>>
    %dma_start3A_297 = tpu.memref_squeeze %dma_start3A_296 : memref<1x128x128xf32, #tpu.memory_space<vmem>> -> memref<128x128xf32, #tpu.memory_space<vmem>>
    tpu.enqueue_dma source(%dma_start3A_297 : memref<128x128xf32, #tpu.memory_space<vmem>>) target(%dma_start3A_293 : memref<128x128xf32, #tpu.memory_space<hbm>>) target_semaphore(%arg20 : memref<!tpu.dma_semaphore, #tpu.memory_space<semaphore_mem>>)
    %dma_wait3A_298 = arith.constant 5 : i32
    %dma_wait3A_299 = arith.constant 0 : i32
    %dma_wait3A_300 = arith.constant 0 : i32
    %dma_wait3A_301 = tpu.memref_slice %arg7[%dma_wait3A_298, %dma_wait3A_299, %dma_wait3A_300] : memref<7x128x128xf32, #tpu.memory_space<vmem>> -> memref<1x128x128xf32, #tpu.memory_space<vmem>>
    %dma_wait3A_302 = tpu.memref_squeeze %dma_wait3A_301 : memref<1x128x128xf32, #tpu.memory_space<vmem>> -> memref<128x128xf32, #tpu.memory_space<vmem>>
    %dma_wait3A_303 = arith.constant 640 : i32
    %dma_wait3A_304 = tpu.memref_slice %arg6[%dma_wait3A_303] : memref<1024xi32, #tpu.memory_space<vmem>> -> memref<128xi32, #tpu.memory_space<vmem>>
    %dma_wait3A_305 = arith.constant 0 : i32
    %dma_wait3A_306 = arith.constant 0 : i32
    %dma_wait3A_307 = tpu.memref_slice %arg3[%dma_wait3A_305, %dma_wait3A_306] : memref<100000x128xf32, #tpu.memory_space<hbm>> -> memref<100000x128xf32, #tpu.memory_space<hbm>>
    tpu.wait_indirect_dma semaphore(%arg14 : memref<!tpu.dma_semaphore, #tpu.memory_space<semaphore_mem>>) src(%dma_wait3A_307 : memref<100000x128xf32, #tpu.memory_space<hbm>>) dst(%dma_wait3A_302 : memref<128x128xf32, #tpu.memory_space<vmem>>)
    %parallel_loop3A_308 = arith.constant 0 : i32
    %parallel_loop3A_309 = arith.constant 128 : i32
    %parallel_loop3A_310 = arith.constant 1 : i32
    scf.for %parallel_loop3A_493 = %parallel_loop3A_308 to %parallel_loop3A_309 step %parallel_loop3A_310  : i32 {
      %parallel_loop3A_494 = arith.constant 5 : i32
      %parallel_loop3A_495 = arith.index_cast %parallel_loop3A_494 : i32 to index
      %parallel_loop3A_496 = arith.index_cast %parallel_loop3A_493 : i32 to index
      %parallel_loop3A_497 = arith.constant 0 : index
      %parallel_loop3A_498 = tpu.vector_load %arg7[%parallel_loop3A_495, %parallel_loop3A_496, %parallel_loop3A_497] {strides = array<i32>} : memref<7x128x128xf32, #tpu.memory_space<vmem>>, vector<1x1x16xf32>,
      %parallel_loop3A_499 = vector.shape_cast %parallel_loop3A_498 : vector<1x1x16xf32> to vector<16xf32>
      %parallel_loop3A_500 = arith.constant 11.3137083 : f32
      %parallel_loop3A_501 = vector.broadcast %parallel_loop3A_500 : f32 to vector<16xf32>
      %parallel_loop3A_502 = arith.mulf %parallel_loop3A_499, %parallel_loop3A_501 : vector<16xf32>
      %parallel_loop3A_503 = arith.addf %parallel_loop3A_502, %get3A_34 : vector<16xf32>
      %parallel_loop3A_504 = arith.constant 5 : i32
      %parallel_loop3A_505 = arith.index_cast %parallel_loop3A_504 : i32 to index
      %parallel_loop3A_506 = arith.index_cast %parallel_loop3A_493 : i32 to index
      %parallel_loop3A_507 = arith.constant 0 : index
      %parallel_loop3A_508 = tpu.vector_load %arg7[%parallel_loop3A_505, %parallel_loop3A_506, %parallel_loop3A_507] {strides = array<i32>} : memref<7x128x128xf32, #tpu.memory_space<vmem>>, vector<1x1x16xf32>,
      %parallel_loop3A_509 = vector.shape_cast %parallel_loop3A_508 : vector<1x1x16xf32> to vector<16xf32>
      %parallel_loop3A_510 = vector.shape_cast %parallel_loop3A_503 : vector<16xf32> to vector<1x1x16xf32>
      tpu.vector_store %arg7[%parallel_loop3A_505, %parallel_loop3A_506, %parallel_loop3A_507], %parallel_loop3A_510 {strides = array<i32>} : memref<7x128x128xf32, #tpu.memory_space<vmem>>, vector<1x1x16xf32>,
      %parallel_loop3A_511 = arith.constant 5 : i32
      %parallel_loop3A_512 = arith.index_cast %parallel_loop3A_511 : i32 to index
      %parallel_loop3A_513 = arith.index_cast %parallel_loop3A_493 : i32 to index
      %parallel_loop3A_514 = arith.constant 16 : index
      %parallel_loop3A_515 = tpu.vector_load %arg7[%parallel_loop3A_512, %parallel_loop3A_513, %parallel_loop3A_514] {strides = array<i32>} : memref<7x128x128xf32, #tpu.memory_space<vmem>>, vector<1x1x16xf32>,
      %parallel_loop3A_516 = vector.shape_cast %parallel_loop3A_515 : vector<1x1x16xf32> to vector<16xf32>
      %parallel_loop3A_517 = arith.constant 11.3137083 : f32
      %parallel_loop3A_518 = vector.broadcast %parallel_loop3A_517 : f32 to vector<16xf32>
      %parallel_loop3A_519 = arith.mulf %parallel_loop3A_516, %parallel_loop3A_518 : vector<16xf32>
      %parallel_loop3A_520 = arith.addf %parallel_loop3A_519, %get3A_37 : vector<16xf32>
      %parallel_loop3A_521 = arith.constant 5 : i32
      %parallel_loop3A_522 = arith.index_cast %parallel_loop3A_521 : i32 to index
      %parallel_loop3A_523 = arith.index_cast %parallel_loop3A_493 : i32 to index
      %parallel_loop3A_524 = arith.constant 16 : index
      %parallel_loop3A_525 = tpu.vector_load %arg7[%parallel_loop3A_522, %parallel_loop3A_523, %parallel_loop3A_524] {strides = array<i32>} : memref<7x128x128xf32, #tpu.memory_space<vmem>>, vector<1x1x16xf32>,
      %parallel_loop3A_526 = vector.shape_cast %parallel_loop3A_525 : vector<1x1x16xf32> to vector<16xf32>
      %parallel_loop3A_527 = vector.shape_cast %parallel_loop3A_520 : vector<16xf32> to vector<1x1x16xf32>
      tpu.vector_store %arg7[%parallel_loop3A_522, %parallel_loop3A_523, %parallel_loop3A_524], %parallel_loop3A_527 {strides = array<i32>} : memref<7x128x128xf32, #tpu.memory_space<vmem>>, vector<1x1x16xf32>,
      %parallel_loop3A_528 = arith.constant 5 : i32
      %parallel_loop3A_529 = arith.index_cast %parallel_loop3A_528 : i32 to index
      %parallel_loop3A_530 = arith.index_cast %parallel_loop3A_493 : i32 to index
      %parallel_loop3A_531 = arith.constant 32 : index
      %parallel_loop3A_532 = tpu.vector_load %arg7[%parallel_loop3A_529, %parallel_loop3A_530, %parallel_loop3A_531] {strides = array<i32>} : memref<7x128x128xf32, #tpu.memory_space<vmem>>, vector<1x1x16xf32>,
      %parallel_loop3A_533 = vector.shape_cast %parallel_loop3A_532 : vector<1x1x16xf32> to vector<16xf32>
      %parallel_loop3A_534 = arith.constant 11.3137083 : f32
      %parallel_loop3A_535 = vector.broadcast %parallel_loop3A_534 : f32 to vector<16xf32>
      %parallel_loop3A_536 = arith.mulf %parallel_loop3A_533, %parallel_loop3A_535 : vector<16xf32>
      %parallel_loop3A_537 = arith.addf %parallel_loop3A_536, %get3A_40 : vector<16xf32>
      %parallel_loop3A_538 = arith.constant 5 : i32
      %parallel_loop3A_539 = arith.index_cast %parallel_loop3A_538 : i32 to index
      %parallel_loop3A_540 = arith.index_cast %parallel_loop3A_493 : i32 to index
      %parallel_loop3A_541 = arith.constant 32 : index
      %parallel_loop3A_542 = tpu.vector_load %arg7[%parallel_loop3A_539, %parallel_loop3A_540, %parallel_loop3A_541] {strides = array<i32>} : memref<7x128x128xf32, #tpu.memory_space<vmem>>, vector<1x1x16xf32>,
      %parallel_loop3A_543 = vector.shape_cast %parallel_loop3A_542 : vector<1x1x16xf32> to vector<16xf32>
      %parallel_loop3A_544 = vector.shape_cast %parallel_loop3A_537 : vector<16xf32> to vector<1x1x16xf32>
      tpu.vector_store %arg7[%parallel_loop3A_539, %parallel_loop3A_540, %parallel_loop3A_541], %parallel_loop3A_544 {strides = array<i32>} : memref<7x128x128xf32, #tpu.memory_space<vmem>>, vector<1x1x16xf32>,
      %parallel_loop3A_545 = arith.constant 5 : i32
      %parallel_loop3A_546 = arith.index_cast %parallel_loop3A_545 : i32 to index
      %parallel_loop3A_547 = arith.index_cast %parallel_loop3A_493 : i32 to index
      %parallel_loop3A_548 = arith.constant 48 : index
      %parallel_loop3A_549 = tpu.vector_load %arg7[%parallel_loop3A_546, %parallel_loop3A_547, %parallel_loop3A_548] {strides = array<i32>} : memref<7x128x128xf32, #tpu.memory_space<vmem>>, vector<1x1x16xf32>,
      %parallel_loop3A_550 = vector.shape_cast %parallel_loop3A_549 : vector<1x1x16xf32> to vector<16xf32>
      %parallel_loop3A_551 = arith.constant 11.3137083 : f32
      %parallel_loop3A_552 = vector.broadcast %parallel_loop3A_551 : f32 to vector<16xf32>
      %parallel_loop3A_553 = arith.mulf %parallel_loop3A_550, %parallel_loop3A_552 : vector<16xf32>
      %parallel_loop3A_554 = arith.addf %parallel_loop3A_553, %get3A_43 : vector<16xf32>
      %parallel_loop3A_555 = arith.constant 5 : i32
      %parallel_loop3A_556 = arith.index_cast %parallel_loop3A_555 : i32 to index
      %parallel_loop3A_557 = arith.index_cast %parallel_loop3A_493 : i32 to index
      %parallel_loop3A_558 = arith.constant 48 : index
      %parallel_loop3A_559 = tpu.vector_load %arg7[%parallel_loop3A_556, %parallel_loop3A_557, %parallel_loop3A_558] {strides = array<i32>} : memref<7x128x128xf32, #tpu.memory_space<vmem>>, vector<1x1x16xf32>,
      %parallel_loop3A_560 = vector.shape_cast %parallel_loop3A_559 : vector<1x1x16xf32> to vector<16xf32>
      %parallel_loop3A_561 = vector.shape_cast %parallel_loop3A_554 : vector<16xf32> to vector<1x1x16xf32>
      tpu.vector_store %arg7[%parallel_loop3A_556, %parallel_loop3A_557, %parallel_loop3A_558], %parallel_loop3A_561 {strides = array<i32>} : memref<7x128x128xf32, #tpu.memory_space<vmem>>, vector<1x1x16xf32>,
      %parallel_loop3A_562 = arith.constant 5 : i32
      %parallel_loop3A_563 = arith.index_cast %parallel_loop3A_562 : i32 to index
      %parallel_loop3A_564 = arith.index_cast %parallel_loop3A_493 : i32 to index
      %parallel_loop3A_565 = arith.constant 64 : index
      %parallel_loop3A_566 = tpu.vector_load %arg7[%parallel_loop3A_563, %parallel_loop3A_564, %parallel_loop3A_565] {strides = array<i32>} : memref<7x128x128xf32, #tpu.memory_space<vmem>>, vector<1x1x16xf32>,
      %parallel_loop3A_567 = vector.shape_cast %parallel_loop3A_566 : vector<1x1x16xf32> to vector<16xf32>
      %parallel_loop3A_568 = arith.constant 11.3137083 : f32
      %parallel_loop3A_569 = vector.broadcast %parallel_loop3A_568 : f32 to vector<16xf32>
      %parallel_loop3A_570 = arith.mulf %parallel_loop3A_567, %parallel_loop3A_569 : vector<16xf32>
      %parallel_loop3A_571 = arith.addf %parallel_loop3A_570, %get3A_46 : vector<16xf32>
      %parallel_loop3A_572 = arith.constant 5 : i32
      %parallel_loop3A_573 = arith.index_cast %parallel_loop3A_572 : i32 to index
      %parallel_loop3A_574 = arith.index_cast %parallel_loop3A_493 : i32 to index
      %parallel_loop3A_575 = arith.constant 64 : index
      %parallel_loop3A_576 = tpu.vector_load %arg7[%parallel_loop3A_573, %parallel_loop3A_574, %parallel_loop3A_575] {strides = array<i32>} : memref<7x128x128xf32, #tpu.memory_space<vmem>>, vector<1x1x16xf32>,
      %parallel_loop3A_577 = vector.shape_cast %parallel_loop3A_576 : vector<1x1x16xf32> to vector<16xf32>
      %parallel_loop3A_578 = vector.shape_cast %parallel_loop3A_571 : vector<16xf32> to vector<1x1x16xf32>
      tpu.vector_store %arg7[%parallel_loop3A_573, %parallel_loop3A_574, %parallel_loop3A_575], %parallel_loop3A_578 {strides = array<i32>} : memref<7x128x128xf32, #tpu.memory_space<vmem>>, vector<1x1x16xf32>,
      %parallel_loop3A_579 = arith.constant 5 : i32
      %parallel_loop3A_580 = arith.index_cast %parallel_loop3A_579 : i32 to index
      %parallel_loop3A_581 = arith.index_cast %parallel_loop3A_493 : i32 to index
      %parallel_loop3A_582 = arith.constant 80 : index
      %parallel_loop3A_583 = tpu.vector_load %arg7[%parallel_loop3A_580, %parallel_loop3A_581, %parallel_loop3A_582] {strides = array<i32>} : memref<7x128x128xf32, #tpu.memory_space<vmem>>, vector<1x1x16xf32>,
      %parallel_loop3A_584 = vector.shape_cast %parallel_loop3A_583 : vector<1x1x16xf32> to vector<16xf32>
      %parallel_loop3A_585 = arith.constant 11.3137083 : f32
      %parallel_loop3A_586 = vector.broadcast %parallel_loop3A_585 : f32 to vector<16xf32>
      %parallel_loop3A_587 = arith.mulf %parallel_loop3A_584, %parallel_loop3A_586 : vector<16xf32>
      %parallel_loop3A_588 = arith.addf %parallel_loop3A_587, %get3A_49 : vector<16xf32>
      %parallel_loop3A_589 = arith.constant 5 : i32
      %parallel_loop3A_590 = arith.index_cast %parallel_loop3A_589 : i32 to index
      %parallel_loop3A_591 = arith.index_cast %parallel_loop3A_493 : i32 to index
      %parallel_loop3A_592 = arith.constant 80 : index
      %parallel_loop3A_593 = tpu.vector_load %arg7[%parallel_loop3A_590, %parallel_loop3A_591, %parallel_loop3A_592] {strides = array<i32>} : memref<7x128x128xf32, #tpu.memory_space<vmem>>, vector<1x1x16xf32>,
      %parallel_loop3A_594 = vector.shape_cast %parallel_loop3A_593 : vector<1x1x16xf32> to vector<16xf32>
      %parallel_loop3A_595 = vector.shape_cast %parallel_loop3A_588 : vector<16xf32> to vector<1x1x16xf32>
      tpu.vector_store %arg7[%parallel_loop3A_590, %parallel_loop3A_591, %parallel_loop3A_592], %parallel_loop3A_595 {strides = array<i32>} : memref<7x128x128xf32, #tpu.memory_space<vmem>>, vector<1x1x16xf32>,
      %parallel_loop3A_596 = arith.constant 5 : i32
      %parallel_loop3A_597 = arith.index_cast %parallel_loop3A_596 : i32 to index
      %parallel_loop3A_598 = arith.index_cast %parallel_loop3A_493 : i32 to index
      %parallel_loop3A_599 = arith.constant 96 : index
      %parallel_loop3A_600 = tpu.vector_load %arg7[%parallel_loop3A_597, %parallel_loop3A_598, %parallel_loop3A_599] {strides = array<i32>} : memref<7x128x128xf32, #tpu.memory_space<vmem>>, vector<1x1x16xf32>,
      %parallel_loop3A_601 = vector.shape_cast %parallel_loop3A_600 : vector<1x1x16xf32> to vector<16xf32>
      %parallel_loop3A_602 = arith.constant 11.3137083 : f32
      %parallel_loop3A_603 = vector.broadcast %parallel_loop3A_602 : f32 to vector<16xf32>
      %parallel_loop3A_604 = arith.mulf %parallel_loop3A_601, %parallel_loop3A_603 : vector<16xf32>
      %parallel_loop3A_605 = arith.addf %parallel_loop3A_604, %get3A_52 : vector<16xf32>
      %parallel_loop3A_606 = arith.constant 5 : i32
      %parallel_loop3A_607 = arith.index_cast %parallel_loop3A_606 : i32 to index
      %parallel_loop3A_608 = arith.index_cast %parallel_loop3A_493 : i32 to index
      %parallel_loop3A_609 = arith.constant 96 : index
      %parallel_loop3A_610 = tpu.vector_load %arg7[%parallel_loop3A_607, %parallel_loop3A_608, %parallel_loop3A_609] {strides = array<i32>} : memref<7x128x128xf32, #tpu.memory_space<vmem>>, vector<1x1x16xf32>,
      %parallel_loop3A_611 = vector.shape_cast %parallel_loop3A_610 : vector<1x1x16xf32> to vector<16xf32>
      %parallel_loop3A_612 = vector.shape_cast %parallel_loop3A_605 : vector<16xf32> to vector<1x1x16xf32>
      tpu.vector_store %arg7[%parallel_loop3A_607, %parallel_loop3A_608, %parallel_loop3A_609], %parallel_loop3A_612 {strides = array<i32>} : memref<7x128x128xf32, #tpu.memory_space<vmem>>, vector<1x1x16xf32>,
      %parallel_loop3A_613 = arith.constant 5 : i32
      %parallel_loop3A_614 = arith.index_cast %parallel_loop3A_613 : i32 to index
      %parallel_loop3A_615 = arith.index_cast %parallel_loop3A_493 : i32 to index
      %parallel_loop3A_616 = arith.constant 112 : index
      %parallel_loop3A_617 = tpu.vector_load %arg7[%parallel_loop3A_614, %parallel_loop3A_615, %parallel_loop3A_616] {strides = array<i32>} : memref<7x128x128xf32, #tpu.memory_space<vmem>>, vector<1x1x16xf32>,
      %parallel_loop3A_618 = vector.shape_cast %parallel_loop3A_617 : vector<1x1x16xf32> to vector<16xf32>
      %parallel_loop3A_619 = arith.constant 11.3137083 : f32
      %parallel_loop3A_620 = vector.broadcast %parallel_loop3A_619 : f32 to vector<16xf32>
      %parallel_loop3A_621 = arith.mulf %parallel_loop3A_618, %parallel_loop3A_620 : vector<16xf32>
      %parallel_loop3A_622 = arith.addf %parallel_loop3A_621, %get3A_55 : vector<16xf32>
      %parallel_loop3A_623 = arith.constant 5 : i32
      %parallel_loop3A_624 = arith.index_cast %parallel_loop3A_623 : i32 to index
      %parallel_loop3A_625 = arith.index_cast %parallel_loop3A_493 : i32 to index
      %parallel_loop3A_626 = arith.constant 112 : index
      %parallel_loop3A_627 = tpu.vector_load %arg7[%parallel_loop3A_624, %parallel_loop3A_625, %parallel_loop3A_626] {strides = array<i32>} : memref<7x128x128xf32, #tpu.memory_space<vmem>>, vector<1x1x16xf32>,
      %parallel_loop3A_628 = vector.shape_cast %parallel_loop3A_627 : vector<1x1x16xf32> to vector<16xf32>
      %parallel_loop3A_629 = vector.shape_cast %parallel_loop3A_622 : vector<16xf32> to vector<1x1x16xf32>
      tpu.vector_store %arg7[%parallel_loop3A_624, %parallel_loop3A_625, %parallel_loop3A_626], %parallel_loop3A_629 {strides = array<i32>} : memref<7x128x128xf32, #tpu.memory_space<vmem>>, vector<1x1x16xf32>,
    } {sc.loop_unroll_factor = 1 : i64, sc.parallel_access}
    %add3A_311 = arith.constant 640 : i32
    %add3A_312 = arith.addi %mul3A_32, %add3A_311 : i32
    %dma_start3A_313 = arith.constant 5 : i32
    %dma_start3A_314 = arith.constant 0 : i32
    %dma_start3A_315 = arith.constant 0 : i32
    %dma_start3A_316 = tpu.memref_slice %arg7[%dma_start3A_313, %dma_start3A_314, %dma_start3A_315] : memref<7x128x128xf32, #tpu.memory_space<vmem>> -> memref<1x128x128xf32, #tpu.memory_space<vmem>>
    %dma_start3A_317 = tpu.memref_squeeze %dma_start3A_316 : memref<1x128x128xf32, #tpu.memory_space<vmem>> -> memref<128x128xf32, #tpu.memory_space<vmem>>
    %dma_start3A_318 = arith.constant 0 : i32
    %dma_start3A_319 = tpu.memref_slice %arg5[%select_n3A, %add3A_312, %dma_start3A_318] : memref<4x8192x128xf32, #tpu.memory_space<hbm>> -> memref<1x128x128xf32, #tpu.memory_space<hbm>>
    %dma_start3A_320 = tpu.memref_squeeze %dma_start3A_319 : memref<1x128x128xf32, #tpu.memory_space<hbm>> -> memref<128x128xf32, #tpu.memory_space<hbm>>
    %dma_start3A_321 = arith.constant 0 : i32
    %dma_start3A_322 = tpu.memref_slice %arg5[%select_n3A, %add3A_312, %dma_start3A_321] : memref<4x8192x128xf32, #tpu.memory_space<hbm>> -> memref<1x128x128xf32, #tpu.memory_space<hbm>>
    %dma_start3A_323 = tpu.memref_squeeze %dma_start3A_322 : memref<1x128x128xf32, #tpu.memory_space<hbm>> -> memref<128x128xf32, #tpu.memory_space<hbm>>
    %dma_start3A_324 = arith.constant 0 : i32
    %dma_start3A_325 = arith.constant 0 : i32
    %dma_start3A_326 = tpu.memref_slice %arg7[%dma_start3A_313, %dma_start3A_324, %dma_start3A_325] : memref<7x128x128xf32, #tpu.memory_space<vmem>> -> memref<1x128x128xf32, #tpu.memory_space<vmem>>
    %dma_start3A_327 = tpu.memref_squeeze %dma_start3A_326 : memref<1x128x128xf32, #tpu.memory_space<vmem>> -> memref<128x128xf32, #tpu.memory_space<vmem>>
    tpu.enqueue_dma source(%dma_start3A_327 : memref<128x128xf32, #tpu.memory_space<vmem>>) target(%dma_start3A_323 : memref<128x128xf32, #tpu.memory_space<hbm>>) target_semaphore(%arg21 : memref<!tpu.dma_semaphore, #tpu.memory_space<semaphore_mem>>)
    %dma_wait3A_328 = arith.constant 6 : i32
    %dma_wait3A_329 = arith.constant 0 : i32
    %dma_wait3A_330 = arith.constant 0 : i32
    %dma_wait3A_331 = tpu.memref_slice %arg7[%dma_wait3A_328, %dma_wait3A_329, %dma_wait3A_330] : memref<7x128x128xf32, #tpu.memory_space<vmem>> -> memref<1x128x128xf32, #tpu.memory_space<vmem>>
    %dma_wait3A_332 = tpu.memref_squeeze %dma_wait3A_331 : memref<1x128x128xf32, #tpu.memory_space<vmem>> -> memref<128x128xf32, #tpu.memory_space<vmem>>
    %dma_wait3A_333 = arith.constant 768 : i32
    %dma_wait3A_334 = tpu.memref_slice %arg6[%dma_wait3A_333] : memref<1024xi32, #tpu.memory_space<vmem>> -> memref<128xi32, #tpu.memory_space<vmem>>
    %dma_wait3A_335 = arith.constant 0 : i32
    %dma_wait3A_336 = arith.constant 0 : i32
    %dma_wait3A_337 = tpu.memref_slice %arg3[%dma_wait3A_335, %dma_wait3A_336] : memref<100000x128xf32, #tpu.memory_space<hbm>> -> memref<100000x128xf32, #tpu.memory_space<hbm>>
    tpu.wait_indirect_dma semaphore(%arg15 : memref<!tpu.dma_semaphore, #tpu.memory_space<semaphore_mem>>) src(%dma_wait3A_337 : memref<100000x128xf32, #tpu.memory_space<hbm>>) dst(%dma_wait3A_332 : memref<128x128xf32, #tpu.memory_space<vmem>>)
    %parallel_loop3A_338 = arith.constant 0 : i32
    %parallel_loop3A_339 = arith.constant 128 : i32
    %parallel_loop3A_340 = arith.constant 1 : i32
    scf.for %parallel_loop3A_493 = %parallel_loop3A_338 to %parallel_loop3A_339 step %parallel_loop3A_340  : i32 {
      %parallel_loop3A_494 = arith.constant 6 : i32
      %parallel_loop3A_495 = arith.index_cast %parallel_loop3A_494 : i32 to index
      %parallel_loop3A_496 = arith.index_cast %parallel_loop3A_493 : i32 to index
      %parallel_loop3A_497 = arith.constant 0 : index
      %parallel_loop3A_498 = tpu.vector_load %arg7[%parallel_loop3A_495, %parallel_loop3A_496, %parallel_loop3A_497] {strides = array<i32>} : memref<7x128x128xf32, #tpu.memory_space<vmem>>, vector<1x1x16xf32>,
      %parallel_loop3A_499 = vector.shape_cast %parallel_loop3A_498 : vector<1x1x16xf32> to vector<16xf32>
      %parallel_loop3A_500 = arith.constant 11.3137083 : f32
      %parallel_loop3A_501 = vector.broadcast %parallel_loop3A_500 : f32 to vector<16xf32>
      %parallel_loop3A_502 = arith.mulf %parallel_loop3A_499, %parallel_loop3A_501 : vector<16xf32>
      %parallel_loop3A_503 = arith.addf %parallel_loop3A_502, %get3A_34 : vector<16xf32>
      %parallel_loop3A_504 = arith.constant 6 : i32
      %parallel_loop3A_505 = arith.index_cast %parallel_loop3A_504 : i32 to index
      %parallel_loop3A_506 = arith.index_cast %parallel_loop3A_493 : i32 to index
      %parallel_loop3A_507 = arith.constant 0 : index
      %parallel_loop3A_508 = tpu.vector_load %arg7[%parallel_loop3A_505, %parallel_loop3A_506, %parallel_loop3A_507] {strides = array<i32>} : memref<7x128x128xf32, #tpu.memory_space<vmem>>, vector<1x1x16xf32>,
      %parallel_loop3A_509 = vector.shape_cast %parallel_loop3A_508 : vector<1x1x16xf32> to vector<16xf32>
      %parallel_loop3A_510 = vector.shape_cast %parallel_loop3A_503 : vector<16xf32> to vector<1x1x16xf32>
      tpu.vector_store %arg7[%parallel_loop3A_505, %parallel_loop3A_506, %parallel_loop3A_507], %parallel_loop3A_510 {strides = array<i32>} : memref<7x128x128xf32, #tpu.memory_space<vmem>>, vector<1x1x16xf32>,
      %parallel_loop3A_511 = arith.constant 6 : i32
      %parallel_loop3A_512 = arith.index_cast %parallel_loop3A_511 : i32 to index
      %parallel_loop3A_513 = arith.index_cast %parallel_loop3A_493 : i32 to index
      %parallel_loop3A_514 = arith.constant 16 : index
      %parallel_loop3A_515 = tpu.vector_load %arg7[%parallel_loop3A_512, %parallel_loop3A_513, %parallel_loop3A_514] {strides = array<i32>} : memref<7x128x128xf32, #tpu.memory_space<vmem>>, vector<1x1x16xf32>,
      %parallel_loop3A_516 = vector.shape_cast %parallel_loop3A_515 : vector<1x1x16xf32> to vector<16xf32>
      %parallel_loop3A_517 = arith.constant 11.3137083 : f32
      %parallel_loop3A_518 = vector.broadcast %parallel_loop3A_517 : f32 to vector<16xf32>
      %parallel_loop3A_519 = arith.mulf %parallel_loop3A_516, %parallel_loop3A_518 : vector<16xf32>
      %parallel_loop3A_520 = arith.addf %parallel_loop3A_519, %get3A_37 : vector<16xf32>
      %parallel_loop3A_521 = arith.constant 6 : i32
      %parallel_loop3A_522 = arith.index_cast %parallel_loop3A_521 : i32 to index
      %parallel_loop3A_523 = arith.index_cast %parallel_loop3A_493 : i32 to index
      %parallel_loop3A_524 = arith.constant 16 : index
      %parallel_loop3A_525 = tpu.vector_load %arg7[%parallel_loop3A_522, %parallel_loop3A_523, %parallel_loop3A_524] {strides = array<i32>} : memref<7x128x128xf32, #tpu.memory_space<vmem>>, vector<1x1x16xf32>,
      %parallel_loop3A_526 = vector.shape_cast %parallel_loop3A_525 : vector<1x1x16xf32> to vector<16xf32>
      %parallel_loop3A_527 = vector.shape_cast %parallel_loop3A_520 : vector<16xf32> to vector<1x1x16xf32>
      tpu.vector_store %arg7[%parallel_loop3A_522, %parallel_loop3A_523, %parallel_loop3A_524], %parallel_loop3A_527 {strides = array<i32>} : memref<7x128x128xf32, #tpu.memory_space<vmem>>, vector<1x1x16xf32>,
      %parallel_loop3A_528 = arith.constant 6 : i32
      %parallel_loop3A_529 = arith.index_cast %parallel_loop3A_528 : i32 to index
      %parallel_loop3A_530 = arith.index_cast %parallel_loop3A_493 : i32 to index
      %parallel_loop3A_531 = arith.constant 32 : index
      %parallel_loop3A_532 = tpu.vector_load %arg7[%parallel_loop3A_529, %parallel_loop3A_530, %parallel_loop3A_531] {strides = array<i32>} : memref<7x128x128xf32, #tpu.memory_space<vmem>>, vector<1x1x16xf32>,
      %parallel_loop3A_533 = vector.shape_cast %parallel_loop3A_532 : vector<1x1x16xf32> to vector<16xf32>
      %parallel_loop3A_534 = arith.constant 11.3137083 : f32
      %parallel_loop3A_535 = vector.broadcast %parallel_loop3A_534 : f32 to vector<16xf32>
      %parallel_loop3A_536 = arith.mulf %parallel_loop3A_533, %parallel_loop3A_535 : vector<16xf32>
      %parallel_loop3A_537 = arith.addf %parallel_loop3A_536, %get3A_40 : vector<16xf32>
      %parallel_loop3A_538 = arith.constant 6 : i32
      %parallel_loop3A_539 = arith.index_cast %parallel_loop3A_538 : i32 to index
      %parallel_loop3A_540 = arith.index_cast %parallel_loop3A_493 : i32 to index
      %parallel_loop3A_541 = arith.constant 32 : index
      %parallel_loop3A_542 = tpu.vector_load %arg7[%parallel_loop3A_539, %parallel_loop3A_540, %parallel_loop3A_541] {strides = array<i32>} : memref<7x128x128xf32, #tpu.memory_space<vmem>>, vector<1x1x16xf32>,
      %parallel_loop3A_543 = vector.shape_cast %parallel_loop3A_542 : vector<1x1x16xf32> to vector<16xf32>
      %parallel_loop3A_544 = vector.shape_cast %parallel_loop3A_537 : vector<16xf32> to vector<1x1x16xf32>
      tpu.vector_store %arg7[%parallel_loop3A_539, %parallel_loop3A_540, %parallel_loop3A_541], %parallel_loop3A_544 {strides = array<i32>} : memref<7x128x128xf32, #tpu.memory_space<vmem>>, vector<1x1x16xf32>,
      %parallel_loop3A_545 = arith.constant 6 : i32
      %parallel_loop3A_546 = arith.index_cast %parallel_loop3A_545 : i32 to index
      %parallel_loop3A_547 = arith.index_cast %parallel_loop3A_493 : i32 to index
      %parallel_loop3A_548 = arith.constant 48 : index
      %parallel_loop3A_549 = tpu.vector_load %arg7[%parallel_loop3A_546, %parallel_loop3A_547, %parallel_loop3A_548] {strides = array<i32>} : memref<7x128x128xf32, #tpu.memory_space<vmem>>, vector<1x1x16xf32>,
      %parallel_loop3A_550 = vector.shape_cast %parallel_loop3A_549 : vector<1x1x16xf32> to vector<16xf32>
      %parallel_loop3A_551 = arith.constant 11.3137083 : f32
      %parallel_loop3A_552 = vector.broadcast %parallel_loop3A_551 : f32 to vector<16xf32>
      %parallel_loop3A_553 = arith.mulf %parallel_loop3A_550, %parallel_loop3A_552 : vector<16xf32>
      %parallel_loop3A_554 = arith.addf %parallel_loop3A_553, %get3A_43 : vector<16xf32>
      %parallel_loop3A_555 = arith.constant 6 : i32
      %parallel_loop3A_556 = arith.index_cast %parallel_loop3A_555 : i32 to index
      %parallel_loop3A_557 = arith.index_cast %parallel_loop3A_493 : i32 to index
      %parallel_loop3A_558 = arith.constant 48 : index
      %parallel_loop3A_559 = tpu.vector_load %arg7[%parallel_loop3A_556, %parallel_loop3A_557, %parallel_loop3A_558] {strides = array<i32>} : memref<7x128x128xf32, #tpu.memory_space<vmem>>, vector<1x1x16xf32>,
      %parallel_loop3A_560 = vector.shape_cast %parallel_loop3A_559 : vector<1x1x16xf32> to vector<16xf32>
      %parallel_loop3A_561 = vector.shape_cast %parallel_loop3A_554 : vector<16xf32> to vector<1x1x16xf32>
      tpu.vector_store %arg7[%parallel_loop3A_556, %parallel_loop3A_557, %parallel_loop3A_558], %parallel_loop3A_561 {strides = array<i32>} : memref<7x128x128xf32, #tpu.memory_space<vmem>>, vector<1x1x16xf32>,
      %parallel_loop3A_562 = arith.constant 6 : i32
      %parallel_loop3A_563 = arith.index_cast %parallel_loop3A_562 : i32 to index
      %parallel_loop3A_564 = arith.index_cast %parallel_loop3A_493 : i32 to index
      %parallel_loop3A_565 = arith.constant 64 : index
      %parallel_loop3A_566 = tpu.vector_load %arg7[%parallel_loop3A_563, %parallel_loop3A_564, %parallel_loop3A_565] {strides = array<i32>} : memref<7x128x128xf32, #tpu.memory_space<vmem>>, vector<1x1x16xf32>,
      %parallel_loop3A_567 = vector.shape_cast %parallel_loop3A_566 : vector<1x1x16xf32> to vector<16xf32>
      %parallel_loop3A_568 = arith.constant 11.3137083 : f32
      %parallel_loop3A_569 = vector.broadcast %parallel_loop3A_568 : f32 to vector<16xf32>
      %parallel_loop3A_570 = arith.mulf %parallel_loop3A_567, %parallel_loop3A_569 : vector<16xf32>
      %parallel_loop3A_571 = arith.addf %parallel_loop3A_570, %get3A_46 : vector<16xf32>
      %parallel_loop3A_572 = arith.constant 6 : i32
      %parallel_loop3A_573 = arith.index_cast %parallel_loop3A_572 : i32 to index
      %parallel_loop3A_574 = arith.index_cast %parallel_loop3A_493 : i32 to index
      %parallel_loop3A_575 = arith.constant 64 : index
      %parallel_loop3A_576 = tpu.vector_load %arg7[%parallel_loop3A_573, %parallel_loop3A_574, %parallel_loop3A_575] {strides = array<i32>} : memref<7x128x128xf32, #tpu.memory_space<vmem>>, vector<1x1x16xf32>,
      %parallel_loop3A_577 = vector.shape_cast %parallel_loop3A_576 : vector<1x1x16xf32> to vector<16xf32>
      %parallel_loop3A_578 = vector.shape_cast %parallel_loop3A_571 : vector<16xf32> to vector<1x1x16xf32>
      tpu.vector_store %arg7[%parallel_loop3A_573, %parallel_loop3A_574, %parallel_loop3A_575], %parallel_loop3A_578 {strides = array<i32>} : memref<7x128x128xf32, #tpu.memory_space<vmem>>, vector<1x1x16xf32>,
      %parallel_loop3A_579 = arith.constant 6 : i32
      %parallel_loop3A_580 = arith.index_cast %parallel_loop3A_579 : i32 to index
      %parallel_loop3A_581 = arith.index_cast %parallel_loop3A_493 : i32 to index
      %parallel_loop3A_582 = arith.constant 80 : index
      %parallel_loop3A_583 = tpu.vector_load %arg7[%parallel_loop3A_580, %parallel_loop3A_581, %parallel_loop3A_582] {strides = array<i32>} : memref<7x128x128xf32, #tpu.memory_space<vmem>>, vector<1x1x16xf32>,
      %parallel_loop3A_584 = vector.shape_cast %parallel_loop3A_583 : vector<1x1x16xf32> to vector<16xf32>
      %parallel_loop3A_585 = arith.constant 11.3137083 : f32
      %parallel_loop3A_586 = vector.broadcast %parallel_loop3A_585 : f32 to vector<16xf32>
      %parallel_loop3A_587 = arith.mulf %parallel_loop3A_584, %parallel_loop3A_586 : vector<16xf32>
      %parallel_loop3A_588 = arith.addf %parallel_loop3A_587, %get3A_49 : vector<16xf32>
      %parallel_loop3A_589 = arith.constant 6 : i32
      %parallel_loop3A_590 = arith.index_cast %parallel_loop3A_589 : i32 to index
      %parallel_loop3A_591 = arith.index_cast %parallel_loop3A_493 : i32 to index
      %parallel_loop3A_592 = arith.constant 80 : index
      %parallel_loop3A_593 = tpu.vector_load %arg7[%parallel_loop3A_590, %parallel_loop3A_591, %parallel_loop3A_592] {strides = array<i32>} : memref<7x128x128xf32, #tpu.memory_space<vmem>>, vector<1x1x16xf32>,
      %parallel_loop3A_594 = vector.shape_cast %parallel_loop3A_593 : vector<1x1x16xf32> to vector<16xf32>
      %parallel_loop3A_595 = vector.shape_cast %parallel_loop3A_588 : vector<16xf32> to vector<1x1x16xf32>
      tpu.vector_store %arg7[%parallel_loop3A_590, %parallel_loop3A_591, %parallel_loop3A_592], %parallel_loop3A_595 {strides = array<i32>} : memref<7x128x128xf32, #tpu.memory_space<vmem>>, vector<1x1x16xf32>,
      %parallel_loop3A_596 = arith.constant 6 : i32
      %parallel_loop3A_597 = arith.index_cast %parallel_loop3A_596 : i32 to index
      %parallel_loop3A_598 = arith.index_cast %parallel_loop3A_493 : i32 to index
      %parallel_loop3A_599 = arith.constant 96 : index
      %parallel_loop3A_600 = tpu.vector_load %arg7[%parallel_loop3A_597, %parallel_loop3A_598, %parallel_loop3A_599] {strides = array<i32>} : memref<7x128x128xf32, #tpu.memory_space<vmem>>, vector<1x1x16xf32>,
      %parallel_loop3A_601 = vector.shape_cast %parallel_loop3A_600 : vector<1x1x16xf32> to vector<16xf32>
      %parallel_loop3A_602 = arith.constant 11.3137083 : f32
      %parallel_loop3A_603 = vector.broadcast %parallel_loop3A_602 : f32 to vector<16xf32>
      %parallel_loop3A_604 = arith.mulf %parallel_loop3A_601, %parallel_loop3A_603 : vector<16xf32>
      %parallel_loop3A_605 = arith.addf %parallel_loop3A_604, %get3A_52 : vector<16xf32>
      %parallel_loop3A_606 = arith.constant 6 : i32
      %parallel_loop3A_607 = arith.index_cast %parallel_loop3A_606 : i32 to index
      %parallel_loop3A_608 = arith.index_cast %parallel_loop3A_493 : i32 to index
      %parallel_loop3A_609 = arith.constant 96 : index
      %parallel_loop3A_610 = tpu.vector_load %arg7[%parallel_loop3A_607, %parallel_loop3A_608, %parallel_loop3A_609] {strides = array<i32>} : memref<7x128x128xf32, #tpu.memory_space<vmem>>, vector<1x1x16xf32>,
      %parallel_loop3A_611 = vector.shape_cast %parallel_loop3A_610 : vector<1x1x16xf32> to vector<16xf32>
      %parallel_loop3A_612 = vector.shape_cast %parallel_loop3A_605 : vector<16xf32> to vector<1x1x16xf32>
      tpu.vector_store %arg7[%parallel_loop3A_607, %parallel_loop3A_608, %parallel_loop3A_609], %parallel_loop3A_612 {strides = array<i32>} : memref<7x128x128xf32, #tpu.memory_space<vmem>>, vector<1x1x16xf32>,
      %parallel_loop3A_613 = arith.constant 6 : i32
      %parallel_loop3A_614 = arith.index_cast %parallel_loop3A_613 : i32 to index
      %parallel_loop3A_615 = arith.index_cast %parallel_loop3A_493 : i32 to index
      %parallel_loop3A_616 = arith.constant 112 : index
      %parallel_loop3A_617 = tpu.vector_load %arg7[%parallel_loop3A_614, %parallel_loop3A_615, %parallel_loop3A_616] {strides = array<i32>} : memref<7x128x128xf32, #tpu.memory_space<vmem>>, vector<1x1x16xf32>,
      %parallel_loop3A_618 = vector.shape_cast %parallel_loop3A_617 : vector<1x1x16xf32> to vector<16xf32>
      %parallel_loop3A_619 = arith.constant 11.3137083 : f32
      %parallel_loop3A_620 = vector.broadcast %parallel_loop3A_619 : f32 to vector<16xf32>
      %parallel_loop3A_621 = arith.mulf %parallel_loop3A_618, %parallel_loop3A_620 : vector<16xf32>
      %parallel_loop3A_622 = arith.addf %parallel_loop3A_621, %get3A_55 : vector<16xf32>
      %parallel_loop3A_623 = arith.constant 6 : i32
      %parallel_loop3A_624 = arith.index_cast %parallel_loop3A_623 : i32 to index
      %parallel_loop3A_625 = arith.index_cast %parallel_loop3A_493 : i32 to index
      %parallel_loop3A_626 = arith.constant 112 : index
      %parallel_loop3A_627 = tpu.vector_load %arg7[%parallel_loop3A_624, %parallel_loop3A_625, %parallel_loop3A_626] {strides = array<i32>} : memref<7x128x128xf32, #tpu.memory_space<vmem>>, vector<1x1x16xf32>,
      %parallel_loop3A_628 = vector.shape_cast %parallel_loop3A_627 : vector<1x1x16xf32> to vector<16xf32>
      %parallel_loop3A_629 = vector.shape_cast %parallel_loop3A_622 : vector<16xf32> to vector<1x1x16xf32>
      tpu.vector_store %arg7[%parallel_loop3A_624, %parallel_loop3A_625, %parallel_loop3A_626], %parallel_loop3A_629 {strides = array<i32>} : memref<7x128x128xf32, #tpu.memory_space<vmem>>, vector<1x1x16xf32>,
    } {sc.loop_unroll_factor = 1 : i64, sc.parallel_access}
    %add3A_341 = arith.constant 768 : i32
    %add3A_342 = arith.addi %mul3A_32, %add3A_341 : i32
    %dma_start3A_343 = arith.constant 6 : i32
    %dma_start3A_344 = arith.constant 0 : i32
    %dma_start3A_345 = arith.constant 0 : i32
    %dma_start3A_346 = tpu.memref_slice %arg7[%dma_start3A_343, %dma_start3A_344, %dma_start3A_345] : memref<7x128x128xf32, #tpu.memory_space<vmem>> -> memref<1x128x128xf32, #tpu.memory_space<vmem>>
    %dma_start3A_347 = tpu.memref_squeeze %dma_start3A_346 : memref<1x128x128xf32, #tpu.memory_space<vmem>> -> memref<128x128xf32, #tpu.memory_space<vmem>>
    %dma_start3A_348 = arith.constant 0 : i32
    %dma_start3A_349 = tpu.memref_slice %arg5[%select_n3A, %add3A_342, %dma_start3A_348] : memref<4x8192x128xf32, #tpu.memory_space<hbm>> -> memref<1x128x128xf32, #tpu.memory_space<hbm>>
    %dma_start3A_350 = tpu.memref_squeeze %dma_start3A_349 : memref<1x128x128xf32, #tpu.memory_space<hbm>> -> memref<128x128xf32, #tpu.memory_space<hbm>>
    %dma_start3A_351 = arith.constant 0 : i32
    %dma_start3A_352 = tpu.memref_slice %arg5[%select_n3A, %add3A_342, %dma_start3A_351] : memref<4x8192x128xf32, #tpu.memory_space<hbm>> -> memref<1x128x128xf32, #tpu.memory_space<hbm>>
    %dma_start3A_353 = tpu.memref_squeeze %dma_start3A_352 : memref<1x128x128xf32, #tpu.memory_space<hbm>> -> memref<128x128xf32, #tpu.memory_space<hbm>>
    %dma_start3A_354 = arith.constant 0 : i32
    %dma_start3A_355 = arith.constant 0 : i32
    %dma_start3A_356 = tpu.memref_slice %arg7[%dma_start3A_343, %dma_start3A_354, %dma_start3A_355] : memref<7x128x128xf32, #tpu.memory_space<vmem>> -> memref<1x128x128xf32, #tpu.memory_space<vmem>>
    %dma_start3A_357 = tpu.memref_squeeze %dma_start3A_356 : memref<1x128x128xf32, #tpu.memory_space<vmem>> -> memref<128x128xf32, #tpu.memory_space<vmem>>
    tpu.enqueue_dma source(%dma_start3A_357 : memref<128x128xf32, #tpu.memory_space<vmem>>) target(%dma_start3A_353 : memref<128x128xf32, #tpu.memory_space<hbm>>) target_semaphore(%arg22 : memref<!tpu.dma_semaphore, #tpu.memory_space<semaphore_mem>>)
    %dma_wait3A_358 = arith.constant 0 : i32
    %dma_wait3A_359 = arith.constant 0 : i32
    %dma_wait3A_360 = arith.constant 0 : i32
    %dma_wait3A_361 = tpu.memref_slice %arg7[%dma_wait3A_358, %dma_wait3A_359, %dma_wait3A_360] : memref<7x128x128xf32, #tpu.memory_space<vmem>> -> memref<1x128x128xf32, #tpu.memory_space<vmem>>
    %dma_wait3A_362 = tpu.memref_squeeze %dma_wait3A_361 : memref<1x128x128xf32, #tpu.memory_space<vmem>> -> memref<128x128xf32, #tpu.memory_space<vmem>>
    %dma_wait3A_363 = arith.constant 896 : i32
    %dma_wait3A_364 = tpu.memref_slice %arg6[%dma_wait3A_363] : memref<1024xi32, #tpu.memory_space<vmem>> -> memref<128xi32, #tpu.memory_space<vmem>>
    %dma_wait3A_365 = arith.constant 0 : i32
    %dma_wait3A_366 = arith.constant 0 : i32
    %dma_wait3A_367 = tpu.memref_slice %arg3[%dma_wait3A_365, %dma_wait3A_366] : memref<100000x128xf32, #tpu.memory_space<hbm>> -> memref<100000x128xf32, #tpu.memory_space<hbm>>
    tpu.wait_indirect_dma semaphore(%arg9 : memref<!tpu.dma_semaphore, #tpu.memory_space<semaphore_mem>>) src(%dma_wait3A_367 : memref<100000x128xf32, #tpu.memory_space<hbm>>) dst(%dma_wait3A_362 : memref<128x128xf32, #tpu.memory_space<vmem>>)
    %parallel_loop3A_368 = arith.constant 0 : i32
    %parallel_loop3A_369 = arith.constant 128 : i32
    %parallel_loop3A_370 = arith.constant 1 : i32
    scf.for %parallel_loop3A_493 = %parallel_loop3A_368 to %parallel_loop3A_369 step %parallel_loop3A_370  : i32 {
      %parallel_loop3A_494 = arith.constant 0 : i32
      %parallel_loop3A_495 = arith.index_cast %parallel_loop3A_494 : i32 to index
      %parallel_loop3A_496 = arith.index_cast %parallel_loop3A_493 : i32 to index
      %parallel_loop3A_497 = arith.constant 0 : index
      %parallel_loop3A_498 = tpu.vector_load %arg7[%parallel_loop3A_495, %parallel_loop3A_496, %parallel_loop3A_497] {strides = array<i32>} : memref<7x128x128xf32, #tpu.memory_space<vmem>>, vector<1x1x16xf32>,
      %parallel_loop3A_499 = vector.shape_cast %parallel_loop3A_498 : vector<1x1x16xf32> to vector<16xf32>
      %parallel_loop3A_500 = arith.constant 11.3137083 : f32
      %parallel_loop3A_501 = vector.broadcast %parallel_loop3A_500 : f32 to vector<16xf32>
      %parallel_loop3A_502 = arith.mulf %parallel_loop3A_499, %parallel_loop3A_501 : vector<16xf32>
      %parallel_loop3A_503 = arith.addf %parallel_loop3A_502, %get3A_34 : vector<16xf32>
      %parallel_loop3A_504 = arith.constant 0 : i32
      %parallel_loop3A_505 = arith.index_cast %parallel_loop3A_504 : i32 to index
      %parallel_loop3A_506 = arith.index_cast %parallel_loop3A_493 : i32 to index
      %parallel_loop3A_507 = arith.constant 0 : index
      %parallel_loop3A_508 = tpu.vector_load %arg7[%parallel_loop3A_505, %parallel_loop3A_506, %parallel_loop3A_507] {strides = array<i32>} : memref<7x128x128xf32, #tpu.memory_space<vmem>>, vector<1x1x16xf32>,
      %parallel_loop3A_509 = vector.shape_cast %parallel_loop3A_508 : vector<1x1x16xf32> to vector<16xf32>
      %parallel_loop3A_510 = vector.shape_cast %parallel_loop3A_503 : vector<16xf32> to vector<1x1x16xf32>
      tpu.vector_store %arg7[%parallel_loop3A_505, %parallel_loop3A_506, %parallel_loop3A_507], %parallel_loop3A_510 {strides = array<i32>} : memref<7x128x128xf32, #tpu.memory_space<vmem>>, vector<1x1x16xf32>,
      %parallel_loop3A_511 = arith.constant 0 : i32
      %parallel_loop3A_512 = arith.index_cast %parallel_loop3A_511 : i32 to index
      %parallel_loop3A_513 = arith.index_cast %parallel_loop3A_493 : i32 to index
      %parallel_loop3A_514 = arith.constant 16 : index
      %parallel_loop3A_515 = tpu.vector_load %arg7[%parallel_loop3A_512, %parallel_loop3A_513, %parallel_loop3A_514] {strides = array<i32>} : memref<7x128x128xf32, #tpu.memory_space<vmem>>, vector<1x1x16xf32>,
      %parallel_loop3A_516 = vector.shape_cast %parallel_loop3A_515 : vector<1x1x16xf32> to vector<16xf32>
      %parallel_loop3A_517 = arith.constant 11.3137083 : f32
      %parallel_loop3A_518 = vector.broadcast %parallel_loop3A_517 : f32 to vector<16xf32>
      %parallel_loop3A_519 = arith.mulf %parallel_loop3A_516, %parallel_loop3A_518 : vector<16xf32>
      %parallel_loop3A_520 = arith.addf %parallel_loop3A_519, %get3A_37 : vector<16xf32>
      %parallel_loop3A_521 = arith.constant 0 : i32
      %parallel_loop3A_522 = arith.index_cast %parallel_loop3A_521 : i32 to index
      %parallel_loop3A_523 = arith.index_cast %parallel_loop3A_493 : i32 to index
      %parallel_loop3A_524 = arith.constant 16 : index
      %parallel_loop3A_525 = tpu.vector_load %arg7[%parallel_loop3A_522, %parallel_loop3A_523, %parallel_loop3A_524] {strides = array<i32>} : memref<7x128x128xf32, #tpu.memory_space<vmem>>, vector<1x1x16xf32>,
      %parallel_loop3A_526 = vector.shape_cast %parallel_loop3A_525 : vector<1x1x16xf32> to vector<16xf32>
      %parallel_loop3A_527 = vector.shape_cast %parallel_loop3A_520 : vector<16xf32> to vector<1x1x16xf32>
      tpu.vector_store %arg7[%parallel_loop3A_522, %parallel_loop3A_523, %parallel_loop3A_524], %parallel_loop3A_527 {strides = array<i32>} : memref<7x128x128xf32, #tpu.memory_space<vmem>>, vector<1x1x16xf32>,
      %parallel_loop3A_528 = arith.constant 0 : i32
      %parallel_loop3A_529 = arith.index_cast %parallel_loop3A_528 : i32 to index
      %parallel_loop3A_530 = arith.index_cast %parallel_loop3A_493 : i32 to index
      %parallel_loop3A_531 = arith.constant 32 : index
      %parallel_loop3A_532 = tpu.vector_load %arg7[%parallel_loop3A_529, %parallel_loop3A_530, %parallel_loop3A_531] {strides = array<i32>} : memref<7x128x128xf32, #tpu.memory_space<vmem>>, vector<1x1x16xf32>,
      %parallel_loop3A_533 = vector.shape_cast %parallel_loop3A_532 : vector<1x1x16xf32> to vector<16xf32>
      %parallel_loop3A_534 = arith.constant 11.3137083 : f32
      %parallel_loop3A_535 = vector.broadcast %parallel_loop3A_534 : f32 to vector<16xf32>
      %parallel_loop3A_536 = arith.mulf %parallel_loop3A_533, %parallel_loop3A_535 : vector<16xf32>
      %parallel_loop3A_537 = arith.addf %parallel_loop3A_536, %get3A_40 : vector<16xf32>
      %parallel_loop3A_538 = arith.constant 0 : i32
      %parallel_loop3A_539 = arith.index_cast %parallel_loop3A_538 : i32 to index
      %parallel_loop3A_540 = arith.index_cast %parallel_loop3A_493 : i32 to index
      %parallel_loop3A_541 = arith.constant 32 : index
      %parallel_loop3A_542 = tpu.vector_load %arg7[%parallel_loop3A_539, %parallel_loop3A_540, %parallel_loop3A_541] {strides = array<i32>} : memref<7x128x128xf32, #tpu.memory_space<vmem>>, vector<1x1x16xf32>,
      %parallel_loop3A_543 = vector.shape_cast %parallel_loop3A_542 : vector<1x1x16xf32> to vector<16xf32>
      %parallel_loop3A_544 = vector.shape_cast %parallel_loop3A_537 : vector<16xf32> to vector<1x1x16xf32>
      tpu.vector_store %arg7[%parallel_loop3A_539, %parallel_loop3A_540, %parallel_loop3A_541], %parallel_loop3A_544 {strides = array<i32>} : memref<7x128x128xf32, #tpu.memory_space<vmem>>, vector<1x1x16xf32>,
      %parallel_loop3A_545 = arith.constant 0 : i32
      %parallel_loop3A_546 = arith.index_cast %parallel_loop3A_545 : i32 to index
      %parallel_loop3A_547 = arith.index_cast %parallel_loop3A_493 : i32 to index
      %parallel_loop3A_548 = arith.constant 48 : index
      %parallel_loop3A_549 = tpu.vector_load %arg7[%parallel_loop3A_546, %parallel_loop3A_547, %parallel_loop3A_548] {strides = array<i32>} : memref<7x128x128xf32, #tpu.memory_space<vmem>>, vector<1x1x16xf32>,
      %parallel_loop3A_550 = vector.shape_cast %parallel_loop3A_549 : vector<1x1x16xf32> to vector<16xf32>
      %parallel_loop3A_551 = arith.constant 11.3137083 : f32
      %parallel_loop3A_552 = vector.broadcast %parallel_loop3A_551 : f32 to vector<16xf32>
      %parallel_loop3A_553 = arith.mulf %parallel_loop3A_550, %parallel_loop3A_552 : vector<16xf32>
      %parallel_loop3A_554 = arith.addf %parallel_loop3A_553, %get3A_43 : vector<16xf32>
      %parallel_loop3A_555 = arith.constant 0 : i32
      %parallel_loop3A_556 = arith.index_cast %parallel_loop3A_555 : i32 to index
      %parallel_loop3A_557 = arith.index_cast %parallel_loop3A_493 : i32 to index
      %parallel_loop3A_558 = arith.constant 48 : index
      %parallel_loop3A_559 = tpu.vector_load %arg7[%parallel_loop3A_556, %parallel_loop3A_557, %parallel_loop3A_558] {strides = array<i32>} : memref<7x128x128xf32, #tpu.memory_space<vmem>>, vector<1x1x16xf32>,
      %parallel_loop3A_560 = vector.shape_cast %parallel_loop3A_559 : vector<1x1x16xf32> to vector<16xf32>
      %parallel_loop3A_561 = vector.shape_cast %parallel_loop3A_554 : vector<16xf32> to vector<1x1x16xf32>
      tpu.vector_store %arg7[%parallel_loop3A_556, %parallel_loop3A_557, %parallel_loop3A_558], %parallel_loop3A_561 {strides = array<i32>} : memref<7x128x128xf32, #tpu.memory_space<vmem>>, vector<1x1x16xf32>,
      %parallel_loop3A_562 = arith.constant 0 : i32
      %parallel_loop3A_563 = arith.index_cast %parallel_loop3A_562 : i32 to index
      %parallel_loop3A_564 = arith.index_cast %parallel_loop3A_493 : i32 to index
      %parallel_loop3A_565 = arith.constant 64 : index
      %parallel_loop3A_566 = tpu.vector_load %arg7[%parallel_loop3A_563, %parallel_loop3A_564, %parallel_loop3A_565] {strides = array<i32>} : memref<7x128x128xf32, #tpu.memory_space<vmem>>, vector<1x1x16xf32>,
      %parallel_loop3A_567 = vector.shape_cast %parallel_loop3A_566 : vector<1x1x16xf32> to vector<16xf32>
      %parallel_loop3A_568 = arith.constant 11.3137083 : f32
      %parallel_loop3A_569 = vector.broadcast %parallel_loop3A_568 : f32 to vector<16xf32>
      %parallel_loop3A_570 = arith.mulf %parallel_loop3A_567, %parallel_loop3A_569 : vector<16xf32>
      %parallel_loop3A_571 = arith.addf %parallel_loop3A_570, %get3A_46 : vector<16xf32>
      %parallel_loop3A_572 = arith.constant 0 : i32
      %parallel_loop3A_573 = arith.index_cast %parallel_loop3A_572 : i32 to index
      %parallel_loop3A_574 = arith.index_cast %parallel_loop3A_493 : i32 to index
      %parallel_loop3A_575 = arith.constant 64 : index
      %parallel_loop3A_576 = tpu.vector_load %arg7[%parallel_loop3A_573, %parallel_loop3A_574, %parallel_loop3A_575] {strides = array<i32>} : memref<7x128x128xf32, #tpu.memory_space<vmem>>, vector<1x1x16xf32>,
      %parallel_loop3A_577 = vector.shape_cast %parallel_loop3A_576 : vector<1x1x16xf32> to vector<16xf32>
      %parallel_loop3A_578 = vector.shape_cast %parallel_loop3A_571 : vector<16xf32> to vector<1x1x16xf32>
      tpu.vector_store %arg7[%parallel_loop3A_573, %parallel_loop3A_574, %parallel_loop3A_575], %parallel_loop3A_578 {strides = array<i32>} : memref<7x128x128xf32, #tpu.memory_space<vmem>>, vector<1x1x16xf32>,
      %parallel_loop3A_579 = arith.constant 0 : i32
      %parallel_loop3A_580 = arith.index_cast %parallel_loop3A_579 : i32 to index
      %parallel_loop3A_581 = arith.index_cast %parallel_loop3A_493 : i32 to index
      %parallel_loop3A_582 = arith.constant 80 : index
      %parallel_loop3A_583 = tpu.vector_load %arg7[%parallel_loop3A_580, %parallel_loop3A_581, %parallel_loop3A_582] {strides = array<i32>} : memref<7x128x128xf32, #tpu.memory_space<vmem>>, vector<1x1x16xf32>,
      %parallel_loop3A_584 = vector.shape_cast %parallel_loop3A_583 : vector<1x1x16xf32> to vector<16xf32>
      %parallel_loop3A_585 = arith.constant 11.3137083 : f32
      %parallel_loop3A_586 = vector.broadcast %parallel_loop3A_585 : f32 to vector<16xf32>
      %parallel_loop3A_587 = arith.mulf %parallel_loop3A_584, %parallel_loop3A_586 : vector<16xf32>
      %parallel_loop3A_588 = arith.addf %parallel_loop3A_587, %get3A_49 : vector<16xf32>
      %parallel_loop3A_589 = arith.constant 0 : i32
      %parallel_loop3A_590 = arith.index_cast %parallel_loop3A_589 : i32 to index
      %parallel_loop3A_591 = arith.index_cast %parallel_loop3A_493 : i32 to index
      %parallel_loop3A_592 = arith.constant 80 : index
      %parallel_loop3A_593 = tpu.vector_load %arg7[%parallel_loop3A_590, %parallel_loop3A_591, %parallel_loop3A_592] {strides = array<i32>} : memref<7x128x128xf32, #tpu.memory_space<vmem>>, vector<1x1x16xf32>,
      %parallel_loop3A_594 = vector.shape_cast %parallel_loop3A_593 : vector<1x1x16xf32> to vector<16xf32>
      %parallel_loop3A_595 = vector.shape_cast %parallel_loop3A_588 : vector<16xf32> to vector<1x1x16xf32>
      tpu.vector_store %arg7[%parallel_loop3A_590, %parallel_loop3A_591, %parallel_loop3A_592], %parallel_loop3A_595 {strides = array<i32>} : memref<7x128x128xf32, #tpu.memory_space<vmem>>, vector<1x1x16xf32>,
      %parallel_loop3A_596 = arith.constant 0 : i32
      %parallel_loop3A_597 = arith.index_cast %parallel_loop3A_596 : i32 to index
      %parallel_loop3A_598 = arith.index_cast %parallel_loop3A_493 : i32 to index
      %parallel_loop3A_599 = arith.constant 96 : index
      %parallel_loop3A_600 = tpu.vector_load %arg7[%parallel_loop3A_597, %parallel_loop3A_598, %parallel_loop3A_599] {strides = array<i32>} : memref<7x128x128xf32, #tpu.memory_space<vmem>>, vector<1x1x16xf32>,
      %parallel_loop3A_601 = vector.shape_cast %parallel_loop3A_600 : vector<1x1x16xf32> to vector<16xf32>
      %parallel_loop3A_602 = arith.constant 11.3137083 : f32
      %parallel_loop3A_603 = vector.broadcast %parallel_loop3A_602 : f32 to vector<16xf32>
      %parallel_loop3A_604 = arith.mulf %parallel_loop3A_601, %parallel_loop3A_603 : vector<16xf32>
      %parallel_loop3A_605 = arith.addf %parallel_loop3A_604, %get3A_52 : vector<16xf32>
      %parallel_loop3A_606 = arith.constant 0 : i32
      %parallel_loop3A_607 = arith.index_cast %parallel_loop3A_606 : i32 to index
      %parallel_loop3A_608 = arith.index_cast %parallel_loop3A_493 : i32 to index
      %parallel_loop3A_609 = arith.constant 96 : index
      %parallel_loop3A_610 = tpu.vector_load %arg7[%parallel_loop3A_607, %parallel_loop3A_608, %parallel_loop3A_609] {strides = array<i32>} : memref<7x128x128xf32, #tpu.memory_space<vmem>>, vector<1x1x16xf32>,
      %parallel_loop3A_611 = vector.shape_cast %parallel_loop3A_610 : vector<1x1x16xf32> to vector<16xf32>
      %parallel_loop3A_612 = vector.shape_cast %parallel_loop3A_605 : vector<16xf32> to vector<1x1x16xf32>
      tpu.vector_store %arg7[%parallel_loop3A_607, %parallel_loop3A_608, %parallel_loop3A_609], %parallel_loop3A_612 {strides = array<i32>} : memref<7x128x128xf32, #tpu.memory_space<vmem>>, vector<1x1x16xf32>,
      %parallel_loop3A_613 = arith.constant 0 : i32
      %parallel_loop3A_614 = arith.index_cast %parallel_loop3A_613 : i32 to index
      %parallel_loop3A_615 = arith.index_cast %parallel_loop3A_493 : i32 to index
      %parallel_loop3A_616 = arith.constant 112 : index
      %parallel_loop3A_617 = tpu.vector_load %arg7[%parallel_loop3A_614, %parallel_loop3A_615, %parallel_loop3A_616] {strides = array<i32>} : memref<7x128x128xf32, #tpu.memory_space<vmem>>, vector<1x1x16xf32>,
      %parallel_loop3A_618 = vector.shape_cast %parallel_loop3A_617 : vector<1x1x16xf32> to vector<16xf32>
      %parallel_loop3A_619 = arith.constant 11.3137083 : f32
      %parallel_loop3A_620 = vector.broadcast %parallel_loop3A_619 : f32 to vector<16xf32>
      %parallel_loop3A_621 = arith.mulf %parallel_loop3A_618, %parallel_loop3A_620 : vector<16xf32>
      %parallel_loop3A_622 = arith.addf %parallel_loop3A_621, %get3A_55 : vector<16xf32>
      %parallel_loop3A_623 = arith.constant 0 : i32
      %parallel_loop3A_624 = arith.index_cast %parallel_loop3A_623 : i32 to index
      %parallel_loop3A_625 = arith.index_cast %parallel_loop3A_493 : i32 to index
      %parallel_loop3A_626 = arith.constant 112 : index
      %parallel_loop3A_627 = tpu.vector_load %arg7[%parallel_loop3A_624, %parallel_loop3A_625, %parallel_loop3A_626] {strides = array<i32>} : memref<7x128x128xf32, #tpu.memory_space<vmem>>, vector<1x1x16xf32>,
      %parallel_loop3A_628 = vector.shape_cast %parallel_loop3A_627 : vector<1x1x16xf32> to vector<16xf32>
      %parallel_loop3A_629 = vector.shape_cast %parallel_loop3A_622 : vector<16xf32> to vector<1x1x16xf32>
      tpu.vector_store %arg7[%parallel_loop3A_624, %parallel_loop3A_625, %parallel_loop3A_626], %parallel_loop3A_629 {strides = array<i32>} : memref<7x128x128xf32, #tpu.memory_space<vmem>>, vector<1x1x16xf32>,
    } {sc.loop_unroll_factor = 1 : i64, sc.parallel_access}
    %add3A_371 = arith.constant 896 : i32
    %add3A_372 = arith.addi %mul3A_32, %add3A_371 : i32
    %dma_start3A_373 = arith.constant 0 : i32
    %dma_start3A_374 = arith.constant 0 : i32
    %dma_start3A_375 = arith.constant 0 : i32
    %dma_start3A_376 = tpu.memref_slice %arg7[%dma_start3A_373, %dma_start3A_374, %dma_start3A_375] : memref<7x128x128xf32, #tpu.memory_space<vmem>> -> memref<1x128x128xf32, #tpu.memory_space<vmem>>
    %dma_start3A_377 = tpu.memref_squeeze %dma_start3A_376 : memref<1x128x128xf32, #tpu.memory_space<vmem>> -> memref<128x128xf32, #tpu.memory_space<vmem>>
    %dma_start3A_378 = arith.constant 0 : i32
    %dma_start3A_379 = tpu.memref_slice %arg5[%select_n3A, %add3A_372, %dma_start3A_378] : memref<4x8192x128xf32, #tpu.memory_space<hbm>> -> memref<1x128x128xf32, #tpu.memory_space<hbm>>
    %dma_start3A_380 = tpu.memref_squeeze %dma_start3A_379 : memref<1x128x128xf32, #tpu.memory_space<hbm>> -> memref<128x128xf32, #tpu.memory_space<hbm>>
    %dma_start3A_381 = arith.constant 0 : i32
    %dma_start3A_382 = tpu.memref_slice %arg5[%select_n3A, %add3A_372, %dma_start3A_381] : memref<4x8192x128xf32, #tpu.memory_space<hbm>> -> memref<1x128x128xf32, #tpu.memory_space<hbm>>
    %dma_start3A_383 = tpu.memref_squeeze %dma_start3A_382 : memref<1x128x128xf32, #tpu.memory_space<hbm>> -> memref<128x128xf32, #tpu.memory_space<hbm>>
    %dma_start3A_384 = arith.constant 0 : i32
    %dma_start3A_385 = arith.constant 0 : i32
    %dma_start3A_386 = tpu.memref_slice %arg7[%dma_start3A_373, %dma_start3A_384, %dma_start3A_385] : memref<7x128x128xf32, #tpu.memory_space<vmem>> -> memref<1x128x128xf32, #tpu.memory_space<vmem>>
    %dma_start3A_387 = tpu.memref_squeeze %dma_start3A_386 : memref<1x128x128xf32, #tpu.memory_space<vmem>> -> memref<128x128xf32, #tpu.memory_space<vmem>>
    tpu.enqueue_dma source(%dma_start3A_387 : memref<128x128xf32, #tpu.memory_space<vmem>>) target(%dma_start3A_383 : memref<128x128xf32, #tpu.memory_space<hbm>>) target_semaphore(%arg16 : memref<!tpu.dma_semaphore, #tpu.memory_space<semaphore_mem>>)
    %dma_wait3A_388 = arith.constant 1 : i32
    %dma_wait3A_389 = arith.constant 0 : i32
    %dma_wait3A_390 = arith.constant 0 : i32
    %dma_wait3A_391 = tpu.memref_slice %arg7[%dma_wait3A_388, %dma_wait3A_389, %dma_wait3A_390] : memref<7x128x128xf32, #tpu.memory_space<vmem>> -> memref<1x128x128xf32, #tpu.memory_space<vmem>>
    %dma_wait3A_392 = tpu.memref_squeeze %dma_wait3A_391 : memref<1x128x128xf32, #tpu.memory_space<vmem>> -> memref<128x128xf32, #tpu.memory_space<vmem>>
    %dma_wait3A_393 = arith.constant 0 : i32
    %dma_wait3A_394 = tpu.memref_slice %arg5[%select_n3A, %add3A_192, %dma_wait3A_393] : memref<4x8192x128xf32, #tpu.memory_space<hbm>> -> memref<1x128x128xf32, #tpu.memory_space<hbm>>
    %dma_wait3A_395 = tpu.memref_squeeze %dma_wait3A_394 : memref<1x128x128xf32, #tpu.memory_space<hbm>> -> memref<128x128xf32, #tpu.memory_space<hbm>>
    %dma_wait3A_396 = arith.constant 0 : i32
    %dma_wait3A_397 = tpu.memref_slice %arg5[%select_n3A, %add3A_192, %dma_wait3A_396] : memref<4x8192x128xf32, #tpu.memory_space<hbm>> -> memref<1x128x128xf32, #tpu.memory_space<hbm>>
    %dma_wait3A_398 = tpu.memref_squeeze %dma_wait3A_397 : memref<1x128x128xf32, #tpu.memory_space<hbm>> -> memref<128x128xf32, #tpu.memory_space<hbm>>
    %dma_wait3A_399 = arith.constant 0 : i32
    %dma_wait3A_400 = arith.constant 0 : i32
    %dma_wait3A_401 = tpu.memref_slice %arg7[%dma_wait3A_388, %dma_wait3A_399, %dma_wait3A_400] : memref<7x128x128xf32, #tpu.memory_space<vmem>> -> memref<1x128x128xf32, #tpu.memory_space<vmem>>
    %dma_wait3A_402 = tpu.memref_squeeze %dma_wait3A_401 : memref<1x128x128xf32, #tpu.memory_space<vmem>> -> memref<128x128xf32, #tpu.memory_space<vmem>>
    tpu.wait_dma2 semaphore(%arg17 : memref<!tpu.dma_semaphore, #tpu.memory_space<semaphore_mem>>) src(%dma_wait3A_402 : memref<128x128xf32, #tpu.memory_space<vmem>>) dst(%dma_wait3A_398 : memref<128x128xf32, #tpu.memory_space<hbm>>)
    %dma_wait3A_403 = arith.constant 2 : i32
    %dma_wait3A_404 = arith.constant 0 : i32
    %dma_wait3A_405 = arith.constant 0 : i32
    %dma_wait3A_406 = tpu.memref_slice %arg7[%dma_wait3A_403, %dma_wait3A_404, %dma_wait3A_405] : memref<7x128x128xf32, #tpu.memory_space<vmem>> -> memref<1x128x128xf32, #tpu.memory_space<vmem>>
    %dma_wait3A_407 = tpu.memref_squeeze %dma_wait3A_406 : memref<1x128x128xf32, #tpu.memory_space<vmem>> -> memref<128x128xf32, #tpu.memory_space<vmem>>
    %dma_wait3A_408 = arith.constant 0 : i32
    %dma_wait3A_409 = tpu.memref_slice %arg5[%select_n3A, %add3A_222, %dma_wait3A_408] : memref<4x8192x128xf32, #tpu.memory_space<hbm>> -> memref<1x128x128xf32, #tpu.memory_space<hbm>>
    %dma_wait3A_410 = tpu.memref_squeeze %dma_wait3A_409 : memref<1x128x128xf32, #tpu.memory_space<hbm>> -> memref<128x128xf32, #tpu.memory_space<hbm>>
    %dma_wait3A_411 = arith.constant 0 : i32
    %dma_wait3A_412 = tpu.memref_slice %arg5[%select_n3A, %add3A_222, %dma_wait3A_411] : memref<4x8192x128xf32, #tpu.memory_space<hbm>> -> memref<1x128x128xf32, #tpu.memory_space<hbm>>
    %dma_wait3A_413 = tpu.memref_squeeze %dma_wait3A_412 : memref<1x128x128xf32, #tpu.memory_space<hbm>> -> memref<128x128xf32, #tpu.memory_space<hbm>>
    %dma_wait3A_414 = arith.constant 0 : i32
    %dma_wait3A_415 = arith.constant 0 : i32
    %dma_wait3A_416 = tpu.memref_slice %arg7[%dma_wait3A_403, %dma_wait3A_414, %dma_wait3A_415] : memref<7x128x128xf32, #tpu.memory_space<vmem>> -> memref<1x128x128xf32, #tpu.memory_space<vmem>>
    %dma_wait3A_417 = tpu.memref_squeeze %dma_wait3A_416 : memref<1x128x128xf32, #tpu.memory_space<vmem>> -> memref<128x128xf32, #tpu.memory_space<vmem>>
    tpu.wait_dma2 semaphore(%arg18 : memref<!tpu.dma_semaphore, #tpu.memory_space<semaphore_mem>>) src(%dma_wait3A_417 : memref<128x128xf32, #tpu.memory_space<vmem>>) dst(%dma_wait3A_413 : memref<128x128xf32, #tpu.memory_space<hbm>>)
    %dma_wait3A_418 = arith.constant 3 : i32
    %dma_wait3A_419 = arith.constant 0 : i32
    %dma_wait3A_420 = arith.constant 0 : i32
    %dma_wait3A_421 = tpu.memref_slice %arg7[%dma_wait3A_418, %dma_wait3A_419, %dma_wait3A_420] : memref<7x128x128xf32, #tpu.memory_space<vmem>> -> memref<1x128x128xf32, #tpu.memory_space<vmem>>
    %dma_wait3A_422 = tpu.memref_squeeze %dma_wait3A_421 : memref<1x128x128xf32, #tpu.memory_space<vmem>> -> memref<128x128xf32, #tpu.memory_space<vmem>>
    %dma_wait3A_423 = arith.constant 0 : i32
    %dma_wait3A_424 = tpu.memref_slice %arg5[%select_n3A, %add3A_252, %dma_wait3A_423] : memref<4x8192x128xf32, #tpu.memory_space<hbm>> -> memref<1x128x128xf32, #tpu.memory_space<hbm>>
    %dma_wait3A_425 = tpu.memref_squeeze %dma_wait3A_424 : memref<1x128x128xf32, #tpu.memory_space<hbm>> -> memref<128x128xf32, #tpu.memory_space<hbm>>
    %dma_wait3A_426 = arith.constant 0 : i32
    %dma_wait3A_427 = tpu.memref_slice %arg5[%select_n3A, %add3A_252, %dma_wait3A_426] : memref<4x8192x128xf32, #tpu.memory_space<hbm>> -> memref<1x128x128xf32, #tpu.memory_space<hbm>>
    %dma_wait3A_428 = tpu.memref_squeeze %dma_wait3A_427 : memref<1x128x128xf32, #tpu.memory_space<hbm>> -> memref<128x128xf32, #tpu.memory_space<hbm>>
    %dma_wait3A_429 = arith.constant 0 : i32
    %dma_wait3A_430 = arith.constant 0 : i32
    %dma_wait3A_431 = tpu.memref_slice %arg7[%dma_wait3A_418, %dma_wait3A_429, %dma_wait3A_430] : memref<7x128x128xf32, #tpu.memory_space<vmem>> -> memref<1x128x128xf32, #tpu.memory_space<vmem>>
    %dma_wait3A_432 = tpu.memref_squeeze %dma_wait3A_431 : memref<1x128x128xf32, #tpu.memory_space<vmem>> -> memref<128x128xf32, #tpu.memory_space<vmem>>
    tpu.wait_dma2 semaphore(%arg19 : memref<!tpu.dma_semaphore, #tpu.memory_space<semaphore_mem>>) src(%dma_wait3A_432 : memref<128x128xf32, #tpu.memory_space<vmem>>) dst(%dma_wait3A_428 : memref<128x128xf32, #tpu.memory_space<hbm>>)
    %dma_wait3A_433 = arith.constant 4 : i32
    %dma_wait3A_434 = arith.constant 0 : i32
    %dma_wait3A_435 = arith.constant 0 : i32
    %dma_wait3A_436 = tpu.memref_slice %arg7[%dma_wait3A_433, %dma_wait3A_434, %dma_wait3A_435] : memref<7x128x128xf32, #tpu.memory_space<vmem>> -> memref<1x128x128xf32, #tpu.memory_space<vmem>>
    %dma_wait3A_437 = tpu.memref_squeeze %dma_wait3A_436 : memref<1x128x128xf32, #tpu.memory_space<vmem>> -> memref<128x128xf32, #tpu.memory_space<vmem>>
    %dma_wait3A_438 = arith.constant 0 : i32
    %dma_wait3A_439 = tpu.memref_slice %arg5[%select_n3A, %add3A_282, %dma_wait3A_438] : memref<4x8192x128xf32, #tpu.memory_space<hbm>> -> memref<1x128x128xf32, #tpu.memory_space<hbm>>
    %dma_wait3A_440 = tpu.memref_squeeze %dma_wait3A_439 : memref<1x128x128xf32, #tpu.memory_space<hbm>> -> memref<128x128xf32, #tpu.memory_space<hbm>>
    %dma_wait3A_441 = arith.constant 0 : i32
    %dma_wait3A_442 = tpu.memref_slice %arg5[%select_n3A, %add3A_282, %dma_wait3A_441] : memref<4x8192x128xf32, #tpu.memory_space<hbm>> -> memref<1x128x128xf32, #tpu.memory_space<hbm>>
    %dma_wait3A_443 = tpu.memref_squeeze %dma_wait3A_442 : memref<1x128x128xf32, #tpu.memory_space<hbm>> -> memref<128x128xf32, #tpu.memory_space<hbm>>
    %dma_wait3A_444 = arith.constant 0 : i32
    %dma_wait3A_445 = arith.constant 0 : i32
    %dma_wait3A_446 = tpu.memref_slice %arg7[%dma_wait3A_433, %dma_wait3A_444, %dma_wait3A_445] : memref<7x128x128xf32, #tpu.memory_space<vmem>> -> memref<1x128x128xf32, #tpu.memory_space<vmem>>
    %dma_wait3A_447 = tpu.memref_squeeze %dma_wait3A_446 : memref<1x128x128xf32, #tpu.memory_space<vmem>> -> memref<128x128xf32, #tpu.memory_space<vmem>>
    tpu.wait_dma2 semaphore(%arg20 : memref<!tpu.dma_semaphore, #tpu.memory_space<semaphore_mem>>) src(%dma_wait3A_447 : memref<128x128xf32, #tpu.memory_space<vmem>>) dst(%dma_wait3A_443 : memref<128x128xf32, #tpu.memory_space<hbm>>)
    %dma_wait3A_448 = arith.constant 5 : i32
    %dma_wait3A_449 = arith.constant 0 : i32
    %dma_wait3A_450 = arith.constant 0 : i32
    %dma_wait3A_451 = tpu.memref_slice %arg7[%dma_wait3A_448, %dma_wait3A_449, %dma_wait3A_450] : memref<7x128x128xf32, #tpu.memory_space<vmem>> -> memref<1x128x128xf32, #tpu.memory_space<vmem>>
    %dma_wait3A_452 = tpu.memref_squeeze %dma_wait3A_451 : memref<1x128x128xf32, #tpu.memory_space<vmem>> -> memref<128x128xf32, #tpu.memory_space<vmem>>
    %dma_wait3A_453 = arith.constant 0 : i32
    %dma_wait3A_454 = tpu.memref_slice %arg5[%select_n3A, %add3A_312, %dma_wait3A_453] : memref<4x8192x128xf32, #tpu.memory_space<hbm>> -> memref<1x128x128xf32, #tpu.memory_space<hbm>>
    %dma_wait3A_455 = tpu.memref_squeeze %dma_wait3A_454 : memref<1x128x128xf32, #tpu.memory_space<hbm>> -> memref<128x128xf32, #tpu.memory_space<hbm>>
    %dma_wait3A_456 = arith.constant 0 : i32
    %dma_wait3A_457 = tpu.memref_slice %arg5[%select_n3A, %add3A_312, %dma_wait3A_456] : memref<4x8192x128xf32, #tpu.memory_space<hbm>> -> memref<1x128x128xf32, #tpu.memory_space<hbm>>
    %dma_wait3A_458 = tpu.memref_squeeze %dma_wait3A_457 : memref<1x128x128xf32, #tpu.memory_space<hbm>> -> memref<128x128xf32, #tpu.memory_space<hbm>>
    %dma_wait3A_459 = arith.constant 0 : i32
    %dma_wait3A_460 = arith.constant 0 : i32
    %dma_wait3A_461 = tpu.memref_slice %arg7[%dma_wait3A_448, %dma_wait3A_459, %dma_wait3A_460] : memref<7x128x128xf32, #tpu.memory_space<vmem>> -> memref<1x128x128xf32, #tpu.memory_space<vmem>>
    %dma_wait3A_462 = tpu.memref_squeeze %dma_wait3A_461 : memref<1x128x128xf32, #tpu.memory_space<vmem>> -> memref<128x128xf32, #tpu.memory_space<vmem>>
    tpu.wait_dma2 semaphore(%arg21 : memref<!tpu.dma_semaphore, #tpu.memory_space<semaphore_mem>>) src(%dma_wait3A_462 : memref<128x128xf32, #tpu.memory_space<vmem>>) dst(%dma_wait3A_458 : memref<128x128xf32, #tpu.memory_space<hbm>>)
    %dma_wait3A_463 = arith.constant 6 : i32
    %dma_wait3A_464 = arith.constant 0 : i32
    %dma_wait3A_465 = arith.constant 0 : i32
    %dma_wait3A_466 = tpu.memref_slice %arg7[%dma_wait3A_463, %dma_wait3A_464, %dma_wait3A_465] : memref<7x128x128xf32, #tpu.memory_space<vmem>> -> memref<1x128x128xf32, #tpu.memory_space<vmem>>
    %dma_wait3A_467 = tpu.memref_squeeze %dma_wait3A_466 : memref<1x128x128xf32, #tpu.memory_space<vmem>> -> memref<128x128xf32, #tpu.memory_space<vmem>>
    %dma_wait3A_468 = arith.constant 0 : i32
    %dma_wait3A_469 = tpu.memref_slice %arg5[%select_n3A, %add3A_342, %dma_wait3A_468] : memref<4x8192x128xf32, #tpu.memory_space<hbm>> -> memref<1x128x128xf32, #tpu.memory_space<hbm>>
    %dma_wait3A_470 = tpu.memref_squeeze %dma_wait3A_469 : memref<1x128x128xf32, #tpu.memory_space<hbm>> -> memref<128x128xf32, #tpu.memory_space<hbm>>
    %dma_wait3A_471 = arith.constant 0 : i32
    %dma_wait3A_472 = tpu.memref_slice %arg5[%select_n3A, %add3A_342, %dma_wait3A_471] : memref<4x8192x128xf32, #tpu.memory_space<hbm>> -> memref<1x128x128xf32, #tpu.memory_space<hbm>>
    %dma_wait3A_473 = tpu.memref_squeeze %dma_wait3A_472 : memref<1x128x128xf32, #tpu.memory_space<hbm>> -> memref<128x128xf32, #tpu.memory_space<hbm>>
    %dma_wait3A_474 = arith.constant 0 : i32
    %dma_wait3A_475 = arith.constant 0 : i32
    %dma_wait3A_476 = tpu.memref_slice %arg7[%dma_wait3A_463, %dma_wait3A_474, %dma_wait3A_475] : memref<7x128x128xf32, #tpu.memory_space<vmem>> -> memref<1x128x128xf32, #tpu.memory_space<vmem>>
    %dma_wait3A_477 = tpu.memref_squeeze %dma_wait3A_476 : memref<1x128x128xf32, #tpu.memory_space<vmem>> -> memref<128x128xf32, #tpu.memory_space<vmem>>
    tpu.wait_dma2 semaphore(%arg22 : memref<!tpu.dma_semaphore, #tpu.memory_space<semaphore_mem>>) src(%dma_wait3A_477 : memref<128x128xf32, #tpu.memory_space<vmem>>) dst(%dma_wait3A_473 : memref<128x128xf32, #tpu.memory_space<hbm>>)
    %dma_wait3A_478 = arith.constant 0 : i32
    %dma_wait3A_479 = arith.constant 0 : i32
    %dma_wait3A_480 = arith.constant 0 : i32
    %dma_wait3A_481 = tpu.memref_slice %arg7[%dma_wait3A_478, %dma_wait3A_479, %dma_wait3A_480] : memref<7x128x128xf32, #tpu.memory_space<vmem>> -> memref<1x128x128xf32, #tpu.memory_space<vmem>>
    %dma_wait3A_482 = tpu.memref_squeeze %dma_wait3A_481 : memref<1x128x128xf32, #tpu.memory_space<vmem>> -> memref<128x128xf32, #tpu.memory_space<vmem>>
    %dma_wait3A_483 = arith.constant 0 : i32
    %dma_wait3A_484 = tpu.memref_slice %arg5[%select_n3A, %add3A_372, %dma_wait3A_483] : memref<4x8192x128xf32, #tpu.memory_space<hbm>> -> memref<1x128x128xf32, #tpu.memory_space<hbm>>
    %dma_wait3A_485 = tpu.memref_squeeze %dma_wait3A_484 : memref<1x128x128xf32, #tpu.memory_space<hbm>> -> memref<128x128xf32, #tpu.memory_space<hbm>>
    %dma_wait3A_486 = arith.constant 0 : i32
    %dma_wait3A_487 = tpu.memref_slice %arg5[%select_n3A, %add3A_372, %dma_wait3A_486] : memref<4x8192x128xf32, #tpu.memory_space<hbm>> -> memref<1x128x128xf32, #tpu.memory_space<hbm>>
    %dma_wait3A_488 = tpu.memref_squeeze %dma_wait3A_487 : memref<1x128x128xf32, #tpu.memory_space<hbm>> -> memref<128x128xf32, #tpu.memory_space<hbm>>
    %dma_wait3A_489 = arith.constant 0 : i32
    %dma_wait3A_490 = arith.constant 0 : i32
    %dma_wait3A_491 = tpu.memref_slice %arg7[%dma_wait3A_478, %dma_wait3A_489, %dma_wait3A_490] : memref<7x128x128xf32, #tpu.memory_space<vmem>> -> memref<1x128x128xf32, #tpu.memory_space<vmem>>
    %dma_wait3A_492 = tpu.memref_squeeze %dma_wait3A_491 : memref<1x128x128xf32, #tpu.memory_space<vmem>> -> memref<128x128xf32, #tpu.memory_space<vmem>>
    tpu.wait_dma2 semaphore(%arg16 : memref<!tpu.dma_semaphore, #tpu.memory_space<semaphore_mem>>) src(%dma_wait3A_492 : memref<128x128xf32, #tpu.memory_space<vmem>>) dst(%dma_wait3A_488 : memref<128x128xf32, #tpu.memory_space<hbm>>)
    return
  }
}

</mosaic_0001>

<sc_bundles>
// kernel: _embed_sc.3.cloned.1.call-start
scs
__scs_entry_jumppad:
0x0: {  	(pc) =	sbr.rel $0x88, $3  }
0x1: {  	(tag) =	ssettag $0x0;
	lr =	simm.s32 $0x1  }
0x2: {  	[smem:$0x3F9E] =	sst lr;
	_ =	strace $0xD0000000  }
0x3: {  	_ = 	snop  }
0x4: {  	_ = 	snop  }
0x5: {  	_ = 	snop  }
0x6: {  	_ = 	snop  }
0x7: {  	_ = 	snop  }
__scs_overlays_trampoline_lowered:
0x8: {  	[smem:$0x3FAD] =	sst s0  }
0x9: {  	[smem:$0x3FAE] =	sst s1  }
0xa: {  	[smem:$0x3FAF] =	sst s2  }
0xb: {  	[smem:$0x3FB0] =	sst s3  }
0xc: {  	[smem:$0x3FB1] =	sst s4  }
0xd: {  	[smem:$0x3FB2] =	sst s5  }
0xe: {  	[smem:$0x3FB3] =	sst s6  }
0xf: {  	[smem:$0x3FB4] =	sst s7  }
0x10: {  	[smem:$0x3FB5] =	sst s8  }
0x11: {  	[smem:$0x3FB6] =	sst s9;
	s0 =	simm.s32 @!p0 $0x0  }
0x12: {  	s1 =	sld [smem:$0x3F9C];
	s0 =	simm.s32 @p0 $0x1  }
0x13: {  	[smem:$0x3FB7] =	sst s0;
	s0 =	simm.s32 @!p1 $0x0  }
0x14: {  	s2 =	sld [smem:$0x3F9B];
	s0 =	simm.s32 @p1 $0x1  }
0x15: {  	[smem:$0x3FB8] =	sst s0;
	s0 =	simm.s32 @!p2 $0x0  }
0x16: {  	s3 =	sld [smem:$0x3FDB];
	s0 =	simm.s32 @p2 $0x1  }
0x17: {  	s4 =	simm.s32 $0x1BF5;
	[smem:$0x3FBA] =	sst s0  }
0x18: {  	s0 =	sld [smem:$0x3F9D];
	_ =	swait.ge [sflag:s4], $0x0  }
0x19: {  	s7 =	sld [smem:$0x3F9E]  }
0x1a: {  	s8 =	sadd.s32 $0xFFFFE003, lr  }
0x1b: {  	s9 =	sadd.s32 $0xFFFFFEF7, lr;
	s5 =	simm.s32 $0xFFFFFFFF;
	p2 =	slt.u32 s8, $0xFFFFF086  }
0x1c: {  	p1 =	slt.u32 s9, $0xF7A;
	s5 =	simm.s32 @!p2 $0x0  }
0x1d: {  	s5 =	simm.s32 @p1 $0x1;
	p0 =	seq.s32 s7, s2  }
0x1e: {  	s7 =	smul.u32 @!p0 $0xF7A, s2;
	p2 =	seq.s32 @!p0 s5, $0x0  }
0x1f: {  	s9 =	smul.u32 $0xF7A, s1;
	s8 =	simm.s32 @!p0 $0x1BF5;
	p2 =	por !p2, p0  }
0x20: {  	[sflag:s8] =	ssyncset.s32 @!p0 $0xFFFFF086;
	s6 =	sadd.s32 @!p0 s3, s7;
	s7 =	simm.s32 @!p0 $0x108  }
0x21: {  	s3 =	sadd.s32 s3, s9;
	s6 =	sadd.s32 @!p0 $0x88, s6;
	s7 =	simm.s32 @p2 $0x1082  }
0x22: {  	[simem:s7], [sflag:s8] =	dma.local @!p0 [hbm:s6], $0xF7A  }
0x23: {  	s9 =	sor.u32 $0xD0000000, s2;
	s6 =	simm.s32 $0x108;
	_ =	swait.ge @!p0 [sflag:s8], $0x0  }
0x24: {  	s3 =	sadd.s32 $0x88, s3;
	s6 =	simm.s32 @!p1 $0x1082;
	[sflag:s4] =	ssyncset.s32 $0xFFFFF086  }
0x25: {  	[simem:s6], [sflag:s4] =	dma.local [hbm:s3], $0xF7A  }
0x26: {  	[smem:$0x3F9E] =	sst s1;
	(tag) =	ssettag s2;
	_ =	strace s9  }
0x27: {  	s1 =	sld [smem:$0x3FAE]  }
0x28: {  	s2 =	sld [smem:$0x3FAF]  }
0x29: {  	s4 =	sld [smem:$0x3FB1]  }
0x2a: {  	p0 =	seq.s32 s5, $0x0;
	s5 =	sld [smem:$0x3FB2]  }
0x2b: {  	s6 =	sld [smem:$0x3FB3]  }
0x2c: {  	s7 =	sld [smem:$0x3FB4]  }
0x2d: {  	s3 =	simm.s32 $0x108;
	s8 =	sld [smem:$0x3FB5]  }
0x2e: {  	s3 =	simm.s32 @!p0 $0x1082;
	s9 =	sld [smem:$0x3FB6]  }
0x2f: {  	lr =	sadd.s32 s0, s3;
	s0 =	sld [smem:$0x3FAD]  }
0x30: {  	s3 =	sld [smem:$0x3FB0]  }
0x31: {  	[smem:$0x3FB9] =	sst s10  }
0x32: {  	s10 =	sld [smem:$0x3FB7];
	_ =	sdelay $0x3  }
0x33: {  	p0 =	seq.s32 s10, $0x1;
	s10 =	sld [smem:$0x3FB9];
	_ =	sdelay $0x3  }
0x34: {  	[smem:$0x3FB9] =	sst s10  }
0x35: {  	s10 =	sld [smem:$0x3FB8];
	_ =	sdelay $0x3  }
0x36: {  	p1 =	seq.s32 s10, $0x1;
	s10 =	sld [smem:$0x3FB9];
	_ =	sdelay $0x3  }
0x37: {  	[smem:$0x3FB9] =	sst s10  }
0x38: {  	s10 =	sld [smem:$0x3FBA]  }
0x39: {  	_ = 	snop;
	(pc) =	sbr.ind lr, $3  }
0x3a: {  	_ = 	snop  }
0x3b: {  	_ = 	snop  }
0x3c: {  	p2 =	seq.s32 s10, $0x1;
	s10 =	sld [smem:$0x3FB9]  }
0x3d: {  	_ =	shalt  }
0x3e: {  	_ =	shalt  }
0x3f: {  	_ =	shalt  }
0x40: {  	_ =	shalt  }
0x41: {  	_ =	shalt  }
0x42: {  	_ =	shalt  }
0x43: {  	_ =	shalt  }
0x44: {  	_ =	shalt  }
0x45: {  	_ =	shalt  }
0x46: {  	_ =	shalt  }
0x47: {  	_ =	shalt  }
0x48: {  	_ =	shalt  }
0x49: {  	_ =	shalt  }
0x4a: {  	_ =	shalt  }
0x4b: {  	_ =	shalt  }
0x4c: {  	_ =	shalt  }
0x4d: {  	_ =	shalt  }
0x4e: {  	_ =	shalt  }
0x4f: {  	_ =	shalt  }
0x50: {  	_ =	shalt  }
0x51: {  	_ =	shalt  }
0x52: {  	_ =	shalt  }
0x53: {  	_ =	shalt  }
0x54: {  	_ =	shalt  }
0x55: {  	_ =	shalt  }
0x56: {  	_ =	shalt  }
0x57: {  	_ =	shalt  }
0x58: {  	_ =	shalt  }
0x59: {  	_ =	shalt  }
0x5a: {  	_ =	shalt  }
0x5b: {  	_ =	shalt  }
0x5c: {  	_ =	shalt  }
0x5d: {  	_ =	shalt  }
0x5e: {  	_ =	shalt  }
0x5f: {  	_ =	shalt  }
0x60: {  	_ =	shalt  }
0x61: {  	_ =	shalt  }
0x62: {  	_ =	shalt  }
0x63: {  	_ =	shalt  }
0x64: {  	_ =	shalt  }
0x65: {  	_ =	shalt  }
0x66: {  	_ =	shalt  }
0x67: {  	_ =	shalt  }
0x68: {  	_ =	shalt  }
0x69: {  	_ =	shalt  }
0x6a: {  	_ =	shalt  }
0x6b: {  	_ =	shalt  }
0x6c: {  	_ =	shalt  }
0x6d: {  	_ =	shalt  }
0x6e: {  	_ =	shalt  }
0x6f: {  	_ =	shalt  }
0x70: {  	_ =	shalt  }
0x71: {  	_ =	shalt  }
0x72: {  	_ =	shalt  }
0x73: {  	_ =	shalt  }
0x74: {  	_ =	shalt  }
0x75: {  	_ =	shalt  }
0x76: {  	_ =	shalt  }
0x77: {  	_ =	shalt  }
0x78: {  	_ =	shalt  }
0x79: {  	_ =	shalt  }
0x7a: {  	_ =	shalt  }
0x7b: {  	_ =	shalt  }
0x7c: {  	_ =	shalt  }
0x7d: {  	_ =	shalt  }
0x7e: {  	_ =	shalt  }
0x7f: {  	_ =	shalt  }
0x80: {  	_ =	shalt  }
0x81: {  	_ =	shalt  }
0x82: {  	_ =	shalt  }
0x83: {  	_ =	shalt  }
0x84: {  	_ =	shalt  }
0x85: {  	_ =	shalt  }
0x86: {  	_ =	shalt  }
0x87: {  	_ =	shalt  }
.Lfunc_end0:
.L_simem_size_0:
called_computation_lowered:
.L_overlay_start_0:
0x88: {  	s2 =	sld [smem:$0x3FD9]  }
0x89: {  	s3 =	sld [smem:$0x3FFE];
	_ =	sdelay $0x1  }
0x8a: {  	s1 =	srdreg.scid  }
0x8b: {  	s0 =	sand.u32 $0x1, s1  }
0x8c: {  	s18 =	sshll.u32 s0, $0xA;
	s2 =	sadd.s32 s3, s2  }
0x8d: {  	s2 =	sadd.s32 s2, s18  }
0x8e: {  	[smem:$0x3FC5] =	sst s2  }
0x8f: {  	_ = 	snop  }
0x90: {  	s2 =	sld [smem:$0x3FC9]  }
0x91: {  	s19 =	sld [smem:$0x3FC8]  }
0x92: {  	s4 =	sld [smem:$0x3FC7]  }
0x93: {  	s5 =	sld [smem:$0x3FD0];
	(tm) =	ssettm $0x1  }
0x94: {  	s6 =	sld [smem:$0x3FFB];
	_ =	sdelay $0x3  }
0x95: {  	_ =	strace s6  }
0x96: {  	s6 =	sld [smem:$0x3FFC];
	_ =	sdelay $0x3  }
0x97: {  	_ =	strace s6  }
0x98: {  	s6 =	sld [smem:$0x3FFD];
	_ =	sdelay $0x3  }
0x99: {  	_ =	strace s6  }
0x9a: {  	_ =	strace $0x8FFFFFFF  }
0x9b: {  	s20 =	sld [smem:$0x3FDB];
	_ =	sdelay $0x1  }
0x9c: {  	s7 =	simm.s32 $_scs_section_size  }
0x9d: {  	s8 =	simm.s32 $_size__tile_overlayer_lowered;
	s9 =	simm.s32 $_tile_overlayer_lowered  }
0x9e: {  	s23 =	simm.s32 $0x1BFF;
	s22 =	sshll.u32 s9, $0x1;
	s6 =	sadd.s32 s7, s20  }
0x9f: {  	s10 =	simm.s32 $0x0;
	s21 =	sshll.u32 s8, $0x1;
	s8 =	sadd.s32 s22, s6  }
0xa0: {  	[timem:s10], [sflag:s23] =	dma.local [hbm:s8], s21  }
0xa1: {  	_ =	swait.ge [sflag:s23], s21  }
0xa2: {  	s7 =	ssub.s32 $0x0, s21;
	[sflag:s23] =	ssyncset.done $0x0  }
0xa3: {  	[sflag:s23] =	ssyncadd.s32 s7;
	_ =	sdelay $0x1  }
0xa4: {  	s24 =	simm.s32 $0x1B8B  }
0xa5: {  	_ =	swait.ge [sflag:s24], $0x1  }
0xa6: {  	[sflag:s24] =	ssyncset.done $0x0  }
0xa7: {  	s25 =	simm.s32 $0x1B8E;
	[sflag:s24] =	ssyncadd.s32 $0xFFFFFFFF  }
0xa8: {  	s26 =	simm.s32 $execute0_lowered;
	[smem:$0x3FD2] =	sst s25  }
0xa9: {  	s7 =	sshll.u32 s26, $0x1;
	_ =	strace $0x80000046;
	[dreg:$0x1] =	wrdreg $0xFFFFFFFF  }
0xaa: {  	s28 =	simm.s32 $_size_execute0_lowered;
	s6 =	sadd.s32 s6, s7;
	[dreg:$0x0] =	wrdreg $0x0  }
0xab: {  	s7 =	sshll.u32 s28, $0x1;
	[dreg:$0x2] =	wrdreg s6  }
0xac: {  	[dreg:$0x3] =	wrdreg s7  }
0xad: {  	[dreg:$0x4] =	wrdreg $0xC0  }
0xae: {  	_ =	task [dreg:s10], $0x5FFFF  }
0xaf: {  	[dreg:$0x1] =	wrdreg $0xFFFFFFFF  }
0xb0: {  	[dreg:$0x0] =	wrdreg $0x60  }
0xb1: {  	[dreg:$0x2] =	wrdreg s2  }
0xb2: {  	[dreg:$0x3] =	wrdreg s19  }
0xb3: {  	[dreg:$0x4] =	wrdreg s4  }
0xb4: {  	[dreg:$0x5] =	wrdreg s5  }
0xb5: {  	[dreg:$0x6] =	wrdreg $0x9  }
0xb6: {  	_ =	task.clear_ibuf [dreg:s10], $0x7FFFF;
	_ =	strace $0x90000046  }
0xb7: {  	s29 =	simm.s32 $0x9;
	_ =	strace $0x80000048  }
0xb8: {  	_ =	swait.ge [sflag:s29], $0x1  }
0xb9: {  	[sflag:s29] =	ssyncadd.s32 $0xFFFFFFFF  }
0xba: {  	_ =	strace $0x90000048  }
0xbb: {  	_ =	sfence  }
0xbc: {  	s30 =	sld [smem:$0x0];
	_ =	sdelay $0x2  }
0xbd: {  	s31 =	sshll.u32 s1, $0xD;
	s1 =	sshrl.u32 s1, $0x2  }
0xbe: {  	s3 =	sand.u32 $0x4000, s31;
	s1 =	sadd.s32 s1, s30  }
0xbf: {  	s0 =	sor.u32 s3, s0;
	s1 =	sshll.u32 s1, $0x11  }
0xc0: {  	s0 =	sor.u32 s1, s0  }
0xc1: {  	s0 =	sadd.s32 $0x8F2B, s0  }
0xc2: {  	[sflag:s0] =	ssyncadd.remote.s32 $0x1  }
0xc3: {  	_ =	sfence.sel $0xFFFF  }
0xc4: {  	[dreg:$0x0] =	wrdreg $0xFFFFFFFF;
	(pc) =	sbr.abs _section_cstart, $3  }
0xc5: {  	[dreg:$0x1] =	wrdreg $0xFFFFFFFF  }
0xc6: {  	_ =	task.clear_ibuf [dreg:s10], $0x2FFFF;
	_ =	strace $0x9FFFFFFF  }
0xc7: {  	(tm) =	ssettm $0x7FFFFFFF  }
tec
execute0_lowered:
.L_overlay_start_1:
0x0: {  	(tag) =	ssettag $0x1  }
0x1: {  	s0 =	rddreg [dreg:$0x0]  }
0x2: {  	s1 =	rddreg [dreg:$0x1]  }
0x3: {  	s2 =	rddreg [dreg:$0x3];
	s4 =	simm.s32 $0x0;
	s3 =	srdreg.scid  }
0x4: {  	s8 =	stileid.u32;
	s15 =	simm.s32 $0x80;
	s17 =	simm.s32 $0xF  }
0x5: {  	s19 =	simm.s32 $0x400;
	s31 =	simm.s32 $0x1;
	s18 =	simm.s32 $0x3  }
0x6: {  	s21 =	simm.s32 $0x4;
	s23 =	simm.s32 $0x5;
	s26 =	simm.s32 $0x6  }
0x7: {  	s29 =	simm.s32 $0x7;
	s16 =	simm.s32 $0xA;
	s20 =	simm.s32 $0xB  }
0x8: {  	s22 =	simm.s32 $0xC;
	s24 =	simm.s32 $0xD;
	s25 =	simm.s32 $0xE  }
0x9: {  	[smem:$0x7FF] =	sst s4;
	s3 =	sand.u32 $0x1, s3;
	s5 =	sshll.u32 s8, $0x1  }
0xa: {  	s8 =	sshrl.u32 s8, $0x2;
	_ =	strace $0x80000047;
	s6 =	ssub.s32 $0x2, s3  }
0xb: {  	s5 =	sand.u32 $0x6, s5;
	s9 =	sshll.u32 s8, $0x4;
	s8 =	sshll.u32 s8, $0x11  }
0xc: {  	s7 =	sshrl.u32 s6, $0x1;
	s3 =	sor.u32 s3, s5;
	s0 =	sadd.s32 s0, s9  }
0xd: {  	s5 =	sshll.u32 s3, $0xE;
	s3 =	sshll.u32 s3, $0x9;
	s7 =	ssub.s32 s6, s7  }
0xe: {  	s5 =	sor.u32 s8, s5;
	s0 =	sadd.s32 s3, s0;
	s14 =	smax.u32 s7, $0x1  }
0xf: {  	s3 =	simm.s32 $0x9;
	[dreg:$0x5] =	wrdreg s0;
	s6 =	sadd.s32 s2, s5  }
0x10: {  	s0 =	simm.s32 $0x8;
	s2 =	simm.s32 $0x2;
	s5 =	simm.s32 $0x0  }
0x11: {  	s28 =	sadd.s32 $0x800, s6;
	s30 =	sadd.s32 $0x1000, s6;
	s9 =	sadd.s32 $0x1800, s6  }
0x12: {  	s10 =	sadd.s32 $0x2000, s6;
	s11 =	sadd.s32 $0x2800, s6;
	[dreg:$0x6] =	wrdreg s28  }
0x13: {  	s12 =	sadd.s32 $0x3000, s6;
	s13 =	sadd.s32 $0x3800, s6;
	[dreg:$0x7] =	wrdreg s30  }
.LBB2_1:
0x14: {  	s7 =	rddreg [dreg:$0x5];
	s8 =	simm.s32 $0x200  }
0x15: {  	[tilespmem:s4], [sflag:$0xF] =	stream.strided.gather [hbm4b:s7+s15], $0x400, s8, s15, $0x38;
	[tilespmem:$0x1C480] =	vst v63  }
0x16: {  	_ =	swait.ge [sflag:s17], $0x400  }
0x17: {  	[sflag:s17] =	ssyncset.done $0x0  }
0x18: {  	[sflag:s17] =	ssyncadd.s32 $0xFFFFFC00  }
0x19: {  	s28 =	simm.s32 $0x1C400;
	s7 =	rddreg [dreg:$0x2]  }
0x1a: {  	[tilespmem:s28], [sflag:$0xF] =	stream.linear.gather [hbm4b:s7+s4], $0x80, $0x38;
	[tilespmem:$0x1C480] =	vst v63  }
0x1b: {  	_ =	swait.ge [sflag:s17], $0x80  }
0x1c: {  	[sflag:s17] =	ssyncset.done $0x0  }
0x1d: {  	[sflag:s17] =	ssyncadd.s32 $0xFFFFFF80  }
0x1e: {  	v6 =	vld [tilespmem:$0x1C400]  }
0x1f: {  	v5 =	vld [tilespmem:$0x1C410]  }
0x20: {  	v4 =	vld [tilespmem:$0x1C420]  }
0x21: {  	v3 =	vld [tilespmem:$0x1C430]  }
0x22: {  	v2 =	vld [tilespmem:$0x1C440]  }
0x23: {  	v1 =	vld [tilespmem:$0x1C450]  }
0x24: {  	v0 =	vld [tilespmem:$0x1C460]  }
0x25: {  	v7 =	vld [tilespmem:$0x1C470];
	[tilespmem:s19], [sflag:$0x1] =	stream.indirect.gather [hbm4b:s1+s15], $0x80, s4, s15, $0xb8  }
0x26: {  	s7 =	simm.s32 $0x4400  }
0x27: {  	[tilespmem:s7], [sflag:$0x2] =	stream.indirect.gather [hbm4b:s1+s15], $0x80, s15, s15, $0xb8;
	[tilespmem:$0x1C480] =	vst v63  }
0x28: {  	s28 =	simm.s32 $0x8400;
	s7 =	simm.s32 $0x100  }
0x29: {  	[tilespmem:s28], [sflag:$0x3] =	stream.indirect.gather [hbm4b:s1+s15], $0x80, s7, s15, $0xb8;
	[tilespmem:$0x1C480] =	vst v63  }
0x2a: {  	s7 =	simm.s32 $0x180;
	s28 =	simm.s32 $0xC400  }
0x2b: {  	[tilespmem:s28], [sflag:$0x4] =	stream.indirect.gather [hbm4b:s1+s15], $0x80, s7, s15, $0xb8;
	[tilespmem:$0x1C480] =	vst v63  }
0x2c: {  	s7 =	simm.s32 $0x10400  }
0x2d: {  	[tilespmem:s7], [sflag:$0x5] =	stream.indirect.gather [hbm4b:s1+s15], $0x80, s8, s15, $0xb8;
	[tilespmem:$0x1C480] =	vst v63  }
0x2e: {  	s7 =	simm.s32 $0x280;
	s8 =	simm.s32 $0x14400  }
0x2f: {  	[tilespmem:s8], [sflag:$0x6] =	stream.indirect.gather [hbm4b:s1+s15], $0x80, s7, s15, $0xb8;
	[tilespmem:$0x1C480] =	vst v63  }
0x30: {  	s7 =	simm.s32 $0x300;
	s8 =	simm.s32 $0x18400  }
0x31: {  	[tilespmem:s8], [sflag:$0x7] =	stream.indirect.gather [hbm4b:s1+s15], $0x80, s7, s15, $0xb8;
	[tilespmem:$0x1C480] =	vst v63  }
0x32: {  	_ =	swait.ge [sflag:s31], $0x4000  }
0x33: {  	[sflag:s31] =	ssyncset.done $0x0  }
0x34: {  	s7 =	simm.s32 $0x0;
	[sflag:s31] =	ssyncadd.s32 $0xFFFFC000  }
0x35: {  	v8 =	vld [tilespmem:s7+$0x470]  }
0x36: {  	v9 =	vld [tilespmem:s7+$0x400]  }
0x37: {  	v10 =	vld [tilespmem:s7+$0x410]  }
0x38: {  	v11 =	vld [tilespmem:s7+$0x420]  }
0x39: {  	v12 =	vld [tilespmem:s7+$0x430]  }
0x3a: {  	v13 =	vld [tilespmem:s7+$0x440];
	v8 =	vmul.f32 $1.131370830e+01, v8  }
0x3b: {  	v14 =	vld [tilespmem:s7+$0x450];
	v9 =	vmul.f32 $1.131370830e+01, v9  }
0x3c: {  	s28 =	simm.s32 $0x80;
	v15 =	vld [tilespmem:s7+$0x460];
	v10 =	vmul.f32 $1.131370830e+01, v10;
	v8 =	vadd.f32 v8, v7  }
0x3d: {  	v16 =	vld [tilespmem:s28+$0x470];
	v11 =	vmul.f32 $1.131370830e+01, v11;
	v9 =	vadd.f32 v9, v6  }
0x3e: {  	v17 =	vld [tilespmem:s28+$0x400];
	v12 =	vmul.f32 $1.131370830e+01, v12;
	v10 =	vadd.f32 v10, v5;
	[tilespmem:s7+$0x470] =	vst v8  }
0x3f: {  	v18 =	vld [tilespmem:s28+$0x410];
	v13 =	vmul.f32 $1.131370830e+01, v13;
	[tilespmem:s7+$0x400] =	vst v9;
	v8 =	vadd.f32 v11, v4  }
0x40: {  	v11 =	vld [tilespmem:s28+$0x420];
	[tilespmem:s7+$0x410] =	vst v10;
	v10 =	vadd.f32 v12, v3;
	v12 =	vmul.f32 $1.131370830e+01, v14  }
0x41: {  	v15 =	vmul.f32 $1.131370830e+01, v15;
	v9 =	vld [tilespmem:s28+$0x430];
	v14 =	vadd.f32 v13, v2;
	[tilespmem:s7+$0x420] =	vst v8  }
0x42: {  	v16 =	vmul.f32 $1.131370830e+01, v16;
	v8 =	vld [tilespmem:s28+$0x440];
	[tilespmem:s7+$0x430] =	vst v10;
	v19 =	vadd.f32 v12, v1  }
0x43: {  	v13 =	vmul.f32 $1.131370830e+01, v17;
	v10 =	vld [tilespmem:s28+$0x450];
	[tilespmem:s7+$0x440] =	vst v14;
	v14 =	vadd.f32 v15, v0  }
0x44: {  	s30 =	simm.s32 $0x600;
	s8 =	simm.s32 $0x100;
	v16 =	vadd.f32 v16, v7;
	v15 =	vmul.f32 $1.131370830e+01, v18;
	v12 =	vld [tilespmem:s28+$0x460];
	[tilespmem:s7+$0x450] =	vst v19  }
.LBB2_2:
0x45: {  	p0 =	sne.s32 s30, $0xFE00;
	v17 =	vld [tilespmem:s8+$0x470];
	v13 =	vadd.f32 v13, v6;
	v11 =	vmul.f32 $1.131370830e+01, v11;
	[tilespmem:s7+$0x460] =	vst v14;
	s7 =	smov.u32 s28;
	s28 =	smov.u32 s8  }
0x46: {  	v14 =	vld [tilespmem:s28+$0x400];
	v15 =	vadd.f32 v15, v5;
	v9 =	vmul.f32 $1.131370830e+01, v9;
	[tilespmem:s7+$0x470] =	vst v16  }
0x47: {  	v16 =	vld [tilespmem:s28+$0x410];
	[tilespmem:s7+$0x400] =	vst v13;
	v13 =	vadd.f32 v11, v4;
	v8 =	vmul.f32 $1.131370830e+01, v8  }
.Ltmp0:
0x48: {  	v11 =	vld [tilespmem:s28+$0x420];
	[tilespmem:s7+$0x410] =	vst v15;
	v15 =	vadd.f32 v9, v3;
	v10 =	vmul.f32 $1.131370830e+01, v10;
	(pc) =	sbr.rel @p0 .LBB2_2-.Ltmp0, $4  }
0x49: {  	v9 =	vld [tilespmem:s28+$0x430];
	[tilespmem:s7+$0x420] =	vst v13;
	v18 =	vadd.f32 v8, v2;
	v12 =	vmul.f32 $1.131370830e+01, v12  }
0x4a: {  	v8 =	vld [tilespmem:s28+$0x440];
	v17 =	vmul.f32 $1.131370830e+01, v17;
	[tilespmem:s7+$0x430] =	vst v15;
	v19 =	vadd.f32 v10, v1  }
0x4b: {  	v13 =	vmul.f32 $1.131370830e+01, v14;
	v10 =	vld [tilespmem:s28+$0x450];
	[tilespmem:s7+$0x440] =	vst v18;
	v14 =	vadd.f32 v12, v0  }
0x4c: {  	s8 =	sshra.s32 s30, $0x2;
	s30 =	sadd.s32 $0x200, s30;
	v15 =	vmul.f32 $1.131370830e+01, v16;
	v12 =	vld [tilespmem:s28+$0x460];
	v16 =	vadd.f32 v17, v7;
	[tilespmem:s7+$0x450] =	vst v19  }
0x4d: {  	v17 =	vld [tilespmem:s8+$0x470];
	v13 =	vadd.f32 v13, v6;
	v11 =	vmul.f32 $1.131370830e+01, v11;
	[tilespmem:s7+$0x460] =	vst v14  }
0x4e: {  	v14 =	vld [tilespmem:s8+$0x400];
	v15 =	vadd.f32 v15, v5;
	v9 =	vmul.f32 $1.131370830e+01, v9;
	[tilespmem:s28+$0x470] =	vst v16  }
0x4f: {  	v16 =	vld [tilespmem:s8+$0x410];
	[tilespmem:s28+$0x400] =	vst v13;
	v11 =	vadd.f32 v11, v4;
	v8 =	vmul.f32 $1.131370830e+01, v8  }
0x50: {  	v13 =	vld [tilespmem:s8+$0x420];
	[tilespmem:s28+$0x410] =	vst v15;
	v9 =	vadd.f32 v9, v3;
	v10 =	vmul.f32 $1.131370830e+01, v10  }
0x51: {  	v15 =	vld [tilespmem:s8+$0x430];
	[tilespmem:s28+$0x420] =	vst v11;
	v8 =	vadd.f32 v8, v2;
	v11 =	vmul.f32 $1.131370830e+01, v12  }
0x52: {  	v12 =	vld [tilespmem:s8+$0x440];
	v17 =	vmul.f32 $1.131370830e+01, v17;
	[tilespmem:s28+$0x430] =	vst v9;
	v9 =	vadd.f32 v10, v1  }
0x53: {  	v10 =	vmul.f32 $1.131370830e+01, v14;
	v14 =	vld [tilespmem:s8+$0x450];
	[tilespmem:s28+$0x440] =	vst v8;
	v8 =	vadd.f32 v11, v0  }
0x54: {  	v11 =	vmul.f32 $1.131370830e+01, v16;
	v16 =	vld [tilespmem:s8+$0x460];
	v17 =	vadd.f32 v17, v7;
	[tilespmem:s28+$0x450] =	vst v9  }
0x55: {  	v9 =	vadd.f32 v10, v6;
	v10 =	vmul.f32 $1.131370830e+01, v13;
	[tilespmem:s28+$0x460] =	vst v8  }
0x56: {  	v8 =	vadd.f32 v11, v5;
	v11 =	vmul.f32 $1.131370830e+01, v15;
	[tilespmem:s8+$0x470] =	vst v17  }
0x57: {  	[tilespmem:s8+$0x400] =	vst v9;
	v9 =	vadd.f32 v10, v4;
	v10 =	vmul.f32 $1.131370830e+01, v12  }
0x58: {  	[tilespmem:s8+$0x410] =	vst v8;
	v8 =	vadd.f32 v11, v3;
	v11 =	vmul.f32 $1.131370830e+01, v14  }
0x59: {  	[tilespmem:s8+$0x420] =	vst v9;
	v9 =	vadd.f32 v10, v2;
	v10 =	vmul.f32 $1.131370830e+01, v16  }
0x5a: {  	[tilespmem:s8+$0x430] =	vst v8;
	v8 =	vadd.f32 v11, v1  }
0x5b: {  	[tilespmem:s8+$0x440] =	vst v9;
	v9 =	vadd.f32 v10, v0  }
0x5c: {  	[tilespmem:s8+$0x450] =	vst v8  }
0x5d: {  	[tilespmem:s8+$0x460] =	vst v9;
	s8 =	simm.s32 $0x0  }
0x5e: {  	[hbm4b:s6+s8] =	stream.linear.scatter [tilespmem:s19], [sflag:$0x8], $0x4000, $0x38;
	[tilespmem:$0x1C480] =	vst v63  }
0x5f: {  	_ =	swait.ge [sflag:s0], $0x4000  }
0x60: {  	[sflag:s0] =	ssyncset.done $0x0  }
0x61: {  	s8 =	simm.s32 $0x380;
	[sflag:s0] =	ssyncadd.s32 $0xFFFFC000  }
0x62: {  	[tilespmem:s19], [sflag:$0x1] =	stream.indirect.gather [hbm4b:s1+s15], $0x80, s8, s15, $0xb8;
	[tilespmem:$0x1C480] =	vst v63  }
0x63: {  	_ =	swait.ge [sflag:s2], $0x4000  }
0x64: {  	[sflag:s2] =	ssyncset.done $0x0  }
0x65: {  	s7 =	simm.s32 $0x0;
	[sflag:s2] =	ssyncadd.s32 $0xFFFFC000  }
0x66: {  	v8 =	vld [tilespmem:s7+$0x4470]  }
0x67: {  	v9 =	vld [tilespmem:s7+$0x4400]  }
0x68: {  	v10 =	vld [tilespmem:s7+$0x4410]  }
0x69: {  	v11 =	vld [tilespmem:s7+$0x4420]  }
0x6a: {  	v12 =	vld [tilespmem:s7+$0x4430]  }
0x6b: {  	v13 =	vld [tilespmem:s7+$0x4440];
	v8 =	vmul.f32 $1.131370830e+01, v8  }
0x6c: {  	v14 =	vld [tilespmem:s7+$0x4450];
	v9 =	vmul.f32 $1.131370830e+01, v9  }
0x6d: {  	s28 =	simm.s32 $0x80;
	v15 =	vld [tilespmem:s7+$0x4460];
	v10 =	vmul.f32 $1.131370830e+01, v10;
	v8 =	vadd.f32 v8, v7  }
0x6e: {  	v16 =	vld [tilespmem:s28+$0x4470];
	v11 =	vmul.f32 $1.131370830e+01, v11;
	v9 =	vadd.f32 v9, v6  }
0x6f: {  	v17 =	vld [tilespmem:s28+$0x4400];
	v12 =	vmul.f32 $1.131370830e+01, v12;
	v10 =	vadd.f32 v10, v5;
	[tilespmem:s7+$0x4470] =	vst v8  }
0x70: {  	v18 =	vld [tilespmem:s28+$0x4410];
	v13 =	vmul.f32 $1.131370830e+01, v13;
	[tilespmem:s7+$0x4400] =	vst v9;
	v8 =	vadd.f32 v11, v4  }
0x71: {  	v11 =	vld [tilespmem:s28+$0x4420];
	[tilespmem:s7+$0x4410] =	vst v10;
	v10 =	vadd.f32 v12, v3;
	v12 =	vmul.f32 $1.131370830e+01, v14  }
0x72: {  	v15 =	vmul.f32 $1.131370830e+01, v15;
	v9 =	vld [tilespmem:s28+$0x4430];
	v14 =	vadd.f32 v13, v2;
	[tilespmem:s7+$0x4420] =	vst v8  }
0x73: {  	v16 =	vmul.f32 $1.131370830e+01, v16;
	v8 =	vld [tilespmem:s28+$0x4440];
	[tilespmem:s7+$0x4430] =	vst v10;
	v19 =	vadd.f32 v12, v1  }
0x74: {  	v13 =	vmul.f32 $1.131370830e+01, v17;
	v10 =	vld [tilespmem:s28+$0x4450];
	[tilespmem:s7+$0x4440] =	vst v14;
	v14 =	vadd.f32 v15, v0  }
0x75: {  	s30 =	simm.s32 $0x600;
	s8 =	simm.s32 $0x100;
	v16 =	vadd.f32 v16, v7;
	v15 =	vmul.f32 $1.131370830e+01, v18;
	v12 =	vld [tilespmem:s28+$0x4460];
	[tilespmem:s7+$0x4450] =	vst v19  }
.LBB2_4:
0x76: {  	p0 =	sne.s32 s30, $0xFE00;
	v17 =	vld [tilespmem:s8+$0x4470];
	v13 =	vadd.f32 v13, v6;
	v11 =	vmul.f32 $1.131370830e+01, v11;
	[tilespmem:s7+$0x4460] =	vst v14;
	s7 =	smov.u32 s28;
	s28 =	smov.u32 s8  }
0x77: {  	v14 =	vld [tilespmem:s28+$0x4400];
	v15 =	vadd.f32 v15, v5;
	v9 =	vmul.f32 $1.131370830e+01, v9;
	[tilespmem:s7+$0x4470] =	vst v16  }
0x78: {  	v16 =	vld [tilespmem:s28+$0x4410];
	[tilespmem:s7+$0x4400] =	vst v13;
	v13 =	vadd.f32 v11, v4;
	v8 =	vmul.f32 $1.131370830e+01, v8  }
.Ltmp1:
0x79: {  	v11 =	vld [tilespmem:s28+$0x4420];
	[tilespmem:s7+$0x4410] =	vst v15;
	v15 =	vadd.f32 v9, v3;
	v10 =	vmul.f32 $1.131370830e+01, v10;
	(pc) =	sbr.rel @p0 .LBB2_4-.Ltmp1, $4  }
0x7a: {  	v9 =	vld [tilespmem:s28+$0x4430];
	[tilespmem:s7+$0x4420] =	vst v13;
	v18 =	vadd.f32 v8, v2;
	v12 =	vmul.f32 $1.131370830e+01, v12  }
0x7b: {  	v8 =	vld [tilespmem:s28+$0x4440];
	v17 =	vmul.f32 $1.131370830e+01, v17;
	[tilespmem:s7+$0x4430] =	vst v15;
	v19 =	vadd.f32 v10, v1  }
0x7c: {  	v13 =	vmul.f32 $1.131370830e+01, v14;
	v10 =	vld [tilespmem:s28+$0x4450];
	[tilespmem:s7+$0x4440] =	vst v18;
	v14 =	vadd.f32 v12, v0  }
0x7d: {  	s8 =	sshra.s32 s30, $0x2;
	s30 =	sadd.s32 $0x200, s30;
	v15 =	vmul.f32 $1.131370830e+01, v16;
	v12 =	vld [tilespmem:s28+$0x4460];
	v16 =	vadd.f32 v17, v7;
	[tilespmem:s7+$0x4450] =	vst v19  }
0x7e: {  	v17 =	vld [tilespmem:s8+$0x4470];
	v13 =	vadd.f32 v13, v6;
	v11 =	vmul.f32 $1.131370830e+01, v11;
	[tilespmem:s7+$0x4460] =	vst v14  }
0x7f: {  	v14 =	vld [tilespmem:s8+$0x4400];
	v15 =	vadd.f32 v15, v5;
	v9 =	vmul.f32 $1.131370830e+01, v9;
	[tilespmem:s28+$0x4470] =	vst v16  }
0x80: {  	v16 =	vld [tilespmem:s8+$0x4410];
	[tilespmem:s28+$0x4400] =	vst v13;
	v11 =	vadd.f32 v11, v4;
	v8 =	vmul.f32 $1.131370830e+01, v8  }
0x81: {  	v13 =	vld [tilespmem:s8+$0x4420];
	[tilespmem:s28+$0x4410] =	vst v15;
	v9 =	vadd.f32 v9, v3;
	v10 =	vmul.f32 $1.131370830e+01, v10  }
0x82: {  	v15 =	vld [tilespmem:s8+$0x4430];
	[tilespmem:s28+$0x4420] =	vst v11;
	v8 =	vadd.f32 v8, v2;
	v11 =	vmul.f32 $1.131370830e+01, v12  }
0x83: {  	v12 =	vld [tilespmem:s8+$0x4440];
	v17 =	vmul.f32 $1.131370830e+01, v17;
	[tilespmem:s28+$0x4430] =	vst v9;
	v9 =	vadd.f32 v10, v1  }
0x84: {  	v10 =	vmul.f32 $1.131370830e+01, v14;
	v14 =	vld [tilespmem:s8+$0x4450];
	[tilespmem:s28+$0x4440] =	vst v8;
	v8 =	vadd.f32 v11, v0  }
0x85: {  	v11 =	vmul.f32 $1.131370830e+01, v16;
	v16 =	vld [tilespmem:s8+$0x4460];
	v17 =	vadd.f32 v17, v7;
	[tilespmem:s28+$0x4450] =	vst v9  }
0x86: {  	v9 =	vadd.f32 v10, v6;
	v10 =	vmul.f32 $1.131370830e+01, v13;
	[tilespmem:s28+$0x4460] =	vst v8  }
0x87: {  	v8 =	vadd.f32 v11, v5;
	v11 =	vmul.f32 $1.131370830e+01, v15;
	[tilespmem:s8+$0x4470] =	vst v17  }
0x88: {  	[tilespmem:s8+$0x4400] =	vst v9;
	v9 =	vadd.f32 v10, v4;
	v10 =	vmul.f32 $1.131370830e+01, v12  }
0x89: {  	[tilespmem:s8+$0x4410] =	vst v8;
	v8 =	vadd.f32 v11, v3;
	v11 =	vmul.f32 $1.131370830e+01, v14  }
0x8a: {  	[tilespmem:s8+$0x4420] =	vst v9;
	v9 =	vadd.f32 v10, v2;
	v10 =	vmul.f32 $1.131370830e+01, v16  }
0x8b: {  	[tilespmem:s8+$0x4430] =	vst v8;
	v8 =	vadd.f32 v11, v1  }
0x8c: {  	[tilespmem:s8+$0x4440] =	vst v9;
	v9 =	vadd.f32 v10, v0  }
0x8d: {  	[tilespmem:s8+$0x4450] =	vst v8  }
0x8e: {  	[tilespmem:s8+$0x4460] =	vst v9  }
0x8f: {  	s7 =	simm.s32 $0x0;
	s28 =	simm.s32 $0x4400;
	s8 =	rddreg [dreg:$0x6]  }
0x90: {  	[hbm4b:s8+s7] =	stream.linear.scatter [tilespmem:s28], [sflag:$0x9], $0x4000, $0x38;
	[tilespmem:$0x1C480] =	vst v63  }
0x91: {  	_ =	swait.ge [sflag:s18], $0x4000  }
0x92: {  	[sflag:s18] =	ssyncset.done $0x0  }
0x93: {  	s7 =	simm.s32 $0x0;
	[sflag:s18] =	ssyncadd.s32 $0xFFFFC000  }
0x94: {  	v8 =	vld [tilespmem:s7+$0x8470]  }
0x95: {  	v9 =	vld [tilespmem:s7+$0x8400]  }
0x96: {  	v10 =	vld [tilespmem:s7+$0x8410]  }
0x97: {  	v11 =	vld [tilespmem:s7+$0x8420]  }
0x98: {  	v12 =	vld [tilespmem:s7+$0x8430]  }
0x99: {  	v13 =	vld [tilespmem:s7+$0x8440];
	v8 =	vmul.f32 $1.131370830e+01, v8  }
0x9a: {  	v14 =	vld [tilespmem:s7+$0x8450];
	v9 =	vmul.f32 $1.131370830e+01, v9  }
0x9b: {  	s28 =	simm.s32 $0x80;
	v15 =	vld [tilespmem:s7+$0x8460];
	v10 =	vmul.f32 $1.131370830e+01, v10;
	v8 =	vadd.f32 v8, v7  }
0x9c: {  	v16 =	vld [tilespmem:s28+$0x8470];
	v11 =	vmul.f32 $1.131370830e+01, v11;
	v9 =	vadd.f32 v9, v6  }
0x9d: {  	v17 =	vld [tilespmem:s28+$0x8400];
	v12 =	vmul.f32 $1.131370830e+01, v12;
	v10 =	vadd.f32 v10, v5;
	[tilespmem:s7+$0x8470] =	vst v8  }
0x9e: {  	v18 =	vld [tilespmem:s28+$0x8410];
	v13 =	vmul.f32 $1.131370830e+01, v13;
	[tilespmem:s7+$0x8400] =	vst v9;
	v8 =	vadd.f32 v11, v4  }
0x9f: {  	v11 =	vld [tilespmem:s28+$0x8420];
	[tilespmem:s7+$0x8410] =	vst v10;
	v10 =	vadd.f32 v12, v3;
	v12 =	vmul.f32 $1.131370830e+01, v14  }
0xa0: {  	v15 =	vmul.f32 $1.131370830e+01, v15;
	v9 =	vld [tilespmem:s28+$0x8430];
	v14 =	vadd.f32 v13, v2;
	[tilespmem:s7+$0x8420] =	vst v8  }
0xa1: {  	v16 =	vmul.f32 $1.131370830e+01, v16;
	v8 =	vld [tilespmem:s28+$0x8440];
	[tilespmem:s7+$0x8430] =	vst v10;
	v19 =	vadd.f32 v12, v1  }
0xa2: {  	v13 =	vmul.f32 $1.131370830e+01, v17;
	v10 =	vld [tilespmem:s28+$0x8450];
	[tilespmem:s7+$0x8440] =	vst v14;
	v14 =	vadd.f32 v15, v0  }
0xa3: {  	s30 =	simm.s32 $0x600;
	s8 =	simm.s32 $0x100;
	v16 =	vadd.f32 v16, v7;
	v15 =	vmul.f32 $1.131370830e+01, v18;
	v12 =	vld [tilespmem:s28+$0x8460];
	[tilespmem:s7+$0x8450] =	vst v19  }
.LBB2_6:
0xa4: {  	p0 =	sne.s32 s30, $0xFE00;
	v17 =	vld [tilespmem:s8+$0x8470];
	v13 =	vadd.f32 v13, v6;
	v11 =	vmul.f32 $1.131370830e+01, v11;
	[tilespmem:s7+$0x8460] =	vst v14;
	s7 =	smov.u32 s28;
	s28 =	smov.u32 s8  }
0xa5: {  	v14 =	vld [tilespmem:s28+$0x8400];
	v15 =	vadd.f32 v15, v5;
	v9 =	vmul.f32 $1.131370830e+01, v9;
	[tilespmem:s7+$0x8470] =	vst v16  }
0xa6: {  	v16 =	vld [tilespmem:s28+$0x8410];
	[tilespmem:s7+$0x8400] =	vst v13;
	v13 =	vadd.f32 v11, v4;
	v8 =	vmul.f32 $1.131370830e+01, v8  }
.Ltmp2:
0xa7: {  	v11 =	vld [tilespmem:s28+$0x8420];
	[tilespmem:s7+$0x8410] =	vst v15;
	v15 =	vadd.f32 v9, v3;
	v10 =	vmul.f32 $1.131370830e+01, v10;
	(pc) =	sbr.rel @p0 .LBB2_6-.Ltmp2, $4  }
0xa8: {  	v9 =	vld [tilespmem:s28+$0x8430];
	[tilespmem:s7+$0x8420] =	vst v13;
	v18 =	vadd.f32 v8, v2;
	v12 =	vmul.f32 $1.131370830e+01, v12  }
0xa9: {  	v8 =	vld [tilespmem:s28+$0x8440];
	v17 =	vmul.f32 $1.131370830e+01, v17;
	[tilespmem:s7+$0x8430] =	vst v15;
	v19 =	vadd.f32 v10, v1  }
0xaa: {  	v13 =	vmul.f32 $1.131370830e+01, v14;
	v10 =	vld [tilespmem:s28+$0x8450];
	[tilespmem:s7+$0x8440] =	vst v18;
	v14 =	vadd.f32 v12, v0  }
0xab: {  	s8 =	sshra.s32 s30, $0x2;
	s30 =	sadd.s32 $0x200, s30;
	v15 =	vmul.f32 $1.131370830e+01, v16;
	v12 =	vld [tilespmem:s28+$0x8460];
	v16 =	vadd.f32 v17, v7;
	[tilespmem:s7+$0x8450] =	vst v19  }
0xac: {  	v17 =	vld [tilespmem:s8+$0x8470];
	v13 =	vadd.f32 v13, v6;
	v11 =	vmul.f32 $1.131370830e+01, v11;
	[tilespmem:s7+$0x8460] =	vst v14  }
0xad: {  	v14 =	vld [tilespmem:s8+$0x8400];
	v15 =	vadd.f32 v15, v5;
	v9 =	vmul.f32 $1.131370830e+01, v9;
	[tilespmem:s28+$0x8470] =	vst v16  }
0xae: {  	v16 =	vld [tilespmem:s8+$0x8410];
	[tilespmem:s28+$0x8400] =	vst v13;
	v11 =	vadd.f32 v11, v4;
	v8 =	vmul.f32 $1.131370830e+01, v8  }
0xaf: {  	v13 =	vld [tilespmem:s8+$0x8420];
	[tilespmem:s28+$0x8410] =	vst v15;
	v9 =	vadd.f32 v9, v3;
	v10 =	vmul.f32 $1.131370830e+01, v10  }
0xb0: {  	v15 =	vld [tilespmem:s8+$0x8430];
	[tilespmem:s28+$0x8420] =	vst v11;
	v8 =	vadd.f32 v8, v2;
	v11 =	vmul.f32 $1.131370830e+01, v12  }
0xb1: {  	v12 =	vld [tilespmem:s8+$0x8440];
	v17 =	vmul.f32 $1.131370830e+01, v17;
	[tilespmem:s28+$0x8430] =	vst v9;
	v9 =	vadd.f32 v10, v1  }
0xb2: {  	v10 =	vmul.f32 $1.131370830e+01, v14;
	v14 =	vld [tilespmem:s8+$0x8450];
	[tilespmem:s28+$0x8440] =	vst v8;
	v8 =	vadd.f32 v11, v0  }
0xb3: {  	v11 =	vmul.f32 $1.131370830e+01, v16;
	v16 =	vld [tilespmem:s8+$0x8460];
	v17 =	vadd.f32 v17, v7;
	[tilespmem:s28+$0x8450] =	vst v9  }
0xb4: {  	v9 =	vadd.f32 v10, v6;
	v10 =	vmul.f32 $1.131370830e+01, v13;
	[tilespmem:s28+$0x8460] =	vst v8  }
0xb5: {  	v8 =	vadd.f32 v11, v5;
	v11 =	vmul.f32 $1.131370830e+01, v15;
	[tilespmem:s8+$0x8470] =	vst v17  }
0xb6: {  	[tilespmem:s8+$0x8400] =	vst v9;
	v9 =	vadd.f32 v10, v4;
	v10 =	vmul.f32 $1.131370830e+01, v12  }
0xb7: {  	[tilespmem:s8+$0x8410] =	vst v8;
	v8 =	vadd.f32 v11, v3;
	v11 =	vmul.f32 $1.131370830e+01, v14  }
0xb8: {  	[tilespmem:s8+$0x8420] =	vst v9;
	v9 =	vadd.f32 v10, v2;
	v10 =	vmul.f32 $1.131370830e+01, v16  }
0xb9: {  	[tilespmem:s8+$0x8430] =	vst v8;
	v8 =	vadd.f32 v11, v1  }
0xba: {  	[tilespmem:s8+$0x8440] =	vst v9;
	v9 =	vadd.f32 v10, v0  }
0xbb: {  	[tilespmem:s8+$0x8450] =	vst v8  }
0xbc: {  	[tilespmem:s8+$0x8460] =	vst v9  }
0xbd: {  	s7 =	simm.s32 $0x0;
	s28 =	simm.s32 $0x8400;
	s8 =	rddreg [dreg:$0x7]  }
0xbe: {  	[hbm4b:s8+s7] =	stream.linear.scatter [tilespmem:s28], [sflag:$0xA], $0x4000, $0x38;
	[tilespmem:$0x1C480] =	vst v63  }
0xbf: {  	_ =	swait.ge [sflag:s21], $0x4000  }
0xc0: {  	[sflag:s21] =	ssyncset.done $0x0  }
0xc1: {  	s7 =	simm.s32 $0x0;
	[sflag:s21] =	ssyncadd.s32 $0xFFFFC000  }
0xc2: {  	v8 =	vld [tilespmem:s7+$0xC470]  }
0xc3: {  	v9 =	vld [tilespmem:s7+$0xC400]  }
0xc4: {  	v10 =	vld [tilespmem:s7+$0xC410]  }
0xc5: {  	v11 =	vld [tilespmem:s7+$0xC420]  }
0xc6: {  	v12 =	vld [tilespmem:s7+$0xC430]  }
0xc7: {  	v13 =	vld [tilespmem:s7+$0xC440];
	v8 =	vmul.f32 $1.131370830e+01, v8  }
0xc8: {  	v14 =	vld [tilespmem:s7+$0xC450];
	v9 =	vmul.f32 $1.131370830e+01, v9  }
0xc9: {  	s28 =	simm.s32 $0x80;
	v15 =	vld [tilespmem:s7+$0xC460];
	v10 =	vmul.f32 $1.131370830e+01, v10;
	v8 =	vadd.f32 v8, v7  }
0xca: {  	v16 =	vld [tilespmem:s28+$0xC470];
	v11 =	vmul.f32 $1.131370830e+01, v11;
	v9 =	vadd.f32 v9, v6  }
0xcb: {  	v17 =	vld [tilespmem:s28+$0xC400];
	v12 =	vmul.f32 $1.131370830e+01, v12;
	v10 =	vadd.f32 v10, v5;
	[tilespmem:s7+$0xC470] =	vst v8  }
0xcc: {  	v18 =	vld [tilespmem:s28+$0xC410];
	v13 =	vmul.f32 $1.131370830e+01, v13;
	[tilespmem:s7+$0xC400] =	vst v9;
	v8 =	vadd.f32 v11, v4  }
0xcd: {  	v11 =	vld [tilespmem:s28+$0xC420];
	[tilespmem:s7+$0xC410] =	vst v10;
	v10 =	vadd.f32 v12, v3;
	v12 =	vmul.f32 $1.131370830e+01, v14  }
0xce: {  	v15 =	vmul.f32 $1.131370830e+01, v15;
	v9 =	vld [tilespmem:s28+$0xC430];
	v14 =	vadd.f32 v13, v2;
	[tilespmem:s7+$0xC420] =	vst v8  }
0xcf: {  	v16 =	vmul.f32 $1.131370830e+01, v16;
	v8 =	vld [tilespmem:s28+$0xC440];
	[tilespmem:s7+$0xC430] =	vst v10;
	v19 =	vadd.f32 v12, v1  }
0xd0: {  	v13 =	vmul.f32 $1.131370830e+01, v17;
	v10 =	vld [tilespmem:s28+$0xC450];
	[tilespmem:s7+$0xC440] =	vst v14;
	v14 =	vadd.f32 v15, v0  }
0xd1: {  	s30 =	simm.s32 $0x600;
	s8 =	simm.s32 $0x100;
	v16 =	vadd.f32 v16, v7;
	v15 =	vmul.f32 $1.131370830e+01, v18;
	v12 =	vld [tilespmem:s28+$0xC460];
	[tilespmem:s7+$0xC450] =	vst v19  }
.LBB2_8:
0xd2: {  	p0 =	sne.s32 s30, $0xFE00;
	v17 =	vld [tilespmem:s8+$0xC470];
	v13 =	vadd.f32 v13, v6;
	v11 =	vmul.f32 $1.131370830e+01, v11;
	[tilespmem:s7+$0xC460] =	vst v14;
	s7 =	smov.u32 s28;
	s28 =	smov.u32 s8  }
0xd3: {  	v14 =	vld [tilespmem:s28+$0xC400];
	v15 =	vadd.f32 v15, v5;
	v9 =	vmul.f32 $1.131370830e+01, v9;
	[tilespmem:s7+$0xC470] =	vst v16  }
0xd4: {  	v16 =	vld [tilespmem:s28+$0xC410];
	[tilespmem:s7+$0xC400] =	vst v13;
	v13 =	vadd.f32 v11, v4;
	v8 =	vmul.f32 $1.131370830e+01, v8  }
.Ltmp3:
0xd5: {  	v11 =	vld [tilespmem:s28+$0xC420];
	[tilespmem:s7+$0xC410] =	vst v15;
	v15 =	vadd.f32 v9, v3;
	v10 =	vmul.f32 $1.131370830e+01, v10;
	(pc) =	sbr.rel @p0 .LBB2_8-.Ltmp3, $4  }
0xd6: {  	v9 =	vld [tilespmem:s28+$0xC430];
	[tilespmem:s7+$0xC420] =	vst v13;
	v18 =	vadd.f32 v8, v2;
	v12 =	vmul.f32 $1.131370830e+01, v12  }
0xd7: {  	v8 =	vld [tilespmem:s28+$0xC440];
	v17 =	vmul.f32 $1.131370830e+01, v17;
	[tilespmem:s7+$0xC430] =	vst v15;
	v19 =	vadd.f32 v10, v1  }
0xd8: {  	v13 =	vmul.f32 $1.131370830e+01, v14;
	v10 =	vld [tilespmem:s28+$0xC450];
	[tilespmem:s7+$0xC440] =	vst v18;
	v14 =	vadd.f32 v12, v0  }
0xd9: {  	s8 =	sshra.s32 s30, $0x2;
	s30 =	sadd.s32 $0x200, s30;
	v15 =	vmul.f32 $1.131370830e+01, v16;
	v12 =	vld [tilespmem:s28+$0xC460];
	v16 =	vadd.f32 v17, v7;
	[tilespmem:s7+$0xC450] =	vst v19  }
0xda: {  	v17 =	vld [tilespmem:s8+$0xC470];
	v13 =	vadd.f32 v13, v6;
	v11 =	vmul.f32 $1.131370830e+01, v11;
	[tilespmem:s7+$0xC460] =	vst v14  }
0xdb: {  	v14 =	vld [tilespmem:s8+$0xC400];
	v15 =	vadd.f32 v15, v5;
	v9 =	vmul.f32 $1.131370830e+01, v9;
	[tilespmem:s28+$0xC470] =	vst v16  }
0xdc: {  	v16 =	vld [tilespmem:s8+$0xC410];
	[tilespmem:s28+$0xC400] =	vst v13;
	v11 =	vadd.f32 v11, v4;
	v8 =	vmul.f32 $1.131370830e+01, v8  }
0xdd: {  	v13 =	vld [tilespmem:s8+$0xC420];
	[tilespmem:s28+$0xC410] =	vst v15;
	v9 =	vadd.f32 v9, v3;
	v10 =	vmul.f32 $1.131370830e+01, v10  }
0xde: {  	v15 =	vld [tilespmem:s8+$0xC430];
	[tilespmem:s28+$0xC420] =	vst v11;
	v8 =	vadd.f32 v8, v2;
	v11 =	vmul.f32 $1.131370830e+01, v12  }
0xdf: {  	v12 =	vld [tilespmem:s8+$0xC440];
	v17 =	vmul.f32 $1.131370830e+01, v17;
	[tilespmem:s28+$0xC430] =	vst v9;
	v9 =	vadd.f32 v10, v1  }
0xe0: {  	v10 =	vmul.f32 $1.131370830e+01, v14;
	v14 =	vld [tilespmem:s8+$0xC450];
	[tilespmem:s28+$0xC440] =	vst v8;
	v8 =	vadd.f32 v11, v0  }
0xe1: {  	v11 =	vmul.f32 $1.131370830e+01, v16;
	v16 =	vld [tilespmem:s8+$0xC460];
	v17 =	vadd.f32 v17, v7;
	[tilespmem:s28+$0xC450] =	vst v9  }
0xe2: {  	v9 =	vadd.f32 v10, v6;
	v10 =	vmul.f32 $1.131370830e+01, v13;
	[tilespmem:s28+$0xC460] =	vst v8  }
0xe3: {  	v8 =	vadd.f32 v11, v5;
	v11 =	vmul.f32 $1.131370830e+01, v15;
	[tilespmem:s8+$0xC470] =	vst v17  }
0xe4: {  	[tilespmem:s8+$0xC400] =	vst v9;
	v9 =	vadd.f32 v10, v4;
	v10 =	vmul.f32 $1.131370830e+01, v12  }
0xe5: {  	[tilespmem:s8+$0xC410] =	vst v8;
	v8 =	vadd.f32 v11, v3;
	v11 =	vmul.f32 $1.131370830e+01, v14  }
0xe6: {  	[tilespmem:s8+$0xC420] =	vst v9;
	v9 =	vadd.f32 v10, v2;
	v10 =	vmul.f32 $1.131370830e+01, v16  }
0xe7: {  	[tilespmem:s8+$0xC430] =	vst v8;
	v8 =	vadd.f32 v11, v1  }
0xe8: {  	[tilespmem:s8+$0xC440] =	vst v9;
	v9 =	vadd.f32 v10, v0  }
0xe9: {  	[tilespmem:s8+$0xC450] =	vst v8  }
0xea: {  	s7 =	simm.s32 $0x0;
	[tilespmem:s8+$0xC460] =	vst v9;
	s8 =	simm.s32 $0xC400  }
0xeb: {  	[hbm4b:s9+s7] =	stream.linear.scatter [tilespmem:s8], [sflag:$0xB], $0x4000, $0x38;
	[tilespmem:$0x1C480] =	vst v63  }
0xec: {  	_ =	swait.ge [sflag:s23], $0x4000  }
0xed: {  	[sflag:s23] =	ssyncset.done $0x0  }
0xee: {  	s7 =	simm.s32 $0x0;
	[sflag:s23] =	ssyncadd.s32 $0xFFFFC000  }
0xef: {  	v8 =	vld [tilespmem:s7+$0x10470]  }
0xf0: {  	v9 =	vld [tilespmem:s7+$0x10400]  }
0xf1: {  	v10 =	vld [tilespmem:s7+$0x10410]  }
0xf2: {  	v11 =	vld [tilespmem:s7+$0x10420]  }
0xf3: {  	v12 =	vld [tilespmem:s7+$0x10430]  }
0xf4: {  	v13 =	vld [tilespmem:s7+$0x10440];
	v8 =	vmul.f32 $1.131370830e+01, v8  }
0xf5: {  	v14 =	vld [tilespmem:s7+$0x10450];
	v9 =	vmul.f32 $1.131370830e+01, v9  }
0xf6: {  	s28 =	simm.s32 $0x80;
	v15 =	vld [tilespmem:s7+$0x10460];
	v10 =	vmul.f32 $1.131370830e+01, v10;
	v8 =	vadd.f32 v8, v7  }
0xf7: {  	v16 =	vld [tilespmem:s28+$0x10470];
	v11 =	vmul.f32 $1.131370830e+01, v11;
	v9 =	vadd.f32 v9, v6  }
0xf8: {  	v17 =	vld [tilespmem:s28+$0x10400];
	v12 =	vmul.f32 $1.131370830e+01, v12;
	v10 =	vadd.f32 v10, v5;
	[tilespmem:s7+$0x10470] =	vst v8  }
0xf9: {  	v18 =	vld [tilespmem:s28+$0x10410];
	v13 =	vmul.f32 $1.131370830e+01, v13;
	[tilespmem:s7+$0x10400] =	vst v9;
	v8 =	vadd.f32 v11, v4  }
0xfa: {  	v11 =	vld [tilespmem:s28+$0x10420];
	[tilespmem:s7+$0x10410] =	vst v10;
	v10 =	vadd.f32 v12, v3;
	v12 =	vmul.f32 $1.131370830e+01, v14  }
0xfb: {  	v15 =	vmul.f32 $1.131370830e+01, v15;
	v9 =	vld [tilespmem:s28+$0x10430];
	v14 =	vadd.f32 v13, v2;
	[tilespmem:s7+$0x10420] =	vst v8  }
0xfc: {  	v16 =	vmul.f32 $1.131370830e+01, v16;
	v8 =	vld [tilespmem:s28+$0x10440];
	[tilespmem:s7+$0x10430] =	vst v10;
	v19 =	vadd.f32 v12, v1  }
0xfd: {  	v13 =	vmul.f32 $1.131370830e+01, v17;
	v10 =	vld [tilespmem:s28+$0x10450];
	[tilespmem:s7+$0x10440] =	vst v14;
	v14 =	vadd.f32 v15, v0  }
0xfe: {  	s30 =	simm.s32 $0x600;
	s8 =	simm.s32 $0x100;
	v16 =	vadd.f32 v16, v7;
	v15 =	vmul.f32 $1.131370830e+01, v18;
	v12 =	vld [tilespmem:s28+$0x10460];
	[tilespmem:s7+$0x10450] =	vst v19  }
.LBB2_10:
0xff: {  	p0 =	sne.s32 s30, $0xFE00;
	v17 =	vld [tilespmem:s8+$0x10470];
	v13 =	vadd.f32 v13, v6;
	v11 =	vmul.f32 $1.131370830e+01, v11;
	[tilespmem:s7+$0x10460] =	vst v14;
	s7 =	smov.u32 s28;
	s28 =	smov.u32 s8  }
0x100: {  	v14 =	vld [tilespmem:s28+$0x10400];
	v15 =	vadd.f32 v15, v5;
	v9 =	vmul.f32 $1.131370830e+01, v9;
	[tilespmem:s7+$0x10470] =	vst v16  }
0x101: {  	v16 =	vld [tilespmem:s28+$0x10410];
	[tilespmem:s7+$0x10400] =	vst v13;
	v13 =	vadd.f32 v11, v4;
	v8 =	vmul.f32 $1.131370830e+01, v8  }
.Ltmp4:
0x102: {  	v11 =	vld [tilespmem:s28+$0x10420];
	[tilespmem:s7+$0x10410] =	vst v15;
	v15 =	vadd.f32 v9, v3;
	v10 =	vmul.f32 $1.131370830e+01, v10;
	(pc) =	sbr.rel @p0 .LBB2_10-.Ltmp4, $4  }
0x103: {  	v9 =	vld [tilespmem:s28+$0x10430];
	[tilespmem:s7+$0x10420] =	vst v13;
	v18 =	vadd.f32 v8, v2;
	v12 =	vmul.f32 $1.131370830e+01, v12  }
0x104: {  	v8 =	vld [tilespmem:s28+$0x10440];
	v17 =	vmul.f32 $1.131370830e+01, v17;
	[tilespmem:s7+$0x10430] =	vst v15;
	v19 =	vadd.f32 v10, v1  }
0x105: {  	v13 =	vmul.f32 $1.131370830e+01, v14;
	v10 =	vld [tilespmem:s28+$0x10450];
	[tilespmem:s7+$0x10440] =	vst v18;
	v14 =	vadd.f32 v12, v0  }
0x106: {  	s8 =	sshra.s32 s30, $0x2;
	s30 =	sadd.s32 $0x200, s30;
	v15 =	vmul.f32 $1.131370830e+01, v16;
	v12 =	vld [tilespmem:s28+$0x10460];
	v16 =	vadd.f32 v17, v7;
	[tilespmem:s7+$0x10450] =	vst v19  }
0x107: {  	v17 =	vld [tilespmem:s8+$0x10470];
	v13 =	vadd.f32 v13, v6;
	v11 =	vmul.f32 $1.131370830e+01, v11;
	[tilespmem:s7+$0x10460] =	vst v14  }
0x108: {  	v14 =	vld [tilespmem:s8+$0x10400];
	v15 =	vadd.f32 v15, v5;
	v9 =	vmul.f32 $1.131370830e+01, v9;
	[tilespmem:s28+$0x10470] =	vst v16  }
0x109: {  	v16 =	vld [tilespmem:s8+$0x10410];
	[tilespmem:s28+$0x10400] =	vst v13;
	v11 =	vadd.f32 v11, v4;
	v8 =	vmul.f32 $1.131370830e+01, v8  }
0x10a: {  	v13 =	vld [tilespmem:s8+$0x10420];
	[tilespmem:s28+$0x10410] =	vst v15;
	v9 =	vadd.f32 v9, v3;
	v10 =	vmul.f32 $1.131370830e+01, v10  }
0x10b: {  	v15 =	vld [tilespmem:s8+$0x10430];
	[tilespmem:s28+$0x10420] =	vst v11;
	v8 =	vadd.f32 v8, v2;
	v11 =	vmul.f32 $1.131370830e+01, v12  }
0x10c: {  	v12 =	vld [tilespmem:s8+$0x10440];
	v17 =	vmul.f32 $1.131370830e+01, v17;
	[tilespmem:s28+$0x10430] =	vst v9;
	v9 =	vadd.f32 v10, v1  }
0x10d: {  	v10 =	vmul.f32 $1.131370830e+01, v14;
	v14 =	vld [tilespmem:s8+$0x10450];
	[tilespmem:s28+$0x10440] =	vst v8;
	v8 =	vadd.f32 v11, v0  }
0x10e: {  	v11 =	vmul.f32 $1.131370830e+01, v16;
	v16 =	vld [tilespmem:s8+$0x10460];
	v17 =	vadd.f32 v17, v7;
	[tilespmem:s28+$0x10450] =	vst v9  }
0x10f: {  	v9 =	vadd.f32 v10, v6;
	v10 =	vmul.f32 $1.131370830e+01, v13;
	[tilespmem:s28+$0x10460] =	vst v8  }
0x110: {  	v8 =	vadd.f32 v11, v5;
	v11 =	vmul.f32 $1.131370830e+01, v15;
	[tilespmem:s8+$0x10470] =	vst v17  }
0x111: {  	[tilespmem:s8+$0x10400] =	vst v9;
	v9 =	vadd.f32 v10, v4;
	v10 =	vmul.f32 $1.131370830e+01, v12  }
0x112: {  	[tilespmem:s8+$0x10410] =	vst v8;
	v8 =	vadd.f32 v11, v3;
	v11 =	vmul.f32 $1.131370830e+01, v14  }
0x113: {  	[tilespmem:s8+$0x10420] =	vst v9;
	v9 =	vadd.f32 v10, v2;
	v10 =	vmul.f32 $1.131370830e+01, v16  }
0x114: {  	[tilespmem:s8+$0x10430] =	vst v8;
	v8 =	vadd.f32 v11, v1  }
0x115: {  	[tilespmem:s8+$0x10440] =	vst v9;
	v9 =	vadd.f32 v10, v0  }
0x116: {  	[tilespmem:s8+$0x10450] =	vst v8  }
0x117: {  	s7 =	simm.s32 $0x0;
	[tilespmem:s8+$0x10460] =	vst v9;
	s8 =	simm.s32 $0x10400  }
0x118: {  	[hbm4b:s10+s7] =	stream.linear.scatter [tilespmem:s8], [sflag:$0xC], $0x4000, $0x38;
	[tilespmem:$0x1C480] =	vst v63  }
0x119: {  	_ =	swait.ge [sflag:s26], $0x4000  }
0x11a: {  	[sflag:s26] =	ssyncset.done $0x0  }
0x11b: {  	s7 =	simm.s32 $0x0;
	[sflag:s26] =	ssyncadd.s32 $0xFFFFC000  }
0x11c: {  	v8 =	vld [tilespmem:s7+$0x14470]  }
0x11d: {  	v9 =	vld [tilespmem:s7+$0x14400]  }
0x11e: {  	v10 =	vld [tilespmem:s7+$0x14410]  }
0x11f: {  	v11 =	vld [tilespmem:s7+$0x14420]  }
0x120: {  	v12 =	vld [tilespmem:s7+$0x14430]  }
0x121: {  	v13 =	vld [tilespmem:s7+$0x14440];
	v8 =	vmul.f32 $1.131370830e+01, v8  }
0x122: {  	v14 =	vld [tilespmem:s7+$0x14450];
	v9 =	vmul.f32 $1.131370830e+01, v9  }
0x123: {  	s28 =	simm.s32 $0x80;
	v15 =	vld [tilespmem:s7+$0x14460];
	v10 =	vmul.f32 $1.131370830e+01, v10;
	v8 =	vadd.f32 v8, v7  }
0x124: {  	v16 =	vld [tilespmem:s28+$0x14470];
	v11 =	vmul.f32 $1.131370830e+01, v11;
	v9 =	vadd.f32 v9, v6  }
0x125: {  	v17 =	vld [tilespmem:s28+$0x14400];
	v12 =	vmul.f32 $1.131370830e+01, v12;
	v10 =	vadd.f32 v10, v5;
	[tilespmem:s7+$0x14470] =	vst v8  }
0x126: {  	v18 =	vld [tilespmem:s28+$0x14410];
	v13 =	vmul.f32 $1.131370830e+01, v13;
	[tilespmem:s7+$0x14400] =	vst v9;
	v8 =	vadd.f32 v11, v4  }
0x127: {  	v11 =	vld [tilespmem:s28+$0x14420];
	[tilespmem:s7+$0x14410] =	vst v10;
	v10 =	vadd.f32 v12, v3;
	v12 =	vmul.f32 $1.131370830e+01, v14  }
0x128: {  	v15 =	vmul.f32 $1.131370830e+01, v15;
	v9 =	vld [tilespmem:s28+$0x14430];
	v14 =	vadd.f32 v13, v2;
	[tilespmem:s7+$0x14420] =	vst v8  }
0x129: {  	v16 =	vmul.f32 $1.131370830e+01, v16;
	v8 =	vld [tilespmem:s28+$0x14440];
	[tilespmem:s7+$0x14430] =	vst v10;
	v19 =	vadd.f32 v12, v1  }
0x12a: {  	v13 =	vmul.f32 $1.131370830e+01, v17;
	v10 =	vld [tilespmem:s28+$0x14450];
	[tilespmem:s7+$0x14440] =	vst v14;
	v14 =	vadd.f32 v15, v0  }
0x12b: {  	s30 =	simm.s32 $0x600;
	s8 =	simm.s32 $0x100;
	v16 =	vadd.f32 v16, v7;
	v15 =	vmul.f32 $1.131370830e+01, v18;
	v12 =	vld [tilespmem:s28+$0x14460];
	[tilespmem:s7+$0x14450] =	vst v19  }
.LBB2_12:
0x12c: {  	p0 =	sne.s32 s30, $0xFE00;
	v17 =	vld [tilespmem:s8+$0x14470];
	v13 =	vadd.f32 v13, v6;
	v11 =	vmul.f32 $1.131370830e+01, v11;
	[tilespmem:s7+$0x14460] =	vst v14;
	s7 =	smov.u32 s28;
	s28 =	smov.u32 s8  }
0x12d: {  	v14 =	vld [tilespmem:s28+$0x14400];
	v15 =	vadd.f32 v15, v5;
	v9 =	vmul.f32 $1.131370830e+01, v9;
	[tilespmem:s7+$0x14470] =	vst v16  }
0x12e: {  	v16 =	vld [tilespmem:s28+$0x14410];
	[tilespmem:s7+$0x14400] =	vst v13;
	v13 =	vadd.f32 v11, v4;
	v8 =	vmul.f32 $1.131370830e+01, v8  }
.Ltmp5:
0x12f: {  	v11 =	vld [tilespmem:s28+$0x14420];
	[tilespmem:s7+$0x14410] =	vst v15;
	v15 =	vadd.f32 v9, v3;
	v10 =	vmul.f32 $1.131370830e+01, v10;
	(pc) =	sbr.rel @p0 .LBB2_12-.Ltmp5, $4  }
0x130: {  	v9 =	vld [tilespmem:s28+$0x14430];
	[tilespmem:s7+$0x14420] =	vst v13;
	v18 =	vadd.f32 v8, v2;
	v12 =	vmul.f32 $1.131370830e+01, v12  }
0x131: {  	v8 =	vld [tilespmem:s28+$0x14440];
	v17 =	vmul.f32 $1.131370830e+01, v17;
	[tilespmem:s7+$0x14430] =	vst v15;
	v19 =	vadd.f32 v10, v1  }
0x132: {  	v13 =	vmul.f32 $1.131370830e+01, v14;
	v10 =	vld [tilespmem:s28+$0x14450];
	[tilespmem:s7+$0x14440] =	vst v18;
	v14 =	vadd.f32 v12, v0  }
0x133: {  	s8 =	sshra.s32 s30, $0x2;
	s30 =	sadd.s32 $0x200, s30;
	v15 =	vmul.f32 $1.131370830e+01, v16;
	v12 =	vld [tilespmem:s28+$0x14460];
	v16 =	vadd.f32 v17, v7;
	[tilespmem:s7+$0x14450] =	vst v19  }
0x134: {  	v17 =	vld [tilespmem:s8+$0x14470];
	v13 =	vadd.f32 v13, v6;
	v11 =	vmul.f32 $1.131370830e+01, v11;
	[tilespmem:s7+$0x14460] =	vst v14  }
0x135: {  	v14 =	vld [tilespmem:s8+$0x14400];
	v15 =	vadd.f32 v15, v5;
	v9 =	vmul.f32 $1.131370830e+01, v9;
	[tilespmem:s28+$0x14470] =	vst v16  }
0x136: {  	v16 =	vld [tilespmem:s8+$0x14410];
	[tilespmem:s28+$0x14400] =	vst v13;
	v11 =	vadd.f32 v11, v4;
	v8 =	vmul.f32 $1.131370830e+01, v8  }
0x137: {  	v13 =	vld [tilespmem:s8+$0x14420];
	[tilespmem:s28+$0x14410] =	vst v15;
	v9 =	vadd.f32 v9, v3;
	v10 =	vmul.f32 $1.131370830e+01, v10  }
0x138: {  	v15 =	vld [tilespmem:s8+$0x14430];
	[tilespmem:s28+$0x14420] =	vst v11;
	v8 =	vadd.f32 v8, v2;
	v11 =	vmul.f32 $1.131370830e+01, v12  }
0x139: {  	v12 =	vld [tilespmem:s8+$0x14440];
	v17 =	vmul.f32 $1.131370830e+01, v17;
	[tilespmem:s28+$0x14430] =	vst v9;
	v9 =	vadd.f32 v10, v1  }
0x13a: {  	v10 =	vmul.f32 $1.131370830e+01, v14;
	v14 =	vld [tilespmem:s8+$0x14450];
	[tilespmem:s28+$0x14440] =	vst v8;
	v8 =	vadd.f32 v11, v0  }
0x13b: {  	v11 =	vmul.f32 $1.131370830e+01, v16;
	v16 =	vld [tilespmem:s8+$0x14460];
	v17 =	vadd.f32 v17, v7;
	[tilespmem:s28+$0x14450] =	vst v9  }
0x13c: {  	v9 =	vadd.f32 v10, v6;
	v10 =	vmul.f32 $1.131370830e+01, v13;
	[tilespmem:s28+$0x14460] =	vst v8  }
0x13d: {  	v8 =	vadd.f32 v11, v5;
	v11 =	vmul.f32 $1.131370830e+01, v15;
	[tilespmem:s8+$0x14470] =	vst v17  }
0x13e: {  	[tilespmem:s8+$0x14400] =	vst v9;
	v9 =	vadd.f32 v10, v4;
	v10 =	vmul.f32 $1.131370830e+01, v12  }
0x13f: {  	[tilespmem:s8+$0x14410] =	vst v8;
	v8 =	vadd.f32 v11, v3;
	v11 =	vmul.f32 $1.131370830e+01, v14  }
0x140: {  	[tilespmem:s8+$0x14420] =	vst v9;
	v9 =	vadd.f32 v10, v2;
	v10 =	vmul.f32 $1.131370830e+01, v16  }
0x141: {  	[tilespmem:s8+$0x14430] =	vst v8;
	v8 =	vadd.f32 v11, v1  }
0x142: {  	[tilespmem:s8+$0x14440] =	vst v9;
	v9 =	vadd.f32 v10, v0  }
0x143: {  	[tilespmem:s8+$0x14450] =	vst v8  }
0x144: {  	s7 =	simm.s32 $0x0;
	[tilespmem:s8+$0x14460] =	vst v9;
	s8 =	simm.s32 $0x14400  }
0x145: {  	[hbm4b:s11+s7] =	stream.linear.scatter [tilespmem:s8], [sflag:$0xD], $0x4000, $0x38;
	[tilespmem:$0x1C480] =	vst v63  }
0x146: {  	_ =	swait.ge [sflag:s29], $0x4000  }
0x147: {  	[sflag:s29] =	ssyncset.done $0x0  }
0x148: {  	s7 =	simm.s32 $0x0;
	[sflag:s29] =	ssyncadd.s32 $0xFFFFC000  }
0x149: {  	v8 =	vld [tilespmem:s7+$0x18470]  }
0x14a: {  	v9 =	vld [tilespmem:s7+$0x18400]  }
0x14b: {  	v10 =	vld [tilespmem:s7+$0x18410]  }
0x14c: {  	v11 =	vld [tilespmem:s7+$0x18420]  }
0x14d: {  	v12 =	vld [tilespmem:s7+$0x18430]  }
0x14e: {  	v13 =	vld [tilespmem:s7+$0x18440];
	v8 =	vmul.f32 $1.131370830e+01, v8  }
0x14f: {  	v14 =	vld [tilespmem:s7+$0x18450];
	v9 =	vmul.f32 $1.131370830e+01, v9  }
0x150: {  	s28 =	simm.s32 $0x80;
	v15 =	vld [tilespmem:s7+$0x18460];
	v10 =	vmul.f32 $1.131370830e+01, v10;
	v8 =	vadd.f32 v8, v7  }
0x151: {  	v16 =	vld [tilespmem:s28+$0x18470];
	v11 =	vmul.f32 $1.131370830e+01, v11;
	v9 =	vadd.f32 v9, v6  }
0x152: {  	v17 =	vld [tilespmem:s28+$0x18400];
	v12 =	vmul.f32 $1.131370830e+01, v12;
	v10 =	vadd.f32 v10, v5;
	[tilespmem:s7+$0x18470] =	vst v8  }
0x153: {  	v18 =	vld [tilespmem:s28+$0x18410];
	v13 =	vmul.f32 $1.131370830e+01, v13;
	[tilespmem:s7+$0x18400] =	vst v9;
	v8 =	vadd.f32 v11, v4  }
0x154: {  	v11 =	vld [tilespmem:s28+$0x18420];
	[tilespmem:s7+$0x18410] =	vst v10;
	v10 =	vadd.f32 v12, v3;
	v12 =	vmul.f32 $1.131370830e+01, v14  }
0x155: {  	v15 =	vmul.f32 $1.131370830e+01, v15;
	v9 =	vld [tilespmem:s28+$0x18430];
	v14 =	vadd.f32 v13, v2;
	[tilespmem:s7+$0x18420] =	vst v8  }
0x156: {  	v16 =	vmul.f32 $1.131370830e+01, v16;
	v8 =	vld [tilespmem:s28+$0x18440];
	[tilespmem:s7+$0x18430] =	vst v10;
	v19 =	vadd.f32 v12, v1  }
0x157: {  	v13 =	vmul.f32 $1.131370830e+01, v17;
	v10 =	vld [tilespmem:s28+$0x18450];
	[tilespmem:s7+$0x18440] =	vst v14;
	v14 =	vadd.f32 v15, v0  }
0x158: {  	s30 =	simm.s32 $0x600;
	s8 =	simm.s32 $0x100;
	v16 =	vadd.f32 v16, v7;
	v15 =	vmul.f32 $1.131370830e+01, v18;
	v12 =	vld [tilespmem:s28+$0x18460];
	[tilespmem:s7+$0x18450] =	vst v19  }
.LBB2_14:
0x159: {  	p0 =	sne.s32 s30, $0xFE00;
	v17 =	vld [tilespmem:s8+$0x18470];
	v13 =	vadd.f32 v13, v6;
	v11 =	vmul.f32 $1.131370830e+01, v11;
	[tilespmem:s7+$0x18460] =	vst v14;
	s7 =	smov.u32 s28;
	s28 =	smov.u32 s8  }
0x15a: {  	v14 =	vld [tilespmem:s28+$0x18400];
	v15 =	vadd.f32 v15, v5;
	v9 =	vmul.f32 $1.131370830e+01, v9;
	[tilespmem:s7+$0x18470] =	vst v16  }
0x15b: {  	v16 =	vld [tilespmem:s28+$0x18410];
	[tilespmem:s7+$0x18400] =	vst v13;
	v13 =	vadd.f32 v11, v4;
	v8 =	vmul.f32 $1.131370830e+01, v8  }
.Ltmp6:
0x15c: {  	v11 =	vld [tilespmem:s28+$0x18420];
	[tilespmem:s7+$0x18410] =	vst v15;
	v15 =	vadd.f32 v9, v3;
	v10 =	vmul.f32 $1.131370830e+01, v10;
	(pc) =	sbr.rel @p0 .LBB2_14-.Ltmp6, $4  }
0x15d: {  	v9 =	vld [tilespmem:s28+$0x18430];
	[tilespmem:s7+$0x18420] =	vst v13;
	v18 =	vadd.f32 v8, v2;
	v12 =	vmul.f32 $1.131370830e+01, v12  }
0x15e: {  	v8 =	vld [tilespmem:s28+$0x18440];
	v17 =	vmul.f32 $1.131370830e+01, v17;
	[tilespmem:s7+$0x18430] =	vst v15;
	v19 =	vadd.f32 v10, v1  }
0x15f: {  	v13 =	vmul.f32 $1.131370830e+01, v14;
	v10 =	vld [tilespmem:s28+$0x18450];
	[tilespmem:s7+$0x18440] =	vst v18;
	v14 =	vadd.f32 v12, v0  }
0x160: {  	s8 =	sshra.s32 s30, $0x2;
	s30 =	sadd.s32 $0x200, s30;
	v15 =	vmul.f32 $1.131370830e+01, v16;
	v12 =	vld [tilespmem:s28+$0x18460];
	v16 =	vadd.f32 v17, v7;
	[tilespmem:s7+$0x18450] =	vst v19  }
0x161: {  	v17 =	vld [tilespmem:s8+$0x18470];
	v13 =	vadd.f32 v13, v6;
	v11 =	vmul.f32 $1.131370830e+01, v11;
	[tilespmem:s7+$0x18460] =	vst v14  }
0x162: {  	v14 =	vld [tilespmem:s8+$0x18400];
	v15 =	vadd.f32 v15, v5;
	v9 =	vmul.f32 $1.131370830e+01, v9;
	[tilespmem:s28+$0x18470] =	vst v16  }
0x163: {  	v16 =	vld [tilespmem:s8+$0x18410];
	[tilespmem:s28+$0x18400] =	vst v13;
	v11 =	vadd.f32 v11, v4;
	v8 =	vmul.f32 $1.131370830e+01, v8  }
0x164: {  	v13 =	vld [tilespmem:s8+$0x18420];
	[tilespmem:s28+$0x18410] =	vst v15;
	v9 =	vadd.f32 v9, v3;
	v10 =	vmul.f32 $1.131370830e+01, v10  }
0x165: {  	v15 =	vld [tilespmem:s8+$0x18430];
	[tilespmem:s28+$0x18420] =	vst v11;
	v8 =	vadd.f32 v8, v2;
	v11 =	vmul.f32 $1.131370830e+01, v12  }
0x166: {  	v12 =	vld [tilespmem:s8+$0x18440];
	v17 =	vmul.f32 $1.131370830e+01, v17;
	[tilespmem:s28+$0x18430] =	vst v9;
	v9 =	vadd.f32 v10, v1  }
0x167: {  	v10 =	vmul.f32 $1.131370830e+01, v14;
	v14 =	vld [tilespmem:s8+$0x18450];
	[tilespmem:s28+$0x18440] =	vst v8;
	v8 =	vadd.f32 v11, v0  }
0x168: {  	v11 =	vmul.f32 $1.131370830e+01, v16;
	v16 =	vld [tilespmem:s8+$0x18460];
	v17 =	vadd.f32 v17, v7;
	[tilespmem:s28+$0x18450] =	vst v9  }
0x169: {  	v9 =	vadd.f32 v10, v6;
	v10 =	vmul.f32 $1.131370830e+01, v13;
	[tilespmem:s28+$0x18460] =	vst v8  }
0x16a: {  	v8 =	vadd.f32 v11, v5;
	v11 =	vmul.f32 $1.131370830e+01, v15;
	[tilespmem:s8+$0x18470] =	vst v17  }
0x16b: {  	[tilespmem:s8+$0x18400] =	vst v9;
	v9 =	vadd.f32 v10, v4;
	v10 =	vmul.f32 $1.131370830e+01, v12  }
0x16c: {  	[tilespmem:s8+$0x18410] =	vst v8;
	v8 =	vadd.f32 v11, v3;
	v11 =	vmul.f32 $1.131370830e+01, v14  }
0x16d: {  	[tilespmem:s8+$0x18420] =	vst v9;
	v9 =	vadd.f32 v10, v2;
	v10 =	vmul.f32 $1.131370830e+01, v16  }
0x16e: {  	[tilespmem:s8+$0x18430] =	vst v8;
	v8 =	vadd.f32 v11, v1  }
0x16f: {  	[tilespmem:s8+$0x18440] =	vst v9;
	v9 =	vadd.f32 v10, v0  }
0x170: {  	[tilespmem:s8+$0x18450] =	vst v8  }
0x171: {  	s7 =	simm.s32 $0x0;
	[tilespmem:s8+$0x18460] =	vst v9;
	s8 =	simm.s32 $0x18400  }
0x172: {  	[hbm4b:s12+s7] =	stream.linear.scatter [tilespmem:s8], [sflag:$0xE], $0x4000, $0x38;
	[tilespmem:$0x1C480] =	vst v63  }
0x173: {  	_ =	swait.ge [sflag:s31], $0x4000  }
0x174: {  	[sflag:s31] =	ssyncset.done $0x0  }
0x175: {  	s7 =	simm.s32 $0x0;
	[sflag:s31] =	ssyncadd.s32 $0xFFFFC000  }
0x176: {  	v8 =	vld [tilespmem:s7+$0x470]  }
0x177: {  	v9 =	vld [tilespmem:s7+$0x400]  }
0x178: {  	v10 =	vld [tilespmem:s7+$0x410]  }
0x179: {  	v11 =	vld [tilespmem:s7+$0x420]  }
0x17a: {  	v12 =	vld [tilespmem:s7+$0x430]  }
0x17b: {  	v13 =	vld [tilespmem:s7+$0x440];
	v8 =	vmul.f32 $1.131370830e+01, v8  }
0x17c: {  	v14 =	vld [tilespmem:s7+$0x450];
	v9 =	vmul.f32 $1.131370830e+01, v9  }
0x17d: {  	s28 =	simm.s32 $0x80;
	v15 =	vld [tilespmem:s7+$0x460];
	v10 =	vmul.f32 $1.131370830e+01, v10;
	v8 =	vadd.f32 v8, v7  }
0x17e: {  	v16 =	vld [tilespmem:s28+$0x470];
	v11 =	vmul.f32 $1.131370830e+01, v11;
	v9 =	vadd.f32 v9, v6  }
0x17f: {  	v17 =	vld [tilespmem:s28+$0x400];
	v12 =	vmul.f32 $1.131370830e+01, v12;
	v10 =	vadd.f32 v10, v5;
	[tilespmem:s7+$0x470] =	vst v8  }
0x180: {  	v18 =	vld [tilespmem:s28+$0x410];
	v13 =	vmul.f32 $1.131370830e+01, v13;
	[tilespmem:s7+$0x400] =	vst v9;
	v8 =	vadd.f32 v11, v4  }
0x181: {  	v11 =	vld [tilespmem:s28+$0x420];
	[tilespmem:s7+$0x410] =	vst v10;
	v10 =	vadd.f32 v12, v3;
	v12 =	vmul.f32 $1.131370830e+01, v14  }
0x182: {  	v15 =	vmul.f32 $1.131370830e+01, v15;
	v9 =	vld [tilespmem:s28+$0x430];
	v14 =	vadd.f32 v13, v2;
	[tilespmem:s7+$0x420] =	vst v8  }
0x183: {  	v16 =	vmul.f32 $1.131370830e+01, v16;
	v8 =	vld [tilespmem:s28+$0x440];
	[tilespmem:s7+$0x430] =	vst v10;
	v19 =	vadd.f32 v12, v1  }
0x184: {  	v13 =	vmul.f32 $1.131370830e+01, v17;
	v10 =	vld [tilespmem:s28+$0x450];
	[tilespmem:s7+$0x440] =	vst v14;
	v14 =	vadd.f32 v15, v0  }
0x185: {  	s30 =	simm.s32 $0x600;
	s8 =	simm.s32 $0x100;
	v16 =	vadd.f32 v16, v7;
	v15 =	vmul.f32 $1.131370830e+01, v18;
	v12 =	vld [tilespmem:s28+$0x460];
	[tilespmem:s7+$0x450] =	vst v19  }
.LBB2_16:
0x186: {  	p0 =	sne.s32 s30, $0xFE00;
	v17 =	vld [tilespmem:s8+$0x470];
	v13 =	vadd.f32 v13, v6;
	v11 =	vmul.f32 $1.131370830e+01, v11;
	[tilespmem:s7+$0x460] =	vst v14;
	s7 =	smov.u32 s28;
	s28 =	smov.u32 s8  }
0x187: {  	v14 =	vld [tilespmem:s28+$0x400];
	v15 =	vadd.f32 v15, v5;
	v9 =	vmul.f32 $1.131370830e+01, v9;
	[tilespmem:s7+$0x470] =	vst v16  }
0x188: {  	v16 =	vld [tilespmem:s28+$0x410];
	[tilespmem:s7+$0x400] =	vst v13;
	v13 =	vadd.f32 v11, v4;
	v8 =	vmul.f32 $1.131370830e+01, v8  }
.Ltmp7:
0x189: {  	v11 =	vld [tilespmem:s28+$0x420];
	[tilespmem:s7+$0x410] =	vst v15;
	v15 =	vadd.f32 v9, v3;
	v10 =	vmul.f32 $1.131370830e+01, v10;
	(pc) =	sbr.rel @p0 .LBB2_16-.Ltmp7, $4  }
0x18a: {  	v9 =	vld [tilespmem:s28+$0x430];
	[tilespmem:s7+$0x420] =	vst v13;
	v18 =	vadd.f32 v8, v2;
	v12 =	vmul.f32 $1.131370830e+01, v12  }
0x18b: {  	v8 =	vld [tilespmem:s28+$0x440];
	v17 =	vmul.f32 $1.131370830e+01, v17;
	[tilespmem:s7+$0x430] =	vst v15;
	v19 =	vadd.f32 v10, v1  }
0x18c: {  	v13 =	vmul.f32 $1.131370830e+01, v14;
	v10 =	vld [tilespmem:s28+$0x450];
	[tilespmem:s7+$0x440] =	vst v18;
	v14 =	vadd.f32 v12, v0  }
0x18d: {  	s8 =	sshra.s32 s30, $0x2;
	s30 =	sadd.s32 $0x200, s30;
	v15 =	vmul.f32 $1.131370830e+01, v16;
	v12 =	vld [tilespmem:s28+$0x460];
	v16 =	vadd.f32 v17, v7;
	[tilespmem:s7+$0x450] =	vst v19  }
0x18e: {  	v17 =	vld [tilespmem:s8+$0x470];
	v13 =	vadd.f32 v13, v6;
	v11 =	vmul.f32 $1.131370830e+01, v11;
	[tilespmem:s7+$0x460] =	vst v14  }
0x18f: {  	v40 =	vld [tilespmem:s8+$0x400];
	v15 =	vadd.f32 v15, v5;
	v9 =	vmul.f32 $1.131370830e+01, v9;
	[tilespmem:s28+$0x470] =	vst v16  }
0x190: {  	v41 =	vld [tilespmem:s8+$0x410];
	[tilespmem:s28+$0x400] =	vst v13;
	v11 =	vadd.f32 v11, v4;
	v8 =	vmul.f32 $1.131370830e+01, v8  }
0x191: {  	v42 =	vld [tilespmem:s8+$0x420];
	[tilespmem:s28+$0x410] =	vst v15;
	v9 =	vadd.f32 v9, v3;
	v10 =	vmul.f32 $1.131370830e+01, v10  }
0x192: {  	v43 =	vld [tilespmem:s8+$0x430];
	[tilespmem:s28+$0x420] =	vst v11;
	v8 =	vadd.f32 v8, v2;
	v44 =	vmul.f32 $1.131370830e+01, v12  }
0x193: {  	v45 =	vld [tilespmem:s8+$0x440];
	v17 =	vmul.f32 $1.131370830e+01, v17;
	[tilespmem:s28+$0x430] =	vst v9;
	v46 =	vadd.f32 v10, v1  }
0x194: {  	v48 =	vld [tilespmem:s8+$0x450];
	v47 =	vmul.f32 $1.131370830e+01, v40;
	[tilespmem:s28+$0x440] =	vst v8;
	v49 =	vadd.f32 v44, v0  }
0x195: {  	v51 =	vld [tilespmem:s8+$0x460];
	v50 =	vmul.f32 $1.131370830e+01, v41;
	v7 =	vadd.f32 v17, v7;
	[tilespmem:s28+$0x450] =	vst v46  }
0x196: {  	v53 =	vmul.f32 $1.131370830e+01, v42;
	v52 =	vadd.f32 v47, v6;
	[tilespmem:s28+$0x460] =	vst v49  }
0x197: {  	v55 =	vmul.f32 $1.131370830e+01, v43;
	v54 =	vadd.f32 v50, v5;
	[tilespmem:s8+$0x470] =	vst v7  }
0x198: {  	v57 =	vmul.f32 $1.131370830e+01, v45;
	v56 =	vadd.f32 v53, v4;
	[tilespmem:s8+$0x400] =	vst v52  }
0x199: {  	v59 =	vmul.f32 $1.131370830e+01, v48;
	v58 =	vadd.f32 v55, v3;
	[tilespmem:s8+$0x410] =	vst v54  }
0x19a: {  	v61 =	vmul.f32 $1.131370830e+01, v51;
	v60 =	vadd.f32 v57, v2;
	[tilespmem:s8+$0x420] =	vst v56  }
0x19b: {  	v62 =	vadd.f32 v59, v1;
	[tilespmem:s8+$0x430] =	vst v58  }
0x19c: {  	v63 =	vadd.f32 v61, v0;
	[tilespmem:s8+$0x440] =	vst v60  }
0x19d: {  	[tilespmem:s8+$0x450] =	vst v62  }
0x19e: {  	[tilespmem:s8+$0x460] =	vst v63  }
0x19f: {  	[hbm4b:s13+s4] =	stream.linear.scatter [tilespmem:s19], [sflag:$0x8], $0x4000, $0x38;
	[tilespmem:$0x1C480] =	vst v63  }
0x1a0: {  	_ =	swait.ge [sflag:s3], $0x4000  }
0x1a1: {  	[sflag:s3] =	ssyncset.done $0x0  }
0x1a2: {  	[sflag:s3] =	ssyncadd.s32 $0xFFFFC000  }
0x1a3: {  	_ =	swait.ge [sflag:s16], $0x4000  }
0x1a4: {  	[sflag:s16] =	ssyncset.done $0x0  }
0x1a5: {  	[sflag:s16] =	ssyncadd.s32 $0xFFFFC000  }
0x1a6: {  	_ =	swait.ge [sflag:s20], $0x4000  }
0x1a7: {  	[sflag:s20] =	ssyncset.done $0x0  }
0x1a8: {  	[sflag:s20] =	ssyncadd.s32 $0xFFFFC000  }
0x1a9: {  	_ =	swait.ge [sflag:s22], $0x4000  }
0x1aa: {  	[sflag:s22] =	ssyncset.done $0x0  }
0x1ab: {  	[sflag:s22] =	ssyncadd.s32 $0xFFFFC000  }
0x1ac: {  	_ =	swait.ge [sflag:s24], $0x4000  }
0x1ad: {  	[sflag:s24] =	ssyncset.done $0x0  }
0x1ae: {  	s5 =	sadd.s32 $0x1, s5;
	[sflag:s24] =	ssyncadd.s32 $0xFFFFC000  }
0x1af: {  	p0 =	sne.s32 s5, s14;
	_ =	swait.ge [sflag:s25], $0x4000  }
.Ltmp8:
0x1b0: {  	[sflag:s25] =	ssyncset.done $0x0;
	(pc) =	sbr.rel @p0 .LBB2_1-.Ltmp8, $4  }
0x1b1: {  	[sflag:s25] =	ssyncadd.s32 $0xFFFFC000  }
0x1b2: {  	_ =	swait.ge [sflag:s0], $0x4000  }
0x1b3: {  	[sflag:s0] =	ssyncset.done $0x0  }
0x1b4: {  	[sflag:s0] =	ssyncadd.s32 $0xFFFFC000  }
0x1b5: {  	_ =	sfence.sel $0x180000  }
0x1b6: {  	[bflag:$0x0] =	sbarrier.arrive $0xFFFF  }
0x1b7: {  	_ =	strace $0x90000047  }
0x1b8: {  	s0 =	stileid.u32;
	[bflag:$0x2] =	sbarrier.arrive $0xFFFF  }
0x1b9: {  	p0 =	sne.s32 s0, $0x0;
	s0 =	rddreg [dreg:$0x4]  }
0x1ba: {  	s0 =	sadd.s32 @!p0 $0x100000, s0  }
0x1bb: {  	[sflag:s0] =	ssyncadd.tile.s32 @!p0 $0x1;
	_ =	shalt  }
.Lfunc_end2:
_tile_overlayer_lowered:
.L_overlay_start_2:
0x1bc: {  	(tag) =	ssettag $0x2  }
0x1bd: {  	s0 =	rddreg [dreg:$0x0];
	s2 =	stileid.u32  }
0x1be: {  	s1 =	rddreg [dreg:$0x1];
	p0 =	sne.s32 s2, $0x0  }
0x1bf: {  	s3 =	rddreg [dreg:$0x2];
	[bflag:$0x3] =	sbarrier.arrive $0xFFFF;
	s2 =	simm.s32 @!p0 $0x1C0F  }
0x1c0: {  	[timem:s3], [sflag:s2] =	dma.local @!p0 [hbm:s0], s1  }
0x1c1: {  	s0 =	simm.s32 @!p0 $0xF  }
0x1c2: {  	_ =	swait.ge @!p0 [sflag:s0], s1  }
0x1c3: {  	s1 =	ssub.s32 @!p0 $0x0, s1;
	[sflag:s0] =	ssyncset.done @!p0 $0x0  }
0x1c4: {  	[sflag:s0] =	ssyncadd.s32 @!p0 s1  }
0x1c5: {  	[bflag:$0x3] =	sbarrier.arrive $0xFFFF  }
0x1c6: {  	_ =	shalt  }

</sc_bundles>
